<compile_context>
chip_gen: v7x
topology: tpu7x:2x2x1
jax: 0.10.2.dev20260603
libtpu: 0.0.44.dev20260713+nightly
codegen_flags: <defaults>
</compile_context>

<pallas_src>
import functools

import jax
import jax.numpy as jnp
from jax.experimental import pallas as pl
from jax.experimental.pallas import tpu as pltpu
from jax.experimental.pallas import tpu_sc as plsc

F = 4096
V = 8192
N = 16384
NC, NS = 2, 16
NW = NC * NS
FPW = F // NW
FCR = 16

P_BLK = 512
F_BLK = 2048
NP = N // P_BLK
NF = F // F_BLK

R_LAB, R_LAC, R_LBC, R_RAB, R_RAC, R_RBC, R_RD, R_EBC, R_DG, R_D, R_M = range(11)



def _sc_face_setup(vxh, vyh, vzh, fah, fbh, fch, rhs, fcs,
                   vx, vy, vz, fa, fb, fc, s0, s1, s2, sfc):
    wid = jax.lax.axis_index("s") * NC + jax.lax.axis_index("c")
    base = wid * FPW
    pltpu.sync_copy(vxh, vx)
    pltpu.sync_copy(vyh, vy)
    pltpu.sync_copy(vzh, vz)
    pltpu.sync_copy(fah.at[pl.ds(base, FPW)], fa)
    pltpu.sync_copy(fbh.at[pl.ds(base, FPW)], fb)
    pltpu.sync_copy(fch.at[pl.ds(base, FPW)], fc)

    zero = jnp.zeros((16,), jnp.float32)
    one = jnp.ones((16,), jnp.float32)
    for j in range(FPW // 16):
        sl = pl.ds(j * 16, 16)
        ia = fa[sl]
        ib = fb[sl]
        ic = fc[sl]
        ax = plsc.load_gather(vx, [ia])
        ay = plsc.load_gather(vy, [ia])
        az = plsc.load_gather(vz, [ia])
        bx = plsc.load_gather(vx, [ib])
        by = plsc.load_gather(vy, [ib])
        bz = plsc.load_gather(vz, [ib])
        cx = plsc.load_gather(vx, [ic])
        cy = plsc.load_gather(vy, [ic])
        cz = plsc.load_gather(vz, [ic])
        abx, aby, abz = bx - ax, by - ay, bz - az
        acx, acy, acz = cx - ax, cy - ay, cz - az
        cbx, cby, cbz = cx - bx, cy - by, cz - bz
        nx = aby * acz - abz * acy
        ny = abz * acx - abx * acz
        nz = abx * acy - aby * acx
        kab_a = abx * ax + aby * ay + abz * az
        kac_a = acx * ax + acy * ay + acz * az
        na2 = ax * ax + ay * ay + az * az
        lab = abx * abx + aby * aby + abz * abz
        lac = acx * acx + acy * acy + acz * acz
        lbc = cbx * cbx + cby * cby + cbz * cbz
        m = abx * acx + aby * acy + abz * acz
        dd = nx * nx + ny * ny + nz * nz
        rab = one / jnp.where(lab == 0.0, one, lab)
        rac = one / jnp.where(lac == 0.0, one, lac)
        rbc = one / jnp.where(lbc == 0.0, one, lbc)
        rd = one / jnp.where(dd == 0.0, one, dd)
        dgate = jnp.where(dd > 1e-6 * (lab * lac), zero, jnp.full((16,), 1e30, jnp.float32))

        s0[0, sl] = abx
        s0[1, sl] = aby
        s0[2, sl] = abz
        s0[3, sl] = zero
        s0[4, sl] = -kab_a
        s1[0, sl] = acx
        s1[1, sl] = acy
        s1[2, sl] = acz
        s1[3, sl] = zero
        s1[4, sl] = -kac_a
        s2[0, sl] = -2.0 * ax
        s2[1, sl] = -2.0 * ay
        s2[2, sl] = -2.0 * az
        s2[3, sl] = one
        s2[4, sl] = na2
        for st in (s0, s1, s2):
            st[5, sl] = zero
            st[6, sl] = zero
            st[7, sl] = zero
        sfc[R_LAB, sl] = lab
        sfc[R_LAC, sl] = lac
        sfc[R_LBC, sl] = lbc
        sfc[R_RAB, sl] = rab
        sfc[R_RAC, sl] = rac
        sfc[R_RBC, sl] = rbc
        sfc[R_RD, sl] = rd
        sfc[R_EBC, sl] = lab - m
        sfc[R_DG, sl] = dgate
        sfc[R_D, sl] = dd
        sfc[R_M, sl] = m
        for r in range(11, FCR):
            sfc[r, sl] = zero

    grp = base // F_BLK
    off = base % F_BLK
    col = grp * (3 * F_BLK) + off
    pltpu.sync_copy(s0, rhs.at[:, pl.ds(col, FPW)])
    pltpu.sync_copy(s1, rhs.at[:, pl.ds(col + F_BLK, FPW)])
    pltpu.sync_copy(s2, rhs.at[:, pl.ds(col + 2 * F_BLK, FPW)])
    pltpu.sync_copy(sfc, fcs.at[:, pl.ds(base, FPW)])


@jax.jit
def _face_setup(vxh, vyh, vzh, fah, fbh, fch):
    kfn = pl.kernel(
        _sc_face_setup,
        out_type=(
            jax.ShapeDtypeStruct((8, 3 * F), jnp.float32),
            jax.ShapeDtypeStruct((FCR, F), jnp.float32),
        ),
        mesh=plsc.VectorSubcoreMesh(core_axis_name="c", subcore_axis_name="s"),
        scratch_types=[
            pltpu.VMEM((V,), jnp.float32),
            pltpu.VMEM((V,), jnp.float32),
            pltpu.VMEM((V,), jnp.float32),
            pltpu.VMEM((FPW,), jnp.int32),
            pltpu.VMEM((FPW,), jnp.int32),
            pltpu.VMEM((FPW,), jnp.int32),
            pltpu.VMEM((8, FPW), jnp.float32),
            pltpu.VMEM((8, FPW), jnp.float32),
            pltpu.VMEM((8, FPW), jnp.float32),
            pltpu.VMEM((FCR, FPW), jnp.float32),
        ],
        compiler_params=pltpu.CompilerParams(needs_layout_passes=False),
    )
    return kfn(vxh, vyh, vzh, fah, fbh, fch)


def _tc_dist(pts_ref, rhs_ref, fc_ref, loss_ref, acc_ref):
    i = pl.program_id(0)
    j = pl.program_id(1)

    pts = pts_ref[...]
    col = jax.lax.broadcasted_iota(jnp.int32, (P_BLK, 8), 1)
    sq = jnp.where(col < 3, pts * pts, 0.0)
    pp = jnp.sum(sq, axis=1, keepdims=True)
    pts_aug = jnp.where(col == 3, pp, pts)

    rhsf = rhs_ref[...]
    ah = pts_aug.astype(jnp.bfloat16)
    al = (pts_aug - ah.astype(jnp.float32)).astype(jnp.bfloat16)
    bh = rhsf.astype(jnp.bfloat16)
    bl = (rhsf - bh.astype(jnp.float32)).astype(jnp.bfloat16)
    dd = lambda x, y: jax.lax.dot_general(
        x, y, (((1,), (0,)), ((), ())), preferred_element_type=jnp.float32)
    g = dd(ah, bh) + dd(ah, bl) + dd(al, bh)
    d1 = g[:, 0:F_BLK]
    d2 = g[:, F_BLK:2 * F_BLK]
    ap2 = g[:, 2 * F_BLK:3 * F_BLK]

    row = lambda r: fc_ref[r:r + 1, :]
    lab = row(R_LAB)
    lac = row(R_LAC)
    lbc = row(R_LBC)
    m = row(R_M)

    vb = lac * d1 - m * d2
    vc = lab * d2 - m * d1
    va = row(R_D) - vb - vc
    inside = jnp.minimum(va, jnp.minimum(vb, vc)) >= 0.0
    rd = row(R_RD)
    ef = row(R_DG) - ((vb * rd) * d1 + (vc * rd) * d2)
    ef = jnp.where(inside, ef, 1e30)

    d1t = d1 + d1
    ta = jnp.clip(d1 * row(R_RAB), 0.0, 1.0)
    eab = ta * (ta * lab - d1t)
    tc = jnp.clip(d2 * row(R_RAC), 0.0, 1.0)
    eac = tc * (tc * lac - (d2 + d2))
    e = (d2 - d1) + row(R_EBC)
    tb = jnp.clip(e * row(R_RBC), 0.0, 1.0)
    ebc = (lab - d1t) + tb * (tb * lbc - (e + e))

    d = ap2 + jnp.minimum(jnp.minimum(eab, eac), jnp.minimum(ebc, ef))
    dmin = jnp.maximum(jnp.min(d, axis=1, keepdims=True), 0.0)

    @pl.when((i == 0) & (j == 0))
    def _():
        loss_ref[0, 0] = 0.0

    @pl.when(j == 0)
    def _():
        acc_ref[...] = dmin

    @pl.when(j > 0)
    def _():
        acc_ref[...] = jnp.minimum(acc_ref[...], dmin)

    @pl.when(j == NF - 1)
    def _():
        loss_ref[0, 0] += jnp.sum(acc_ref[...]) * (1.0 / N)


@functools.partial(jax.jit, static_argnames=("interpret",))
def _point_mesh_loss(pts8, rhs, fcs, interpret=False):
    out = pl.pallas_call(
        _tc_dist,
        grid=(NP, NF),
        in_specs=[
            pl.BlockSpec((P_BLK, 8), lambda i, j: (i, 0)),
            pl.BlockSpec((8, 3 * F_BLK), lambda i, j: (0, j)),
            pl.BlockSpec((FCR, F_BLK), lambda i, j: (0, j)),
        ],
        out_specs=pl.BlockSpec(memory_space=pltpu.SMEM),
        out_shape=jax.ShapeDtypeStruct((1, 1), jnp.float32),
        scratch_shapes=[pltpu.VMEM((P_BLK, 1), jnp.float32)],
        compiler_params=pltpu.CompilerParams(
            dimension_semantics=("arbitrary", "arbitrary"),
        ),
        interpret=interpret,
    )(pts8, rhs, fcs)
    return out[0, 0]


def kernel(body_verts, verts, faces):
    fi = faces.astype(jnp.int32)
    rhs, fcs = _face_setup(verts[:, 0], verts[:, 1], verts[:, 2],
                           fi[:, 0], fi[:, 1], fi[:, 2])
    pts = body_verts.reshape(-1, 3)
    pad = jnp.tile(jnp.array([[0.0, 1.0, 0.0, 0.0, 0.0]], jnp.float32), (N, 1))
    pts8 = jnp.concatenate([pts, pad], axis=1)
    return _point_mesh_loss(pts8, rhs, fcs)

# --- scband reference (transcript-rebuilt; emitter-appended) ---
"""Pipeline reference for scband-point-cloud-mesh-grid-loss-79070347920145 (READ-ONLY COPY).

The authoritative reference and input builder live on the scoring server;
editing this copy changes nothing except your own understanding.
"""

import jax, jax.numpy as jnp
import numpy as np

P_CHUNK = 1024


def _closest_sqdist(p, a, b, c):
    # p: [Pc, 1, 3]; a, b, c: [1, F, 3]
    # Ericson closest-point-on-triangle, vectorized over point/face pairs.
    ab = b - a
    ac = c - a
    ap = p - a
    d1 = jnp.sum(ab * ap, -1)
    d2 = jnp.sum(ac * ap, -1)
    bp = p - b
    d3 = jnp.sum(ab * bp, -1)
    d4 = jnp.sum(ac * bp, -1)
    cp = p - c
    d5 = jnp.sum(ab * cp, -1)
    d6 = jnp.sum(ac * cp, -1)
    vc = d1 * d4 - d3 * d2
    vb = d5 * d2 - d1 * d6
    va = d3 * d6 - d5 * d4
    denom = va + vb + vc
    v = vb / jnp.where(denom == 0, 1.0, denom)
    w = vc / jnp.where(denom == 0, 1.0, denom)
    q_face = a + ab * v[..., None] + ac * w[..., None]
    t_ab = jnp.clip(d1 / jnp.where(d1 - d3 == 0, 1.0, d1 - d3), 0.0, 1.0)
    q_ab = a + ab * t_ab[..., None]
    t_ac = jnp.clip(d2 / jnp.where(d2 - d6 == 0, 1.0, d2 - d6), 0.0, 1.0)
    q_ac = a + ac * t_ac[..., None]
    den_bc = (d4 - d3) + (d5 - d6)
    t_bc = jnp.clip((d4 - d3) / jnp.where(den_bc == 0, 1.0, den_bc), 0.0, 1.0)
    q_bc = b + (c - b) * t_bc[..., None]
    cond_a = (d1 <= 0) & (d2 <= 0)
    cond_b = (d3 >= 0) & (d4 <= d3)
    cond_c = (d6 >= 0) & (d5 <= d6)
    cond_ab = (vc <= 0) & (d1 >= 0) & (d3 <= 0)
    cond_ac = (vb <= 0) & (d2 >= 0) & (d6 <= 0)
    cond_bc = (va <= 0) & ((d4 - d3) >= 0) & ((d5 - d6) >= 0)
    q = q_face
    q = jnp.where(cond_bc[..., None], q_bc, q)
    q = jnp.where(cond_ac[..., None], q_ac, q)
    q = jnp.where(cond_ab[..., None], q_ab, q)
    q = jnp.where(cond_c[..., None], c, q)
    q = jnp.where(cond_b[..., None], b, q)
    q = jnp.where(cond_a[..., None], a, q)
    return jnp.sum((p - q) ** 2, -1)


def setup_inputs(seed: int = 0) -> dict:
    key = jax.random.key(seed)
    k1, k2, k3 = jax.random.split(key, 3)
    body_verts = jax.random.normal(k1, (2, 8192, 3), dtype=jnp.float32)
    verts = jax.random.normal(k2, (8192, 3), dtype=jnp.float32)
    faces = jax.random.randint(k3, (4096, 3), 0, 8192).astype(jnp.int64)
    return {"body_verts": body_verts, "verts": verts, "faces": faces}


def reference(body_verts, verts, faces):
    loss_weight = 1.0
    # gather triangle vertices (mesh grid searcher's triangle lookup)
    tri = jnp.take(verts, faces, axis=0)  # [F, 3, 3]
    a = tri[:, 0][None, :, :]
    b = tri[:, 1][None, :, :]
    c = tri[:, 2][None, :, :]
    pts = body_verts.reshape(-1, 3)
    n = pts.shape[0]
    chunks = pts.reshape(n // P_CHUNK, P_CHUNK, 3)

    def chunk_fn(pc):
        d2 = _closest_sqdist(pc[:, None, :], a, b, c)  # [Pc, F]
        return jnp.min(d2, axis=-1)

    min_d2 = jax.lax.map(chunk_fn, chunks).reshape(-1)
    # squared distance from each body vertex to its nearest surface point,
    # 'mean' reduction, scaled by loss_weight
    loss = jnp.mean(min_d2) * loss_weight
    return loss

if __name__ == "__main__":
    import jax
    _d = setup_inputs()
    print(jax.jit(kernel)(*tuple(_d.values())))

</pallas_src>

<mosaic_0001>
#map = affine_map<(d0, d1) -> (0)>
#map1 = affine_map<(d0, d1) -> (0, 0)>
module attributes {stable_mosaic.version = 14 : i64} {
  func.func @_sc_face_setup(%arg0: i32, %arg1: i32, %arg2: memref<8192xf32, #tpu.memory_space<hbm>>, %arg3: memref<8192xf32, #tpu.memory_space<hbm>>, %arg4: memref<8192xf32, #tpu.memory_space<hbm>>, %arg5: memref<4096xi32, #tpu.memory_space<hbm>>, %arg6: memref<4096xi32, #tpu.memory_space<hbm>>, %arg7: memref<4096xi32, #tpu.memory_space<hbm>>, %arg8: memref<8x12288xf32, #tpu.memory_space<hbm>>, %arg9: memref<16x4096xf32, #tpu.memory_space<hbm>>, %arg10: memref<8192xf32, #tpu.memory_space<vmem>>, %arg11: memref<8192xf32, #tpu.memory_space<vmem>>, %arg12: memref<8192xf32, #tpu.memory_space<vmem>>, %arg13: memref<128xi32, #tpu.memory_space<vmem>>, %arg14: memref<128xi32, #tpu.memory_space<vmem>>, %arg15: memref<128xi32, #tpu.memory_space<vmem>>, %arg16: memref<8x128xf32, #tpu.memory_space<vmem>>, %arg17: memref<8x128xf32, #tpu.memory_space<vmem>>, %arg18: memref<8x128xf32, #tpu.memory_space<vmem>>, %arg19: memref<16x128xf32, #tpu.memory_space<vmem>>) attributes {dimension_semantics = [#tpu.dimension_semantics<core_parallel>, #tpu.dimension_semantics<subcore_parallel>], iteration_bounds = array<i64: 2, 16>, scalar_prefetch = 0 : i64, scratch_operands = 10 : i64, tpu.core_type = #tpu.core_type<sc_vector_subcore>, window_params = [{transform_indices = #map}, {transform_indices = #map}, {transform_indices = #map}, {transform_indices = #map}, {transform_indices = #map}, {transform_indices = #map}, {transform_indices = #map1}, {transform_indices = #map1}]} {
    %mul3A = arith.constant 2 : i32
    %mul3A_0 = arith.muli %arg1, %mul3A : i32
    %add3A = arith.addi %mul3A_0, %arg0 : i32
    %mul3A_1 = arith.constant 128 : i32
    %mul3A_2 = arith.muli %add3A, %mul3A_1 : i32
    "tpu.region"() ({
      %run_scoped3A = tpu.sem_alloc : memref<!tpu.dma_semaphore, #tpu.memory_space<semaphore_mem>>
      tpu.enqueue_dma source(%arg2 : memref<8192xf32, #tpu.memory_space<hbm>>) target(%arg10 : memref<8192xf32, #tpu.memory_space<vmem>>) target_semaphore(%run_scoped3A : memref<!tpu.dma_semaphore, #tpu.memory_space<semaphore_mem>>)
      tpu.wait_dma2 semaphore(%run_scoped3A : memref<!tpu.dma_semaphore, #tpu.memory_space<semaphore_mem>>) src(%arg2 : memref<8192xf32, #tpu.memory_space<hbm>>) dst(%arg10 : memref<8192xf32, #tpu.memory_space<vmem>>)
      tpu.yield
    }) : () -> ()
    "tpu.region"() ({
      %run_scoped3A = tpu.sem_alloc : memref<!tpu.dma_semaphore, #tpu.memory_space<semaphore_mem>>
      tpu.enqueue_dma source(%arg3 : memref<8192xf32, #tpu.memory_space<hbm>>) target(%arg11 : memref<8192xf32, #tpu.memory_space<vmem>>) target_semaphore(%run_scoped3A : memref<!tpu.dma_semaphore, #tpu.memory_space<semaphore_mem>>)
      tpu.wait_dma2 semaphore(%run_scoped3A : memref<!tpu.dma_semaphore, #tpu.memory_space<semaphore_mem>>) src(%arg3 : memref<8192xf32, #tpu.memory_space<hbm>>) dst(%arg11 : memref<8192xf32, #tpu.memory_space<vmem>>)
      tpu.yield
    }) : () -> ()
    "tpu.region"() ({
      %run_scoped3A = tpu.sem_alloc : memref<!tpu.dma_semaphore, #tpu.memory_space<semaphore_mem>>
      tpu.enqueue_dma source(%arg4 : memref<8192xf32, #tpu.memory_space<hbm>>) target(%arg12 : memref<8192xf32, #tpu.memory_space<vmem>>) target_semaphore(%run_scoped3A : memref<!tpu.dma_semaphore, #tpu.memory_space<semaphore_mem>>)
      tpu.wait_dma2 semaphore(%run_scoped3A : memref<!tpu.dma_semaphore, #tpu.memory_space<semaphore_mem>>) src(%arg4 : memref<8192xf32, #tpu.memory_space<hbm>>) dst(%arg12 : memref<8192xf32, #tpu.memory_space<vmem>>)
      tpu.yield
    }) : () -> ()
    "tpu.region"() ({
      %run_scoped3A = tpu.sem_alloc : memref<!tpu.dma_semaphore, #tpu.memory_space<semaphore_mem>>
      %dma_start3A = tpu.memref_slice %arg5[%mul3A_2] : memref<4096xi32, #tpu.memory_space<hbm>> -> memref<128xi32, #tpu.memory_space<hbm>>
      %dma_start3A_2254 = tpu.memref_slice %arg5[%mul3A_2] : memref<4096xi32, #tpu.memory_space<hbm>> -> memref<128xi32, #tpu.memory_space<hbm>>
      tpu.enqueue_dma source(%dma_start3A_2254 : memref<128xi32, #tpu.memory_space<hbm>>) target(%arg13 : memref<128xi32, #tpu.memory_space<vmem>>) target_semaphore(%run_scoped3A : memref<!tpu.dma_semaphore, #tpu.memory_space<semaphore_mem>>)
      %dma_wait3A = tpu.memref_slice %arg5[%mul3A_2] : memref<4096xi32, #tpu.memory_space<hbm>> -> memref<128xi32, #tpu.memory_space<hbm>>
      %dma_wait3A_2255 = tpu.memref_slice %arg5[%mul3A_2] : memref<4096xi32, #tpu.memory_space<hbm>> -> memref<128xi32, #tpu.memory_space<hbm>>
      tpu.wait_dma2 semaphore(%run_scoped3A : memref<!tpu.dma_semaphore, #tpu.memory_space<semaphore_mem>>) src(%dma_wait3A_2255 : memref<128xi32, #tpu.memory_space<hbm>>) dst(%arg13 : memref<128xi32, #tpu.memory_space<vmem>>)
      tpu.yield
    }) : () -> ()
    "tpu.region"() ({
      %run_scoped3A = tpu.sem_alloc : memref<!tpu.dma_semaphore, #tpu.memory_space<semaphore_mem>>
      %dma_start3A = tpu.memref_slice %arg6[%mul3A_2] : memref<4096xi32, #tpu.memory_space<hbm>> -> memref<128xi32, #tpu.memory_space<hbm>>
      %dma_start3A_2254 = tpu.memref_slice %arg6[%mul3A_2] : memref<4096xi32, #tpu.memory_space<hbm>> -> memref<128xi32, #tpu.memory_space<hbm>>
      tpu.enqueue_dma source(%dma_start3A_2254 : memref<128xi32, #tpu.memory_space<hbm>>) target(%arg14 : memref<128xi32, #tpu.memory_space<vmem>>) target_semaphore(%run_scoped3A : memref<!tpu.dma_semaphore, #tpu.memory_space<semaphore_mem>>)
      %dma_wait3A = tpu.memref_slice %arg6[%mul3A_2] : memref<4096xi32, #tpu.memory_space<hbm>> -> memref<128xi32, #tpu.memory_space<hbm>>
      %dma_wait3A_2255 = tpu.memref_slice %arg6[%mul3A_2] : memref<4096xi32, #tpu.memory_space<hbm>> -> memref<128xi32, #tpu.memory_space<hbm>>
      tpu.wait_dma2 semaphore(%run_scoped3A : memref<!tpu.dma_semaphore, #tpu.memory_space<semaphore_mem>>) src(%dma_wait3A_2255 : memref<128xi32, #tpu.memory_space<hbm>>) dst(%arg14 : memref<128xi32, #tpu.memory_space<vmem>>)
      tpu.yield
    }) : () -> ()
    "tpu.region"() ({
      %run_scoped3A = tpu.sem_alloc : memref<!tpu.dma_semaphore, #tpu.memory_space<semaphore_mem>>
      %dma_start3A = tpu.memref_slice %arg7[%mul3A_2] : memref<4096xi32, #tpu.memory_space<hbm>> -> memref<128xi32, #tpu.memory_space<hbm>>
      %dma_start3A_2254 = tpu.memref_slice %arg7[%mul3A_2] : memref<4096xi32, #tpu.memory_space<hbm>> -> memref<128xi32, #tpu.memory_space<hbm>>
      tpu.enqueue_dma source(%dma_start3A_2254 : memref<128xi32, #tpu.memory_space<hbm>>) target(%arg15 : memref<128xi32, #tpu.memory_space<vmem>>) target_semaphore(%run_scoped3A : memref<!tpu.dma_semaphore, #tpu.memory_space<semaphore_mem>>)
      %dma_wait3A = tpu.memref_slice %arg7[%mul3A_2] : memref<4096xi32, #tpu.memory_space<hbm>> -> memref<128xi32, #tpu.memory_space<hbm>>
      %dma_wait3A_2255 = tpu.memref_slice %arg7[%mul3A_2] : memref<4096xi32, #tpu.memory_space<hbm>> -> memref<128xi32, #tpu.memory_space<hbm>>
      tpu.wait_dma2 semaphore(%run_scoped3A : memref<!tpu.dma_semaphore, #tpu.memory_space<semaphore_mem>>) src(%dma_wait3A_2255 : memref<128xi32, #tpu.memory_space<hbm>>) dst(%arg15 : memref<128xi32, #tpu.memory_space<vmem>>)
      tpu.yield
    }) : () -> ()
    %broadcast_in_dim3A = arith.constant 0.000000e+00 : f32
    %broadcast_in_dim3A_3 = vector.broadcast %broadcast_in_dim3A : f32 to vector<16xf32>
    %broadcast_in_dim3A_4 = arith.constant 1.000000e+00 : f32
    %broadcast_in_dim3A_5 = vector.broadcast %broadcast_in_dim3A_4 : f32 to vector<16xf32>
    %get3A = arith.constant 0 : index
    %get3A_6 = tpu.vector_load %arg13[%get3A] {strides = array<i32>} : memref<128xi32, #tpu.memory_space<vmem>>, vector<16xi32>,
    %get3A_7 = arith.constant 0 : index
    %get3A_8 = tpu.vector_load %arg14[%get3A_7] {strides = array<i32>} : memref<128xi32, #tpu.memory_space<vmem>>, vector<16xi32>,
    %get3A_9 = arith.constant 0 : index
    %get3A_10 = tpu.vector_load %arg15[%get3A_9] {strides = array<i32>} : memref<128xi32, #tpu.memory_space<vmem>>, vector<16xi32>,
    %gather3A = tpu.vector_load_idx %arg10[%get3A_6] : memref<8192xf32, #tpu.memory_space<vmem>>[vector<16xi32>], vector<16xf32>,
    %gather3A_11 = tpu.vector_load_idx %arg11[%get3A_6] : memref<8192xf32, #tpu.memory_space<vmem>>[vector<16xi32>], vector<16xf32>,
    %gather3A_12 = tpu.vector_load_idx %arg12[%get3A_6] : memref<8192xf32, #tpu.memory_space<vmem>>[vector<16xi32>], vector<16xf32>,
    %gather3A_13 = tpu.vector_load_idx %arg10[%get3A_8] : memref<8192xf32, #tpu.memory_space<vmem>>[vector<16xi32>], vector<16xf32>,
    %gather3A_14 = tpu.vector_load_idx %arg11[%get3A_8] : memref<8192xf32, #tpu.memory_space<vmem>>[vector<16xi32>], vector<16xf32>,
    %gather3A_15 = tpu.vector_load_idx %arg12[%get3A_8] : memref<8192xf32, #tpu.memory_space<vmem>>[vector<16xi32>], vector<16xf32>,
    %gather3A_16 = tpu.vector_load_idx %arg10[%get3A_10] : memref<8192xf32, #tpu.memory_space<vmem>>[vector<16xi32>], vector<16xf32>,
    %gather3A_17 = tpu.vector_load_idx %arg11[%get3A_10] : memref<8192xf32, #tpu.memory_space<vmem>>[vector<16xi32>], vector<16xf32>,
    %gather3A_18 = tpu.vector_load_idx %arg12[%get3A_10] : memref<8192xf32, #tpu.memory_space<vmem>>[vector<16xi32>], vector<16xf32>,
    %sub3A = arith.subf %gather3A_13, %gather3A : vector<16xf32>
    %sub3A_19 = arith.subf %gather3A_14, %gather3A_11 : vector<16xf32>
    %sub3A_20 = arith.subf %gather3A_15, %gather3A_12 : vector<16xf32>
    %sub3A_21 = arith.subf %gather3A_16, %gather3A : vector<16xf32>
    %sub3A_22 = arith.subf %gather3A_17, %gather3A_11 : vector<16xf32>
    %sub3A_23 = arith.subf %gather3A_18, %gather3A_12 : vector<16xf32>
    %sub3A_24 = arith.subf %gather3A_16, %gather3A_13 : vector<16xf32>
    %sub3A_25 = arith.subf %gather3A_17, %gather3A_14 : vector<16xf32>
    %sub3A_26 = arith.subf %gather3A_18, %gather3A_15 : vector<16xf32>
    %mul3A_27 = arith.mulf %sub3A_19, %sub3A_23 : vector<16xf32>
    %mul3A_28 = arith.mulf %sub3A_20, %sub3A_22 : vector<16xf32>
    %sub3A_29 = arith.subf %mul3A_27, %mul3A_28 : vector<16xf32>
    %mul3A_30 = arith.mulf %sub3A_20, %sub3A_21 : vector<16xf32>
    %mul3A_31 = arith.mulf %sub3A, %sub3A_23 : vector<16xf32>
    %sub3A_32 = arith.subf %mul3A_30, %mul3A_31 : vector<16xf32>
    %mul3A_33 = arith.mulf %sub3A, %sub3A_22 : vector<16xf32>
    %mul3A_34 = arith.mulf %sub3A_19, %sub3A_21 : vector<16xf32>
    %sub3A_35 = arith.subf %mul3A_33, %mul3A_34 : vector<16xf32>
    %mul3A_36 = arith.mulf %sub3A, %gather3A : vector<16xf32>
    %mul3A_37 = arith.mulf %sub3A_19, %gather3A_11 : vector<16xf32>
    %add3A_38 = arith.addf %mul3A_36, %mul3A_37 : vector<16xf32>
    %mul3A_39 = arith.mulf %sub3A_20, %gather3A_12 : vector<16xf32>
    %add3A_40 = arith.addf %add3A_38, %mul3A_39 : vector<16xf32>
    %mul3A_41 = arith.mulf %sub3A_21, %gather3A : vector<16xf32>
    %mul3A_42 = arith.mulf %sub3A_22, %gather3A_11 : vector<16xf32>
    %add3A_43 = arith.addf %mul3A_41, %mul3A_42 : vector<16xf32>
    %mul3A_44 = arith.mulf %sub3A_23, %gather3A_12 : vector<16xf32>
    %add3A_45 = arith.addf %add3A_43, %mul3A_44 : vector<16xf32>
    %mul3A_46 = arith.mulf %gather3A, %gather3A : vector<16xf32>
    %mul3A_47 = arith.mulf %gather3A_11, %gather3A_11 : vector<16xf32>
    %add3A_48 = arith.addf %mul3A_46, %mul3A_47 : vector<16xf32>
    %mul3A_49 = arith.mulf %gather3A_12, %gather3A_12 : vector<16xf32>
    %add3A_50 = arith.addf %add3A_48, %mul3A_49 : vector<16xf32>
    %mul3A_51 = arith.mulf %sub3A, %sub3A : vector<16xf32>
    %mul3A_52 = arith.mulf %sub3A_19, %sub3A_19 : vector<16xf32>
    %add3A_53 = arith.addf %mul3A_51, %mul3A_52 : vector<16xf32>
    %mul3A_54 = arith.mulf %sub3A_20, %sub3A_20 : vector<16xf32>
    %add3A_55 = arith.addf %add3A_53, %mul3A_54 : vector<16xf32>
    %mul3A_56 = arith.mulf %sub3A_21, %sub3A_21 : vector<16xf32>
    %mul3A_57 = arith.mulf %sub3A_22, %sub3A_22 : vector<16xf32>
    %add3A_58 = arith.addf %mul3A_56, %mul3A_57 : vector<16xf32>
    %mul3A_59 = arith.mulf %sub3A_23, %sub3A_23 : vector<16xf32>
    %add3A_60 = arith.addf %add3A_58, %mul3A_59 : vector<16xf32>
    %mul3A_61 = arith.mulf %sub3A_24, %sub3A_24 : vector<16xf32>
    %mul3A_62 = arith.mulf %sub3A_25, %sub3A_25 : vector<16xf32>
    %add3A_63 = arith.addf %mul3A_61, %mul3A_62 : vector<16xf32>
    %mul3A_64 = arith.mulf %sub3A_26, %sub3A_26 : vector<16xf32>
    %add3A_65 = arith.addf %add3A_63, %mul3A_64 : vector<16xf32>
    %mul3A_66 = arith.mulf %sub3A, %sub3A_21 : vector<16xf32>
    %mul3A_67 = arith.mulf %sub3A_19, %sub3A_22 : vector<16xf32>
    %add3A_68 = arith.addf %mul3A_66, %mul3A_67 : vector<16xf32>
    %mul3A_69 = arith.mulf %sub3A_20, %sub3A_23 : vector<16xf32>
    %add3A_70 = arith.addf %add3A_68, %mul3A_69 : vector<16xf32>
    %mul3A_71 = arith.mulf %sub3A_29, %sub3A_29 : vector<16xf32>
    %mul3A_72 = arith.mulf %sub3A_32, %sub3A_32 : vector<16xf32>
    %add3A_73 = arith.addf %mul3A_71, %mul3A_72 : vector<16xf32>
    %mul3A_74 = arith.mulf %sub3A_35, %sub3A_35 : vector<16xf32>
    %add3A_75 = arith.addf %add3A_73, %mul3A_74 : vector<16xf32>
    %eq3A = arith.constant 0.000000e+00 : f32
    %eq3A_76 = vector.broadcast %eq3A : f32 to vector<16xf32>
    %eq3A_77 = arith.cmpf oeq, %add3A_55, %eq3A_76 : vector<16xf32>
    %select_n3A = arith.select %eq3A_77, %broadcast_in_dim3A_5, %add3A_55 : vector<16xi1>, vector<16xf32>
    %div3A = arith.divf %broadcast_in_dim3A_5, %select_n3A : vector<16xf32>
    %eq3A_78 = arith.constant 0.000000e+00 : f32
    %eq3A_79 = vector.broadcast %eq3A_78 : f32 to vector<16xf32>
    %eq3A_80 = arith.cmpf oeq, %add3A_60, %eq3A_79 : vector<16xf32>
    %select_n3A_81 = arith.select %eq3A_80, %broadcast_in_dim3A_5, %add3A_60 : vector<16xi1>, vector<16xf32>
    %div3A_82 = arith.divf %broadcast_in_dim3A_5, %select_n3A_81 : vector<16xf32>
    %eq3A_83 = arith.constant 0.000000e+00 : f32
    %eq3A_84 = vector.broadcast %eq3A_83 : f32 to vector<16xf32>
    %eq3A_85 = arith.cmpf oeq, %add3A_65, %eq3A_84 : vector<16xf32>
    %select_n3A_86 = arith.select %eq3A_85, %broadcast_in_dim3A_5, %add3A_65 : vector<16xi1>, vector<16xf32>
    %div3A_87 = arith.divf %broadcast_in_dim3A_5, %select_n3A_86 : vector<16xf32>
    %eq3A_88 = arith.constant 0.000000e+00 : f32
    %eq3A_89 = vector.broadcast %eq3A_88 : f32 to vector<16xf32>
    %eq3A_90 = arith.cmpf oeq, %add3A_75, %eq3A_89 : vector<16xf32>
    %select_n3A_91 = arith.select %eq3A_90, %broadcast_in_dim3A_5, %add3A_75 : vector<16xi1>, vector<16xf32>
    %div3A_92 = arith.divf %broadcast_in_dim3A_5, %select_n3A_91 : vector<16xf32>
    %mul3A_93 = arith.mulf %add3A_55, %add3A_60 : vector<16xf32>
    %mul3A_94 = arith.constant 9.99999997E-7 : f32
    %mul3A_95 = vector.broadcast %mul3A_94 : f32 to vector<16xf32>
    %mul3A_96 = arith.mulf %mul3A_95, %mul3A_93 : vector<16xf32>
    %gt3A = arith.cmpf ogt, %add3A_75, %mul3A_96 : vector<16xf32>
    %broadcast_in_dim3A_97 = arith.constant 1.000000e+30 : f32
    %broadcast_in_dim3A_98 = vector.broadcast %broadcast_in_dim3A_97 : f32 to vector<16xf32>
    %select_n3A_99 = arith.select %gt3A, %broadcast_in_dim3A_3, %broadcast_in_dim3A_98 : vector<16xi1>, vector<16xf32>
    %swap3A = arith.constant 0 : i32
    %swap3A_100 = arith.index_cast %swap3A : i32 to index
    %swap3A_101 = arith.constant 0 : index
    %swap3A_102 = tpu.vector_load %arg16[%swap3A_100, %swap3A_101] {strides = array<i32>} : memref<8x128xf32, #tpu.memory_space<vmem>>, vector<16xf32>,
    tpu.vector_store %arg16[%swap3A_100, %swap3A_101], %sub3A {strides = array<i32>} : memref<8x128xf32, #tpu.memory_space<vmem>>, vector<16xf32>,
    %swap3A_103 = arith.constant 1 : i32
    %swap3A_104 = arith.index_cast %swap3A_103 : i32 to index
    %swap3A_105 = arith.constant 0 : index
    %swap3A_106 = tpu.vector_load %arg16[%swap3A_104, %swap3A_105] {strides = array<i32>} : memref<8x128xf32, #tpu.memory_space<vmem>>, vector<16xf32>,
    tpu.vector_store %arg16[%swap3A_104, %swap3A_105], %sub3A_19 {strides = array<i32>} : memref<8x128xf32, #tpu.memory_space<vmem>>, vector<16xf32>,
    %swap3A_107 = arith.constant 2 : i32
    %swap3A_108 = arith.index_cast %swap3A_107 : i32 to index
    %swap3A_109 = arith.constant 0 : index
    %swap3A_110 = tpu.vector_load %arg16[%swap3A_108, %swap3A_109] {strides = array<i32>} : memref<8x128xf32, #tpu.memory_space<vmem>>, vector<16xf32>,
    tpu.vector_store %arg16[%swap3A_108, %swap3A_109], %sub3A_20 {strides = array<i32>} : memref<8x128xf32, #tpu.memory_space<vmem>>, vector<16xf32>,
    %swap3A_111 = arith.constant 3 : i32
    %swap3A_112 = arith.index_cast %swap3A_111 : i32 to index
    %swap3A_113 = arith.constant 0 : index
    %swap3A_114 = tpu.vector_load %arg16[%swap3A_112, %swap3A_113] {strides = array<i32>} : memref<8x128xf32, #tpu.memory_space<vmem>>, vector<16xf32>,
    tpu.vector_store %arg16[%swap3A_112, %swap3A_113], %broadcast_in_dim3A_3 {strides = array<i32>} : memref<8x128xf32, #tpu.memory_space<vmem>>, vector<16xf32>,
    %neg3A = arith.constant 0.000000e+00 : f32
    %neg3A_115 = vector.broadcast %neg3A : f32 to vector<16xf32>
    %neg3A_116 = arith.subf %neg3A_115, %add3A_40 : vector<16xf32>
    %swap3A_117 = arith.constant 4 : i32
    %swap3A_118 = arith.index_cast %swap3A_117 : i32 to index
    %swap3A_119 = arith.constant 0 : index
    %swap3A_120 = tpu.vector_load %arg16[%swap3A_118, %swap3A_119] {strides = array<i32>} : memref<8x128xf32, #tpu.memory_space<vmem>>, vector<16xf32>,
    tpu.vector_store %arg16[%swap3A_118, %swap3A_119], %neg3A_116 {strides = array<i32>} : memref<8x128xf32, #tpu.memory_space<vmem>>, vector<16xf32>,
    %swap3A_121 = arith.constant 0 : i32
    %swap3A_122 = arith.index_cast %swap3A_121 : i32 to index
    %swap3A_123 = arith.constant 0 : index
    %swap3A_124 = tpu.vector_load %arg17[%swap3A_122, %swap3A_123] {strides = array<i32>} : memref<8x128xf32, #tpu.memory_space<vmem>>, vector<16xf32>,
    tpu.vector_store %arg17[%swap3A_122, %swap3A_123], %sub3A_21 {strides = array<i32>} : memref<8x128xf32, #tpu.memory_space<vmem>>, vector<16xf32>,
    %swap3A_125 = arith.constant 1 : i32
    %swap3A_126 = arith.index_cast %swap3A_125 : i32 to index
    %swap3A_127 = arith.constant 0 : index
    %swap3A_128 = tpu.vector_load %arg17[%swap3A_126, %swap3A_127] {strides = array<i32>} : memref<8x128xf32, #tpu.memory_space<vmem>>, vector<16xf32>,
    tpu.vector_store %arg17[%swap3A_126, %swap3A_127], %sub3A_22 {strides = array<i32>} : memref<8x128xf32, #tpu.memory_space<vmem>>, vector<16xf32>,
    %swap3A_129 = arith.constant 2 : i32
    %swap3A_130 = arith.index_cast %swap3A_129 : i32 to index
    %swap3A_131 = arith.constant 0 : index
    %swap3A_132 = tpu.vector_load %arg17[%swap3A_130, %swap3A_131] {strides = array<i32>} : memref<8x128xf32, #tpu.memory_space<vmem>>, vector<16xf32>,
    tpu.vector_store %arg17[%swap3A_130, %swap3A_131], %sub3A_23 {strides = array<i32>} : memref<8x128xf32, #tpu.memory_space<vmem>>, vector<16xf32>,
    %swap3A_133 = arith.constant 3 : i32
    %swap3A_134 = arith.index_cast %swap3A_133 : i32 to index
    %swap3A_135 = arith.constant 0 : index
    %swap3A_136 = tpu.vector_load %arg17[%swap3A_134, %swap3A_135] {strides = array<i32>} : memref<8x128xf32, #tpu.memory_space<vmem>>, vector<16xf32>,
    tpu.vector_store %arg17[%swap3A_134, %swap3A_135], %broadcast_in_dim3A_3 {strides = array<i32>} : memref<8x128xf32, #tpu.memory_space<vmem>>, vector<16xf32>,
    %neg3A_137 = arith.constant 0.000000e+00 : f32
    %neg3A_138 = vector.broadcast %neg3A_137 : f32 to vector<16xf32>
    %neg3A_139 = arith.subf %neg3A_138, %add3A_45 : vector<16xf32>
    %swap3A_140 = arith.constant 4 : i32
    %swap3A_141 = arith.index_cast %swap3A_140 : i32 to index
    %swap3A_142 = arith.constant 0 : index
    %swap3A_143 = tpu.vector_load %arg17[%swap3A_141, %swap3A_142] {strides = array<i32>} : memref<8x128xf32, #tpu.memory_space<vmem>>, vector<16xf32>,
    tpu.vector_store %arg17[%swap3A_141, %swap3A_142], %neg3A_139 {strides = array<i32>} : memref<8x128xf32, #tpu.memory_space<vmem>>, vector<16xf32>,
    %mul3A_144 = arith.constant -2.000000e+00 : f32
    %mul3A_145 = vector.broadcast %mul3A_144 : f32 to vector<16xf32>
    %mul3A_146 = arith.mulf %mul3A_145, %gather3A : vector<16xf32>
    %swap3A_147 = arith.constant 0 : i32
    %swap3A_148 = arith.index_cast %swap3A_147 : i32 to index
    %swap3A_149 = arith.constant 0 : index
    %swap3A_150 = tpu.vector_load %arg18[%swap3A_148, %swap3A_149] {strides = array<i32>} : memref<8x128xf32, #tpu.memory_space<vmem>>, vector<16xf32>,
    tpu.vector_store %arg18[%swap3A_148, %swap3A_149], %mul3A_146 {strides = array<i32>} : memref<8x128xf32, #tpu.memory_space<vmem>>, vector<16xf32>,
    %mul3A_151 = arith.constant -2.000000e+00 : f32
    %mul3A_152 = vector.broadcast %mul3A_151 : f32 to vector<16xf32>
    %mul3A_153 = arith.mulf %mul3A_152, %gather3A_11 : vector<16xf32>
    %swap3A_154 = arith.constant 1 : i32
    %swap3A_155 = arith.index_cast %swap3A_154 : i32 to index
    %swap3A_156 = arith.constant 0 : index
    %swap3A_157 = tpu.vector_load %arg18[%swap3A_155, %swap3A_156] {strides = array<i32>} : memref<8x128xf32, #tpu.memory_space<vmem>>, vector<16xf32>,
    tpu.vector_store %arg18[%swap3A_155, %swap3A_156], %mul3A_153 {strides = array<i32>} : memref<8x128xf32, #tpu.memory_space<vmem>>, vector<16xf32>,
    %mul3A_158 = arith.constant -2.000000e+00 : f32
    %mul3A_159 = vector.broadcast %mul3A_158 : f32 to vector<16xf32>
    %mul3A_160 = arith.mulf %mul3A_159, %gather3A_12 : vector<16xf32>
    %swap3A_161 = arith.constant 2 : i32
    %swap3A_162 = arith.index_cast %swap3A_161 : i32 to index
    %swap3A_163 = arith.constant 0 : index
    %swap3A_164 = tpu.vector_load %arg18[%swap3A_162, %swap3A_163] {strides = array<i32>} : memref<8x128xf32, #tpu.memory_space<vmem>>, vector<16xf32>,
    tpu.vector_store %arg18[%swap3A_162, %swap3A_163], %mul3A_160 {strides = array<i32>} : memref<8x128xf32, #tpu.memory_space<vmem>>, vector<16xf32>,
    %swap3A_165 = arith.constant 3 : i32
    %swap3A_166 = arith.index_cast %swap3A_165 : i32 to index
    %swap3A_167 = arith.constant 0 : index
    %swap3A_168 = tpu.vector_load %arg18[%swap3A_166, %swap3A_167] {strides = array<i32>} : memref<8x128xf32, #tpu.memory_space<vmem>>, vector<16xf32>,
    tpu.vector_store %arg18[%swap3A_166, %swap3A_167], %broadcast_in_dim3A_5 {strides = array<i32>} : memref<8x128xf32, #tpu.memory_space<vmem>>, vector<16xf32>,
    %swap3A_169 = arith.constant 4 : i32
    %swap3A_170 = arith.index_cast %swap3A_169 : i32 to index
    %swap3A_171 = arith.constant 0 : index
    %swap3A_172 = tpu.vector_load %arg18[%swap3A_170, %swap3A_171] {strides = array<i32>} : memref<8x128xf32, #tpu.memory_space<vmem>>, vector<16xf32>,
    tpu.vector_store %arg18[%swap3A_170, %swap3A_171], %add3A_50 {strides = array<i32>} : memref<8x128xf32, #tpu.memory_space<vmem>>, vector<16xf32>,
    %swap3A_173 = arith.constant 5 : i32
    %swap3A_174 = arith.index_cast %swap3A_173 : i32 to index
    %swap3A_175 = arith.constant 0 : index
    %swap3A_176 = tpu.vector_load %arg16[%swap3A_174, %swap3A_175] {strides = array<i32>} : memref<8x128xf32, #tpu.memory_space<vmem>>, vector<16xf32>,
    tpu.vector_store %arg16[%swap3A_174, %swap3A_175], %broadcast_in_dim3A_3 {strides = array<i32>} : memref<8x128xf32, #tpu.memory_space<vmem>>, vector<16xf32>,
    %swap3A_177 = arith.constant 6 : i32
    %swap3A_178 = arith.index_cast %swap3A_177 : i32 to index
    %swap3A_179 = arith.constant 0 : index
    %swap3A_180 = tpu.vector_load %arg16[%swap3A_178, %swap3A_179] {strides = array<i32>} : memref<8x128xf32, #tpu.memory_space<vmem>>, vector<16xf32>,
    tpu.vector_store %arg16[%swap3A_178, %swap3A_179], %broadcast_in_dim3A_3 {strides = array<i32>} : memref<8x128xf32, #tpu.memory_space<vmem>>, vector<16xf32>,
    %swap3A_181 = arith.constant 7 : i32
    %swap3A_182 = arith.index_cast %swap3A_181 : i32 to index
    %swap3A_183 = arith.constant 0 : index
    %swap3A_184 = tpu.vector_load %arg16[%swap3A_182, %swap3A_183] {strides = array<i32>} : memref<8x128xf32, #tpu.memory_space<vmem>>, vector<16xf32>,
    tpu.vector_store %arg16[%swap3A_182, %swap3A_183], %broadcast_in_dim3A_3 {strides = array<i32>} : memref<8x128xf32, #tpu.memory_space<vmem>>, vector<16xf32>,
    %swap3A_185 = arith.constant 5 : i32
    %swap3A_186 = arith.index_cast %swap3A_185 : i32 to index
    %swap3A_187 = arith.constant 0 : index
    %swap3A_188 = tpu.vector_load %arg17[%swap3A_186, %swap3A_187] {strides = array<i32>} : memref<8x128xf32, #tpu.memory_space<vmem>>, vector<16xf32>,
    tpu.vector_store %arg17[%swap3A_186, %swap3A_187], %broadcast_in_dim3A_3 {strides = array<i32>} : memref<8x128xf32, #tpu.memory_space<vmem>>, vector<16xf32>,
    %swap3A_189 = arith.constant 6 : i32
    %swap3A_190 = arith.index_cast %swap3A_189 : i32 to index
    %swap3A_191 = arith.constant 0 : index
    %swap3A_192 = tpu.vector_load %arg17[%swap3A_190, %swap3A_191] {strides = array<i32>} : memref<8x128xf32, #tpu.memory_space<vmem>>, vector<16xf32>,
    tpu.vector_store %arg17[%swap3A_190, %swap3A_191], %broadcast_in_dim3A_3 {strides = array<i32>} : memref<8x128xf32, #tpu.memory_space<vmem>>, vector<16xf32>,
    %swap3A_193 = arith.constant 7 : i32
    %swap3A_194 = arith.index_cast %swap3A_193 : i32 to index
    %swap3A_195 = arith.constant 0 : index
    %swap3A_196 = tpu.vector_load %arg17[%swap3A_194, %swap3A_195] {strides = array<i32>} : memref<8x128xf32, #tpu.memory_space<vmem>>, vector<16xf32>,
    tpu.vector_store %arg17[%swap3A_194, %swap3A_195], %broadcast_in_dim3A_3 {strides = array<i32>} : memref<8x128xf32, #tpu.memory_space<vmem>>, vector<16xf32>,
    %swap3A_197 = arith.constant 5 : i32
    %swap3A_198 = arith.index_cast %swap3A_197 : i32 to index
    %swap3A_199 = arith.constant 0 : index
    %swap3A_200 = tpu.vector_load %arg18[%swap3A_198, %swap3A_199] {strides = array<i32>} : memref<8x128xf32, #tpu.memory_space<vmem>>, vector<16xf32>,
    tpu.vector_store %arg18[%swap3A_198, %swap3A_199], %broadcast_in_dim3A_3 {strides = array<i32>} : memref<8x128xf32, #tpu.memory_space<vmem>>, vector<16xf32>,
    %swap3A_201 = arith.constant 6 : i32
    %swap3A_202 = arith.index_cast %swap3A_201 : i32 to index
    %swap3A_203 = arith.constant 0 : index
    %swap3A_204 = tpu.vector_load %arg18[%swap3A_202, %swap3A_203] {strides = array<i32>} : memref<8x128xf32, #tpu.memory_space<vmem>>, vector<16xf32>,
    tpu.vector_store %arg18[%swap3A_202, %swap3A_203], %broadcast_in_dim3A_3 {strides = array<i32>} : memref<8x128xf32, #tpu.memory_space<vmem>>, vector<16xf32>,
    %swap3A_205 = arith.constant 7 : i32
    %swap3A_206 = arith.index_cast %swap3A_205 : i32 to index
    %swap3A_207 = arith.constant 0 : index
    %swap3A_208 = tpu.vector_load %arg18[%swap3A_206, %swap3A_207] {strides = array<i32>} : memref<8x128xf32, #tpu.memory_space<vmem>>, vector<16xf32>,
    tpu.vector_store %arg18[%swap3A_206, %swap3A_207], %broadcast_in_dim3A_3 {strides = array<i32>} : memref<8x128xf32, #tpu.memory_space<vmem>>, vector<16xf32>,
    %swap3A_209 = arith.constant 0 : i32
    %swap3A_210 = arith.index_cast %swap3A_209 : i32 to index
    %swap3A_211 = arith.constant 0 : index
    %swap3A_212 = tpu.vector_load %arg19[%swap3A_210, %swap3A_211] {strides = array<i32>} : memref<16x128xf32, #tpu.memory_space<vmem>>, vector<16xf32>,
    tpu.vector_store %arg19[%swap3A_210, %swap3A_211], %add3A_55 {strides = array<i32>} : memref<16x128xf32, #tpu.memory_space<vmem>>, vector<16xf32>,
    %swap3A_213 = arith.constant 1 : i32
    %swap3A_214 = arith.index_cast %swap3A_213 : i32 to index
    %swap3A_215 = arith.constant 0 : index
    %swap3A_216 = tpu.vector_load %arg19[%swap3A_214, %swap3A_215] {strides = array<i32>} : memref<16x128xf32, #tpu.memory_space<vmem>>, vector<16xf32>,
    tpu.vector_store %arg19[%swap3A_214, %swap3A_215], %add3A_60 {strides = array<i32>} : memref<16x128xf32, #tpu.memory_space<vmem>>, vector<16xf32>,
    %swap3A_217 = arith.constant 2 : i32
    %swap3A_218 = arith.index_cast %swap3A_217 : i32 to index
    %swap3A_219 = arith.constant 0 : index
    %swap3A_220 = tpu.vector_load %arg19[%swap3A_218, %swap3A_219] {strides = array<i32>} : memref<16x128xf32, #tpu.memory_space<vmem>>, vector<16xf32>,
    tpu.vector_store %arg19[%swap3A_218, %swap3A_219], %add3A_65 {strides = array<i32>} : memref<16x128xf32, #tpu.memory_space<vmem>>, vector<16xf32>,
    %swap3A_221 = arith.constant 3 : i32
    %swap3A_222 = arith.index_cast %swap3A_221 : i32 to index
    %swap3A_223 = arith.constant 0 : index
    %swap3A_224 = tpu.vector_load %arg19[%swap3A_222, %swap3A_223] {strides = array<i32>} : memref<16x128xf32, #tpu.memory_space<vmem>>, vector<16xf32>,
    tpu.vector_store %arg19[%swap3A_222, %swap3A_223], %div3A {strides = array<i32>} : memref<16x128xf32, #tpu.memory_space<vmem>>, vector<16xf32>,
    %swap3A_225 = arith.constant 4 : i32
    %swap3A_226 = arith.index_cast %swap3A_225 : i32 to index
    %swap3A_227 = arith.constant 0 : index
    %swap3A_228 = tpu.vector_load %arg19[%swap3A_226, %swap3A_227] {strides = array<i32>} : memref<16x128xf32, #tpu.memory_space<vmem>>, vector<16xf32>,
    tpu.vector_store %arg19[%swap3A_226, %swap3A_227], %div3A_82 {strides = array<i32>} : memref<16x128xf32, #tpu.memory_space<vmem>>, vector<16xf32>,
    %swap3A_229 = arith.constant 5 : i32
    %swap3A_230 = arith.index_cast %swap3A_229 : i32 to index
    %swap3A_231 = arith.constant 0 : index
    %swap3A_232 = tpu.vector_load %arg19[%swap3A_230, %swap3A_231] {strides = array<i32>} : memref<16x128xf32, #tpu.memory_space<vmem>>, vector<16xf32>,
    tpu.vector_store %arg19[%swap3A_230, %swap3A_231], %div3A_87 {strides = array<i32>} : memref<16x128xf32, #tpu.memory_space<vmem>>, vector<16xf32>,
    %swap3A_233 = arith.constant 6 : i32
    %swap3A_234 = arith.index_cast %swap3A_233 : i32 to index
    %swap3A_235 = arith.constant 0 : index
    %swap3A_236 = tpu.vector_load %arg19[%swap3A_234, %swap3A_235] {strides = array<i32>} : memref<16x128xf32, #tpu.memory_space<vmem>>, vector<16xf32>,
    tpu.vector_store %arg19[%swap3A_234, %swap3A_235], %div3A_92 {strides = array<i32>} : memref<16x128xf32, #tpu.memory_space<vmem>>, vector<16xf32>,
    %sub3A_237 = arith.subf %add3A_55, %add3A_70 : vector<16xf32>
    %swap3A_238 = arith.constant 7 : i32
    %swap3A_239 = arith.index_cast %swap3A_238 : i32 to index
    %swap3A_240 = arith.constant 0 : index
    %swap3A_241 = tpu.vector_load %arg19[%swap3A_239, %swap3A_240] {strides = array<i32>} : memref<16x128xf32, #tpu.memory_space<vmem>>, vector<16xf32>,
    tpu.vector_store %arg19[%swap3A_239, %swap3A_240], %sub3A_237 {strides = array<i32>} : memref<16x128xf32, #tpu.memory_space<vmem>>, vector<16xf32>,
    %swap3A_242 = arith.constant 8 : i32
    %swap3A_243 = arith.index_cast %swap3A_242 : i32 to index
    %swap3A_244 = arith.constant 0 : index
    %swap3A_245 = tpu.vector_load %arg19[%swap3A_243, %swap3A_244] {strides = array<i32>} : memref<16x128xf32, #tpu.memory_space<vmem>>, vector<16xf32>,
    tpu.vector_store %arg19[%swap3A_243, %swap3A_244], %select_n3A_99 {strides = array<i32>} : memref<16x128xf32, #tpu.memory_space<vmem>>, vector<16xf32>,
    %swap3A_246 = arith.constant 9 : i32
    %swap3A_247 = arith.index_cast %swap3A_246 : i32 to index
    %swap3A_248 = arith.constant 0 : index
    %swap3A_249 = tpu.vector_load %arg19[%swap3A_247, %swap3A_248] {strides = array<i32>} : memref<16x128xf32, #tpu.memory_space<vmem>>, vector<16xf32>,
    tpu.vector_store %arg19[%swap3A_247, %swap3A_248], %add3A_75 {strides = array<i32>} : memref<16x128xf32, #tpu.memory_space<vmem>>, vector<16xf32>,
    %swap3A_250 = arith.constant 10 : i32
    %swap3A_251 = arith.index_cast %swap3A_250 : i32 to index
    %swap3A_252 = arith.constant 0 : index
    %swap3A_253 = tpu.vector_load %arg19[%swap3A_251, %swap3A_252] {strides = array<i32>} : memref<16x128xf32, #tpu.memory_space<vmem>>, vector<16xf32>,
    tpu.vector_store %arg19[%swap3A_251, %swap3A_252], %add3A_70 {strides = array<i32>} : memref<16x128xf32, #tpu.memory_space<vmem>>, vector<16xf32>,
    %swap3A_254 = arith.constant 11 : i32
    %swap3A_255 = arith.index_cast %swap3A_254 : i32 to index
    %swap3A_256 = arith.constant 0 : index
    %swap3A_257 = tpu.vector_load %arg19[%swap3A_255, %swap3A_256] {strides = array<i32>} : memref<16x128xf32, #tpu.memory_space<vmem>>, vector<16xf32>,
    tpu.vector_store %arg19[%swap3A_255, %swap3A_256], %broadcast_in_dim3A_3 {strides = array<i32>} : memref<16x128xf32, #tpu.memory_space<vmem>>, vector<16xf32>,
    %swap3A_258 = arith.constant 12 : i32
    %swap3A_259 = arith.index_cast %swap3A_258 : i32 to index
    %swap3A_260 = arith.constant 0 : index
    %swap3A_261 = tpu.vector_load %arg19[%swap3A_259, %swap3A_260] {strides = array<i32>} : memref<16x128xf32, #tpu.memory_space<vmem>>, vector<16xf32>,
    tpu.vector_store %arg19[%swap3A_259, %swap3A_260], %broadcast_in_dim3A_3 {strides = array<i32>} : memref<16x128xf32, #tpu.memory_space<vmem>>, vector<16xf32>,
    %swap3A_262 = arith.constant 13 : i32
    %swap3A_263 = arith.index_cast %swap3A_262 : i32 to index
    %swap3A_264 = arith.constant 0 : index
    %swap3A_265 = tpu.vector_load %arg19[%swap3A_263, %swap3A_264] {strides = array<i32>} : memref<16x128xf32, #tpu.memory_space<vmem>>, vector<16xf32>,
    tpu.vector_store %arg19[%swap3A_263, %swap3A_264], %broadcast_in_dim3A_3 {strides = array<i32>} : memref<16x128xf32, #tpu.memory_space<vmem>>, vector<16xf32>,
    %swap3A_266 = arith.constant 14 : i32
    %swap3A_267 = arith.index_cast %swap3A_266 : i32 to index
    %swap3A_268 = arith.constant 0 : index
    %swap3A_269 = tpu.vector_load %arg19[%swap3A_267, %swap3A_268] {strides = array<i32>} : memref<16x128xf32, #tpu.memory_space<vmem>>, vector<16xf32>,
    tpu.vector_store %arg19[%swap3A_267, %swap3A_268], %broadcast_in_dim3A_3 {strides = array<i32>} : memref<16x128xf32, #tpu.memory_space<vmem>>, vector<16xf32>,
    %swap3A_270 = arith.constant 15 : i32
    %swap3A_271 = arith.index_cast %swap3A_270 : i32 to index
    %swap3A_272 = arith.constant 0 : index
    %swap3A_273 = tpu.vector_load %arg19[%swap3A_271, %swap3A_272] {strides = array<i32>} : memref<16x128xf32, #tpu.memory_space<vmem>>, vector<16xf32>,
    tpu.vector_store %arg19[%swap3A_271, %swap3A_272], %broadcast_in_dim3A_3 {strides = array<i32>} : memref<16x128xf32, #tpu.memory_space<vmem>>, vector<16xf32>,
    %get3A_274 = arith.constant 16 : index
    %get3A_275 = tpu.vector_load %arg13[%get3A_274] {strides = array<i32>} : memref<128xi32, #tpu.memory_space<vmem>>, vector<16xi32>,
    %get3A_276 = arith.constant 16 : index
    %get3A_277 = tpu.vector_load %arg14[%get3A_276] {strides = array<i32>} : memref<128xi32, #tpu.memory_space<vmem>>, vector<16xi32>,
    %get3A_278 = arith.constant 16 : index
    %get3A_279 = tpu.vector_load %arg15[%get3A_278] {strides = array<i32>} : memref<128xi32, #tpu.memory_space<vmem>>, vector<16xi32>,
    %gather3A_280 = tpu.vector_load_idx %arg10[%get3A_275] : memref<8192xf32, #tpu.memory_space<vmem>>[vector<16xi32>], vector<16xf32>,
    %gather3A_281 = tpu.vector_load_idx %arg11[%get3A_275] : memref<8192xf32, #tpu.memory_space<vmem>>[vector<16xi32>], vector<16xf32>,
    %gather3A_282 = tpu.vector_load_idx %arg12[%get3A_275] : memref<8192xf32, #tpu.memory_space<vmem>>[vector<16xi32>], vector<16xf32>,
    %gather3A_283 = tpu.vector_load_idx %arg10[%get3A_277] : memref<8192xf32, #tpu.memory_space<vmem>>[vector<16xi32>], vector<16xf32>,
    %gather3A_284 = tpu.vector_load_idx %arg11[%get3A_277] : memref<8192xf32, #tpu.memory_space<vmem>>[vector<16xi32>], vector<16xf32>,
    %gather3A_285 = tpu.vector_load_idx %arg12[%get3A_277] : memref<8192xf32, #tpu.memory_space<vmem>>[vector<16xi32>], vector<16xf32>,
    %gather3A_286 = tpu.vector_load_idx %arg10[%get3A_279] : memref<8192xf32, #tpu.memory_space<vmem>>[vector<16xi32>], vector<16xf32>,
    %gather3A_287 = tpu.vector_load_idx %arg11[%get3A_279] : memref<8192xf32, #tpu.memory_space<vmem>>[vector<16xi32>], vector<16xf32>,
    %gather3A_288 = tpu.vector_load_idx %arg12[%get3A_279] : memref<8192xf32, #tpu.memory_space<vmem>>[vector<16xi32>], vector<16xf32>,
    %sub3A_289 = arith.subf %gather3A_283, %gather3A_280 : vector<16xf32>
    %sub3A_290 = arith.subf %gather3A_284, %gather3A_281 : vector<16xf32>
    %sub3A_291 = arith.subf %gather3A_285, %gather3A_282 : vector<16xf32>
    %sub3A_292 = arith.subf %gather3A_286, %gather3A_280 : vector<16xf32>
    %sub3A_293 = arith.subf %gather3A_287, %gather3A_281 : vector<16xf32>
    %sub3A_294 = arith.subf %gather3A_288, %gather3A_282 : vector<16xf32>
    %sub3A_295 = arith.subf %gather3A_286, %gather3A_283 : vector<16xf32>
    %sub3A_296 = arith.subf %gather3A_287, %gather3A_284 : vector<16xf32>
    %sub3A_297 = arith.subf %gather3A_288, %gather3A_285 : vector<16xf32>
    %mul3A_298 = arith.mulf %sub3A_290, %sub3A_294 : vector<16xf32>
    %mul3A_299 = arith.mulf %sub3A_291, %sub3A_293 : vector<16xf32>
    %sub3A_300 = arith.subf %mul3A_298, %mul3A_299 : vector<16xf32>
    %mul3A_301 = arith.mulf %sub3A_291, %sub3A_292 : vector<16xf32>
    %mul3A_302 = arith.mulf %sub3A_289, %sub3A_294 : vector<16xf32>
    %sub3A_303 = arith.subf %mul3A_301, %mul3A_302 : vector<16xf32>
    %mul3A_304 = arith.mulf %sub3A_289, %sub3A_293 : vector<16xf32>
    %mul3A_305 = arith.mulf %sub3A_290, %sub3A_292 : vector<16xf32>
    %sub3A_306 = arith.subf %mul3A_304, %mul3A_305 : vector<16xf32>
    %mul3A_307 = arith.mulf %sub3A_289, %gather3A_280 : vector<16xf32>
    %mul3A_308 = arith.mulf %sub3A_290, %gather3A_281 : vector<16xf32>
    %add3A_309 = arith.addf %mul3A_307, %mul3A_308 : vector<16xf32>
    %mul3A_310 = arith.mulf %sub3A_291, %gather3A_282 : vector<16xf32>
    %add3A_311 = arith.addf %add3A_309, %mul3A_310 : vector<16xf32>
    %mul3A_312 = arith.mulf %sub3A_292, %gather3A_280 : vector<16xf32>
    %mul3A_313 = arith.mulf %sub3A_293, %gather3A_281 : vector<16xf32>
    %add3A_314 = arith.addf %mul3A_312, %mul3A_313 : vector<16xf32>
    %mul3A_315 = arith.mulf %sub3A_294, %gather3A_282 : vector<16xf32>
    %add3A_316 = arith.addf %add3A_314, %mul3A_315 : vector<16xf32>
    %mul3A_317 = arith.mulf %gather3A_280, %gather3A_280 : vector<16xf32>
    %mul3A_318 = arith.mulf %gather3A_281, %gather3A_281 : vector<16xf32>
    %add3A_319 = arith.addf %mul3A_317, %mul3A_318 : vector<16xf32>
    %mul3A_320 = arith.mulf %gather3A_282, %gather3A_282 : vector<16xf32>
    %add3A_321 = arith.addf %add3A_319, %mul3A_320 : vector<16xf32>
    %mul3A_322 = arith.mulf %sub3A_289, %sub3A_289 : vector<16xf32>
    %mul3A_323 = arith.mulf %sub3A_290, %sub3A_290 : vector<16xf32>
    %add3A_324 = arith.addf %mul3A_322, %mul3A_323 : vector<16xf32>
    %mul3A_325 = arith.mulf %sub3A_291, %sub3A_291 : vector<16xf32>
    %add3A_326 = arith.addf %add3A_324, %mul3A_325 : vector<16xf32>
    %mul3A_327 = arith.mulf %sub3A_292, %sub3A_292 : vector<16xf32>
    %mul3A_328 = arith.mulf %sub3A_293, %sub3A_293 : vector<16xf32>
    %add3A_329 = arith.addf %mul3A_327, %mul3A_328 : vector<16xf32>
    %mul3A_330 = arith.mulf %sub3A_294, %sub3A_294 : vector<16xf32>
    %add3A_331 = arith.addf %add3A_329, %mul3A_330 : vector<16xf32>
    %mul3A_332 = arith.mulf %sub3A_295, %sub3A_295 : vector<16xf32>
    %mul3A_333 = arith.mulf %sub3A_296, %sub3A_296 : vector<16xf32>
    %add3A_334 = arith.addf %mul3A_332, %mul3A_333 : vector<16xf32>
    %mul3A_335 = arith.mulf %sub3A_297, %sub3A_297 : vector<16xf32>
    %add3A_336 = arith.addf %add3A_334, %mul3A_335 : vector<16xf32>
    %mul3A_337 = arith.mulf %sub3A_289, %sub3A_292 : vector<16xf32>
    %mul3A_338 = arith.mulf %sub3A_290, %sub3A_293 : vector<16xf32>
    %add3A_339 = arith.addf %mul3A_337, %mul3A_338 : vector<16xf32>
    %mul3A_340 = arith.mulf %sub3A_291, %sub3A_294 : vector<16xf32>
    %add3A_341 = arith.addf %add3A_339, %mul3A_340 : vector<16xf32>
    %mul3A_342 = arith.mulf %sub3A_300, %sub3A_300 : vector<16xf32>
    %mul3A_343 = arith.mulf %sub3A_303, %sub3A_303 : vector<16xf32>
    %add3A_344 = arith.addf %mul3A_342, %mul3A_343 : vector<16xf32>
    %mul3A_345 = arith.mulf %sub3A_306, %sub3A_306 : vector<16xf32>
    %add3A_346 = arith.addf %add3A_344, %mul3A_345 : vector<16xf32>
    %eq3A_347 = arith.constant 0.000000e+00 : f32
    %eq3A_348 = vector.broadcast %eq3A_347 : f32 to vector<16xf32>
    %eq3A_349 = arith.cmpf oeq, %add3A_326, %eq3A_348 : vector<16xf32>
    %select_n3A_350 = arith.select %eq3A_349, %broadcast_in_dim3A_5, %add3A_326 : vector<16xi1>, vector<16xf32>
    %div3A_351 = arith.divf %broadcast_in_dim3A_5, %select_n3A_350 : vector<16xf32>
    %eq3A_352 = arith.constant 0.000000e+00 : f32
    %eq3A_353 = vector.broadcast %eq3A_352 : f32 to vector<16xf32>
    %eq3A_354 = arith.cmpf oeq, %add3A_331, %eq3A_353 : vector<16xf32>
    %select_n3A_355 = arith.select %eq3A_354, %broadcast_in_dim3A_5, %add3A_331 : vector<16xi1>, vector<16xf32>
    %div3A_356 = arith.divf %broadcast_in_dim3A_5, %select_n3A_355 : vector<16xf32>
    %eq3A_357 = arith.constant 0.000000e+00 : f32
    %eq3A_358 = vector.broadcast %eq3A_357 : f32 to vector<16xf32>
    %eq3A_359 = arith.cmpf oeq, %add3A_336, %eq3A_358 : vector<16xf32>
    %select_n3A_360 = arith.select %eq3A_359, %broadcast_in_dim3A_5, %add3A_336 : vector<16xi1>, vector<16xf32>
    %div3A_361 = arith.divf %broadcast_in_dim3A_5, %select_n3A_360 : vector<16xf32>
    %eq3A_362 = arith.constant 0.000000e+00 : f32
    %eq3A_363 = vector.broadcast %eq3A_362 : f32 to vector<16xf32>
    %eq3A_364 = arith.cmpf oeq, %add3A_346, %eq3A_363 : vector<16xf32>
    %select_n3A_365 = arith.select %eq3A_364, %broadcast_in_dim3A_5, %add3A_346 : vector<16xi1>, vector<16xf32>
    %div3A_366 = arith.divf %broadcast_in_dim3A_5, %select_n3A_365 : vector<16xf32>
    %mul3A_367 = arith.mulf %add3A_326, %add3A_331 : vector<16xf32>
    %mul3A_368 = arith.constant 9.99999997E-7 : f32
    %mul3A_369 = vector.broadcast %mul3A_368 : f32 to vector<16xf32>
    %mul3A_370 = arith.mulf %mul3A_369, %mul3A_367 : vector<16xf32>
    %gt3A_371 = arith.cmpf ogt, %add3A_346, %mul3A_370 : vector<16xf32>
    %broadcast_in_dim3A_372 = arith.constant 1.000000e+30 : f32
    %broadcast_in_dim3A_373 = vector.broadcast %broadcast_in_dim3A_372 : f32 to vector<16xf32>
    %select_n3A_374 = arith.select %gt3A_371, %broadcast_in_dim3A_3, %broadcast_in_dim3A_373 : vector<16xi1>, vector<16xf32>
    %swap3A_375 = arith.constant 0 : i32
    %swap3A_376 = arith.index_cast %swap3A_375 : i32 to index
    %swap3A_377 = arith.constant 16 : index
    %swap3A_378 = tpu.vector_load %arg16[%swap3A_376, %swap3A_377] {strides = array<i32>} : memref<8x128xf32, #tpu.memory_space<vmem>>, vector<16xf32>,
    tpu.vector_store %arg16[%swap3A_376, %swap3A_377], %sub3A_289 {strides = array<i32>} : memref<8x128xf32, #tpu.memory_space<vmem>>, vector<16xf32>,
    %swap3A_379 = arith.constant 1 : i32
    %swap3A_380 = arith.index_cast %swap3A_379 : i32 to index
    %swap3A_381 = arith.constant 16 : index
    %swap3A_382 = tpu.vector_load %arg16[%swap3A_380, %swap3A_381] {strides = array<i32>} : memref<8x128xf32, #tpu.memory_space<vmem>>, vector<16xf32>,
    tpu.vector_store %arg16[%swap3A_380, %swap3A_381], %sub3A_290 {strides = array<i32>} : memref<8x128xf32, #tpu.memory_space<vmem>>, vector<16xf32>,
    %swap3A_383 = arith.constant 2 : i32
    %swap3A_384 = arith.index_cast %swap3A_383 : i32 to index
    %swap3A_385 = arith.constant 16 : index
    %swap3A_386 = tpu.vector_load %arg16[%swap3A_384, %swap3A_385] {strides = array<i32>} : memref<8x128xf32, #tpu.memory_space<vmem>>, vector<16xf32>,
    tpu.vector_store %arg16[%swap3A_384, %swap3A_385], %sub3A_291 {strides = array<i32>} : memref<8x128xf32, #tpu.memory_space<vmem>>, vector<16xf32>,
    %swap3A_387 = arith.constant 3 : i32
    %swap3A_388 = arith.index_cast %swap3A_387 : i32 to index
    %swap3A_389 = arith.constant 16 : index
    %swap3A_390 = tpu.vector_load %arg16[%swap3A_388, %swap3A_389] {strides = array<i32>} : memref<8x128xf32, #tpu.memory_space<vmem>>, vector<16xf32>,
    tpu.vector_store %arg16[%swap3A_388, %swap3A_389], %broadcast_in_dim3A_3 {strides = array<i32>} : memref<8x128xf32, #tpu.memory_space<vmem>>, vector<16xf32>,
    %neg3A_391 = arith.constant 0.000000e+00 : f32
    %neg3A_392 = vector.broadcast %neg3A_391 : f32 to vector<16xf32>
    %neg3A_393 = arith.subf %neg3A_392, %add3A_311 : vector<16xf32>
    %swap3A_394 = arith.constant 4 : i32
    %swap3A_395 = arith.index_cast %swap3A_394 : i32 to index
    %swap3A_396 = arith.constant 16 : index
    %swap3A_397 = tpu.vector_load %arg16[%swap3A_395, %swap3A_396] {strides = array<i32>} : memref<8x128xf32, #tpu.memory_space<vmem>>, vector<16xf32>,
    tpu.vector_store %arg16[%swap3A_395, %swap3A_396], %neg3A_393 {strides = array<i32>} : memref<8x128xf32, #tpu.memory_space<vmem>>, vector<16xf32>,
    %swap3A_398 = arith.constant 0 : i32
    %swap3A_399 = arith.index_cast %swap3A_398 : i32 to index
    %swap3A_400 = arith.constant 16 : index
    %swap3A_401 = tpu.vector_load %arg17[%swap3A_399, %swap3A_400] {strides = array<i32>} : memref<8x128xf32, #tpu.memory_space<vmem>>, vector<16xf32>,
    tpu.vector_store %arg17[%swap3A_399, %swap3A_400], %sub3A_292 {strides = array<i32>} : memref<8x128xf32, #tpu.memory_space<vmem>>, vector<16xf32>,
    %swap3A_402 = arith.constant 1 : i32
    %swap3A_403 = arith.index_cast %swap3A_402 : i32 to index
    %swap3A_404 = arith.constant 16 : index
    %swap3A_405 = tpu.vector_load %arg17[%swap3A_403, %swap3A_404] {strides = array<i32>} : memref<8x128xf32, #tpu.memory_space<vmem>>, vector<16xf32>,
    tpu.vector_store %arg17[%swap3A_403, %swap3A_404], %sub3A_293 {strides = array<i32>} : memref<8x128xf32, #tpu.memory_space<vmem>>, vector<16xf32>,
    %swap3A_406 = arith.constant 2 : i32
    %swap3A_407 = arith.index_cast %swap3A_406 : i32 to index
    %swap3A_408 = arith.constant 16 : index
    %swap3A_409 = tpu.vector_load %arg17[%swap3A_407, %swap3A_408] {strides = array<i32>} : memref<8x128xf32, #tpu.memory_space<vmem>>, vector<16xf32>,
    tpu.vector_store %arg17[%swap3A_407, %swap3A_408], %sub3A_294 {strides = array<i32>} : memref<8x128xf32, #tpu.memory_space<vmem>>, vector<16xf32>,
    %swap3A_410 = arith.constant 3 : i32
    %swap3A_411 = arith.index_cast %swap3A_410 : i32 to index
    %swap3A_412 = arith.constant 16 : index
    %swap3A_413 = tpu.vector_load %arg17[%swap3A_411, %swap3A_412] {strides = array<i32>} : memref<8x128xf32, #tpu.memory_space<vmem>>, vector<16xf32>,
    tpu.vector_store %arg17[%swap3A_411, %swap3A_412], %broadcast_in_dim3A_3 {strides = array<i32>} : memref<8x128xf32, #tpu.memory_space<vmem>>, vector<16xf32>,
    %neg3A_414 = arith.constant 0.000000e+00 : f32
    %neg3A_415 = vector.broadcast %neg3A_414 : f32 to vector<16xf32>
    %neg3A_416 = arith.subf %neg3A_415, %add3A_316 : vector<16xf32>
    %swap3A_417 = arith.constant 4 : i32
    %swap3A_418 = arith.index_cast %swap3A_417 : i32 to index
    %swap3A_419 = arith.constant 16 : index
    %swap3A_420 = tpu.vector_load %arg17[%swap3A_418, %swap3A_419] {strides = array<i32>} : memref<8x128xf32, #tpu.memory_space<vmem>>, vector<16xf32>,
    tpu.vector_store %arg17[%swap3A_418, %swap3A_419], %neg3A_416 {strides = array<i32>} : memref<8x128xf32, #tpu.memory_space<vmem>>, vector<16xf32>,
    %mul3A_421 = arith.constant -2.000000e+00 : f32
    %mul3A_422 = vector.broadcast %mul3A_421 : f32 to vector<16xf32>
    %mul3A_423 = arith.mulf %mul3A_422, %gather3A_280 : vector<16xf32>
    %swap3A_424 = arith.constant 0 : i32
    %swap3A_425 = arith.index_cast %swap3A_424 : i32 to index
    %swap3A_426 = arith.constant 16 : index
    %swap3A_427 = tpu.vector_load %arg18[%swap3A_425, %swap3A_426] {strides = array<i32>} : memref<8x128xf32, #tpu.memory_space<vmem>>, vector<16xf32>,
    tpu.vector_store %arg18[%swap3A_425, %swap3A_426], %mul3A_423 {strides = array<i32>} : memref<8x128xf32, #tpu.memory_space<vmem>>, vector<16xf32>,
    %mul3A_428 = arith.constant -2.000000e+00 : f32
    %mul3A_429 = vector.broadcast %mul3A_428 : f32 to vector<16xf32>
    %mul3A_430 = arith.mulf %mul3A_429, %gather3A_281 : vector<16xf32>
    %swap3A_431 = arith.constant 1 : i32
    %swap3A_432 = arith.index_cast %swap3A_431 : i32 to index
    %swap3A_433 = arith.constant 16 : index
    %swap3A_434 = tpu.vector_load %arg18[%swap3A_432, %swap3A_433] {strides = array<i32>} : memref<8x128xf32, #tpu.memory_space<vmem>>, vector<16xf32>,
    tpu.vector_store %arg18[%swap3A_432, %swap3A_433], %mul3A_430 {strides = array<i32>} : memref<8x128xf32, #tpu.memory_space<vmem>>, vector<16xf32>,
    %mul3A_435 = arith.constant -2.000000e+00 : f32
    %mul3A_436 = vector.broadcast %mul3A_435 : f32 to vector<16xf32>
    %mul3A_437 = arith.mulf %mul3A_436, %gather3A_282 : vector<16xf32>
    %swap3A_438 = arith.constant 2 : i32
    %swap3A_439 = arith.index_cast %swap3A_438 : i32 to index
    %swap3A_440 = arith.constant 16 : index
    %swap3A_441 = tpu.vector_load %arg18[%swap3A_439, %swap3A_440] {strides = array<i32>} : memref<8x128xf32, #tpu.memory_space<vmem>>, vector<16xf32>,
    tpu.vector_store %arg18[%swap3A_439, %swap3A_440], %mul3A_437 {strides = array<i32>} : memref<8x128xf32, #tpu.memory_space<vmem>>, vector<16xf32>,
    %swap3A_442 = arith.constant 3 : i32
    %swap3A_443 = arith.index_cast %swap3A_442 : i32 to index
    %swap3A_444 = arith.constant 16 : index
    %swap3A_445 = tpu.vector_load %arg18[%swap3A_443, %swap3A_444] {strides = array<i32>} : memref<8x128xf32, #tpu.memory_space<vmem>>, vector<16xf32>,
    tpu.vector_store %arg18[%swap3A_443, %swap3A_444], %broadcast_in_dim3A_5 {strides = array<i32>} : memref<8x128xf32, #tpu.memory_space<vmem>>, vector<16xf32>,
    %swap3A_446 = arith.constant 4 : i32
    %swap3A_447 = arith.index_cast %swap3A_446 : i32 to index
    %swap3A_448 = arith.constant 16 : index
    %swap3A_449 = tpu.vector_load %arg18[%swap3A_447, %swap3A_448] {strides = array<i32>} : memref<8x128xf32, #tpu.memory_space<vmem>>, vector<16xf32>,
    tpu.vector_store %arg18[%swap3A_447, %swap3A_448], %add3A_321 {strides = array<i32>} : memref<8x128xf32, #tpu.memory_space<vmem>>, vector<16xf32>,
    %swap3A_450 = arith.constant 5 : i32
    %swap3A_451 = arith.index_cast %swap3A_450 : i32 to index
    %swap3A_452 = arith.constant 16 : index
    %swap3A_453 = tpu.vector_load %arg16[%swap3A_451, %swap3A_452] {strides = array<i32>} : memref<8x128xf32, #tpu.memory_space<vmem>>, vector<16xf32>,
    tpu.vector_store %arg16[%swap3A_451, %swap3A_452], %broadcast_in_dim3A_3 {strides = array<i32>} : memref<8x128xf32, #tpu.memory_space<vmem>>, vector<16xf32>,
    %swap3A_454 = arith.constant 6 : i32
    %swap3A_455 = arith.index_cast %swap3A_454 : i32 to index
    %swap3A_456 = arith.constant 16 : index
    %swap3A_457 = tpu.vector_load %arg16[%swap3A_455, %swap3A_456] {strides = array<i32>} : memref<8x128xf32, #tpu.memory_space<vmem>>, vector<16xf32>,
    tpu.vector_store %arg16[%swap3A_455, %swap3A_456], %broadcast_in_dim3A_3 {strides = array<i32>} : memref<8x128xf32, #tpu.memory_space<vmem>>, vector<16xf32>,
    %swap3A_458 = arith.constant 7 : i32
    %swap3A_459 = arith.index_cast %swap3A_458 : i32 to index
    %swap3A_460 = arith.constant 16 : index
    %swap3A_461 = tpu.vector_load %arg16[%swap3A_459, %swap3A_460] {strides = array<i32>} : memref<8x128xf32, #tpu.memory_space<vmem>>, vector<16xf32>,
    tpu.vector_store %arg16[%swap3A_459, %swap3A_460], %broadcast_in_dim3A_3 {strides = array<i32>} : memref<8x128xf32, #tpu.memory_space<vmem>>, vector<16xf32>,
    %swap3A_462 = arith.constant 5 : i32
    %swap3A_463 = arith.index_cast %swap3A_462 : i32 to index
    %swap3A_464 = arith.constant 16 : index
    %swap3A_465 = tpu.vector_load %arg17[%swap3A_463, %swap3A_464] {strides = array<i32>} : memref<8x128xf32, #tpu.memory_space<vmem>>, vector<16xf32>,
    tpu.vector_store %arg17[%swap3A_463, %swap3A_464], %broadcast_in_dim3A_3 {strides = array<i32>} : memref<8x128xf32, #tpu.memory_space<vmem>>, vector<16xf32>,
    %swap3A_466 = arith.constant 6 : i32
    %swap3A_467 = arith.index_cast %swap3A_466 : i32 to index
    %swap3A_468 = arith.constant 16 : index
    %swap3A_469 = tpu.vector_load %arg17[%swap3A_467, %swap3A_468] {strides = array<i32>} : memref<8x128xf32, #tpu.memory_space<vmem>>, vector<16xf32>,
    tpu.vector_store %arg17[%swap3A_467, %swap3A_468], %broadcast_in_dim3A_3 {strides = array<i32>} : memref<8x128xf32, #tpu.memory_space<vmem>>, vector<16xf32>,
    %swap3A_470 = arith.constant 7 : i32
    %swap3A_471 = arith.index_cast %swap3A_470 : i32 to index
    %swap3A_472 = arith.constant 16 : index
    %swap3A_473 = tpu.vector_load %arg17[%swap3A_471, %swap3A_472] {strides = array<i32>} : memref<8x128xf32, #tpu.memory_space<vmem>>, vector<16xf32>,
    tpu.vector_store %arg17[%swap3A_471, %swap3A_472], %broadcast_in_dim3A_3 {strides = array<i32>} : memref<8x128xf32, #tpu.memory_space<vmem>>, vector<16xf32>,
    %swap3A_474 = arith.constant 5 : i32
    %swap3A_475 = arith.index_cast %swap3A_474 : i32 to index
    %swap3A_476 = arith.constant 16 : index
    %swap3A_477 = tpu.vector_load %arg18[%swap3A_475, %swap3A_476] {strides = array<i32>} : memref<8x128xf32, #tpu.memory_space<vmem>>, vector<16xf32>,
    tpu.vector_store %arg18[%swap3A_475, %swap3A_476], %broadcast_in_dim3A_3 {strides = array<i32>} : memref<8x128xf32, #tpu.memory_space<vmem>>, vector<16xf32>,
    %swap3A_478 = arith.constant 6 : i32
    %swap3A_479 = arith.index_cast %swap3A_478 : i32 to index
    %swap3A_480 = arith.constant 16 : index
    %swap3A_481 = tpu.vector_load %arg18[%swap3A_479, %swap3A_480] {strides = array<i32>} : memref<8x128xf32, #tpu.memory_space<vmem>>, vector<16xf32>,
    tpu.vector_store %arg18[%swap3A_479, %swap3A_480], %broadcast_in_dim3A_3 {strides = array<i32>} : memref<8x128xf32, #tpu.memory_space<vmem>>, vector<16xf32>,
    %swap3A_482 = arith.constant 7 : i32
    %swap3A_483 = arith.index_cast %swap3A_482 : i32 to index
    %swap3A_484 = arith.constant 16 : index
    %swap3A_485 = tpu.vector_load %arg18[%swap3A_483, %swap3A_484] {strides = array<i32>} : memref<8x128xf32, #tpu.memory_space<vmem>>, vector<16xf32>,
    tpu.vector_store %arg18[%swap3A_483, %swap3A_484], %broadcast_in_dim3A_3 {strides = array<i32>} : memref<8x128xf32, #tpu.memory_space<vmem>>, vector<16xf32>,
    %swap3A_486 = arith.constant 0 : i32
    %swap3A_487 = arith.index_cast %swap3A_486 : i32 to index
    %swap3A_488 = arith.constant 16 : index
    %swap3A_489 = tpu.vector_load %arg19[%swap3A_487, %swap3A_488] {strides = array<i32>} : memref<16x128xf32, #tpu.memory_space<vmem>>, vector<16xf32>,
    tpu.vector_store %arg19[%swap3A_487, %swap3A_488], %add3A_326 {strides = array<i32>} : memref<16x128xf32, #tpu.memory_space<vmem>>, vector<16xf32>,
    %swap3A_490 = arith.constant 1 : i32
    %swap3A_491 = arith.index_cast %swap3A_490 : i32 to index
    %swap3A_492 = arith.constant 16 : index
    %swap3A_493 = tpu.vector_load %arg19[%swap3A_491, %swap3A_492] {strides = array<i32>} : memref<16x128xf32, #tpu.memory_space<vmem>>, vector<16xf32>,
    tpu.vector_store %arg19[%swap3A_491, %swap3A_492], %add3A_331 {strides = array<i32>} : memref<16x128xf32, #tpu.memory_space<vmem>>, vector<16xf32>,
    %swap3A_494 = arith.constant 2 : i32
    %swap3A_495 = arith.index_cast %swap3A_494 : i32 to index
    %swap3A_496 = arith.constant 16 : index
    %swap3A_497 = tpu.vector_load %arg19[%swap3A_495, %swap3A_496] {strides = array<i32>} : memref<16x128xf32, #tpu.memory_space<vmem>>, vector<16xf32>,
    tpu.vector_store %arg19[%swap3A_495, %swap3A_496], %add3A_336 {strides = array<i32>} : memref<16x128xf32, #tpu.memory_space<vmem>>, vector<16xf32>,
    %swap3A_498 = arith.constant 3 : i32
    %swap3A_499 = arith.index_cast %swap3A_498 : i32 to index
    %swap3A_500 = arith.constant 16 : index
    %swap3A_501 = tpu.vector_load %arg19[%swap3A_499, %swap3A_500] {strides = array<i32>} : memref<16x128xf32, #tpu.memory_space<vmem>>, vector<16xf32>,
    tpu.vector_store %arg19[%swap3A_499, %swap3A_500], %div3A_351 {strides = array<i32>} : memref<16x128xf32, #tpu.memory_space<vmem>>, vector<16xf32>,
    %swap3A_502 = arith.constant 4 : i32
    %swap3A_503 = arith.index_cast %swap3A_502 : i32 to index
    %swap3A_504 = arith.constant 16 : index
    %swap3A_505 = tpu.vector_load %arg19[%swap3A_503, %swap3A_504] {strides = array<i32>} : memref<16x128xf32, #tpu.memory_space<vmem>>, vector<16xf32>,
    tpu.vector_store %arg19[%swap3A_503, %swap3A_504], %div3A_356 {strides = array<i32>} : memref<16x128xf32, #tpu.memory_space<vmem>>, vector<16xf32>,
    %swap3A_506 = arith.constant 5 : i32
    %swap3A_507 = arith.index_cast %swap3A_506 : i32 to index
    %swap3A_508 = arith.constant 16 : index
    %swap3A_509 = tpu.vector_load %arg19[%swap3A_507, %swap3A_508] {strides = array<i32>} : memref<16x128xf32, #tpu.memory_space<vmem>>, vector<16xf32>,
    tpu.vector_store %arg19[%swap3A_507, %swap3A_508], %div3A_361 {strides = array<i32>} : memref<16x128xf32, #tpu.memory_space<vmem>>, vector<16xf32>,
    %swap3A_510 = arith.constant 6 : i32
    %swap3A_511 = arith.index_cast %swap3A_510 : i32 to index
    %swap3A_512 = arith.constant 16 : index
    %swap3A_513 = tpu.vector_load %arg19[%swap3A_511, %swap3A_512] {strides = array<i32>} : memref<16x128xf32, #tpu.memory_space<vmem>>, vector<16xf32>,
    tpu.vector_store %arg19[%swap3A_511, %swap3A_512], %div3A_366 {strides = array<i32>} : memref<16x128xf32, #tpu.memory_space<vmem>>, vector<16xf32>,
    %sub3A_514 = arith.subf %add3A_326, %add3A_341 : vector<16xf32>
    %swap3A_515 = arith.constant 7 : i32
    %swap3A_516 = arith.index_cast %swap3A_515 : i32 to index
    %swap3A_517 = arith.constant 16 : index
    %swap3A_518 = tpu.vector_load %arg19[%swap3A_516, %swap3A_517] {strides = array<i32>} : memref<16x128xf32, #tpu.memory_space<vmem>>, vector<16xf32>,
    tpu.vector_store %arg19[%swap3A_516, %swap3A_517], %sub3A_514 {strides = array<i32>} : memref<16x128xf32, #tpu.memory_space<vmem>>, vector<16xf32>,
    %swap3A_519 = arith.constant 8 : i32
    %swap3A_520 = arith.index_cast %swap3A_519 : i32 to index
    %swap3A_521 = arith.constant 16 : index
    %swap3A_522 = tpu.vector_load %arg19[%swap3A_520, %swap3A_521] {strides = array<i32>} : memref<16x128xf32, #tpu.memory_space<vmem>>, vector<16xf32>,
    tpu.vector_store %arg19[%swap3A_520, %swap3A_521], %select_n3A_374 {strides = array<i32>} : memref<16x128xf32, #tpu.memory_space<vmem>>, vector<16xf32>,
    %swap3A_523 = arith.constant 9 : i32
    %swap3A_524 = arith.index_cast %swap3A_523 : i32 to index
    %swap3A_525 = arith.constant 16 : index
    %swap3A_526 = tpu.vector_load %arg19[%swap3A_524, %swap3A_525] {strides = array<i32>} : memref<16x128xf32, #tpu.memory_space<vmem>>, vector<16xf32>,
    tpu.vector_store %arg19[%swap3A_524, %swap3A_525], %add3A_346 {strides = array<i32>} : memref<16x128xf32, #tpu.memory_space<vmem>>, vector<16xf32>,
    %swap3A_527 = arith.constant 10 : i32
    %swap3A_528 = arith.index_cast %swap3A_527 : i32 to index
    %swap3A_529 = arith.constant 16 : index
    %swap3A_530 = tpu.vector_load %arg19[%swap3A_528, %swap3A_529] {strides = array<i32>} : memref<16x128xf32, #tpu.memory_space<vmem>>, vector<16xf32>,
    tpu.vector_store %arg19[%swap3A_528, %swap3A_529], %add3A_341 {strides = array<i32>} : memref<16x128xf32, #tpu.memory_space<vmem>>, vector<16xf32>,
    %swap3A_531 = arith.constant 11 : i32
    %swap3A_532 = arith.index_cast %swap3A_531 : i32 to index
    %swap3A_533 = arith.constant 16 : index
    %swap3A_534 = tpu.vector_load %arg19[%swap3A_532, %swap3A_533] {strides = array<i32>} : memref<16x128xf32, #tpu.memory_space<vmem>>, vector<16xf32>,
    tpu.vector_store %arg19[%swap3A_532, %swap3A_533], %broadcast_in_dim3A_3 {strides = array<i32>} : memref<16x128xf32, #tpu.memory_space<vmem>>, vector<16xf32>,
    %swap3A_535 = arith.constant 12 : i32
    %swap3A_536 = arith.index_cast %swap3A_535 : i32 to index
    %swap3A_537 = arith.constant 16 : index
    %swap3A_538 = tpu.vector_load %arg19[%swap3A_536, %swap3A_537] {strides = array<i32>} : memref<16x128xf32, #tpu.memory_space<vmem>>, vector<16xf32>,
    tpu.vector_store %arg19[%swap3A_536, %swap3A_537], %broadcast_in_dim3A_3 {strides = array<i32>} : memref<16x128xf32, #tpu.memory_space<vmem>>, vector<16xf32>,
    %swap3A_539 = arith.constant 13 : i32
    %swap3A_540 = arith.index_cast %swap3A_539 : i32 to index
    %swap3A_541 = arith.constant 16 : index
    %swap3A_542 = tpu.vector_load %arg19[%swap3A_540, %swap3A_541] {strides = array<i32>} : memref<16x128xf32, #tpu.memory_space<vmem>>, vector<16xf32>,
    tpu.vector_store %arg19[%swap3A_540, %swap3A_541], %broadcast_in_dim3A_3 {strides = array<i32>} : memref<16x128xf32, #tpu.memory_space<vmem>>, vector<16xf32>,
    %swap3A_543 = arith.constant 14 : i32
    %swap3A_544 = arith.index_cast %swap3A_543 : i32 to index
    %swap3A_545 = arith.constant 16 : index
    %swap3A_546 = tpu.vector_load %arg19[%swap3A_544, %swap3A_545] {strides = array<i32>} : memref<16x128xf32, #tpu.memory_space<vmem>>, vector<16xf32>,
    tpu.vector_store %arg19[%swap3A_544, %swap3A_545], %broadcast_in_dim3A_3 {strides = array<i32>} : memref<16x128xf32, #tpu.memory_space<vmem>>, vector<16xf32>,
    %swap3A_547 = arith.constant 15 : i32
    %swap3A_548 = arith.index_cast %swap3A_547 : i32 to index
    %swap3A_549 = arith.constant 16 : index
    %swap3A_550 = tpu.vector_load %arg19[%swap3A_548, %swap3A_549] {strides = array<i32>} : memref<16x128xf32, #tpu.memory_space<vmem>>, vector<16xf32>,
    tpu.vector_store %arg19[%swap3A_548, %swap3A_549], %broadcast_in_dim3A_3 {strides = array<i32>} : memref<16x128xf32, #tpu.memory_space<vmem>>, vector<16xf32>,
    %get3A_551 = arith.constant 32 : index
    %get3A_552 = tpu.vector_load %arg13[%get3A_551] {strides = array<i32>} : memref<128xi32, #tpu.memory_space<vmem>>, vector<16xi32>,
    %get3A_553 = arith.constant 32 : index
    %get3A_554 = tpu.vector_load %arg14[%get3A_553] {strides = array<i32>} : memref<128xi32, #tpu.memory_space<vmem>>, vector<16xi32>,
    %get3A_555 = arith.constant 32 : index
    %get3A_556 = tpu.vector_load %arg15[%get3A_555] {strides = array<i32>} : memref<128xi32, #tpu.memory_space<vmem>>, vector<16xi32>,
    %gather3A_557 = tpu.vector_load_idx %arg10[%get3A_552] : memref<8192xf32, #tpu.memory_space<vmem>>[vector<16xi32>], vector<16xf32>,
    %gather3A_558 = tpu.vector_load_idx %arg11[%get3A_552] : memref<8192xf32, #tpu.memory_space<vmem>>[vector<16xi32>], vector<16xf32>,
    %gather3A_559 = tpu.vector_load_idx %arg12[%get3A_552] : memref<8192xf32, #tpu.memory_space<vmem>>[vector<16xi32>], vector<16xf32>,
    %gather3A_560 = tpu.vector_load_idx %arg10[%get3A_554] : memref<8192xf32, #tpu.memory_space<vmem>>[vector<16xi32>], vector<16xf32>,
    %gather3A_561 = tpu.vector_load_idx %arg11[%get3A_554] : memref<8192xf32, #tpu.memory_space<vmem>>[vector<16xi32>], vector<16xf32>,
    %gather3A_562 = tpu.vector_load_idx %arg12[%get3A_554] : memref<8192xf32, #tpu.memory_space<vmem>>[vector<16xi32>], vector<16xf32>,
    %gather3A_563 = tpu.vector_load_idx %arg10[%get3A_556] : memref<8192xf32, #tpu.memory_space<vmem>>[vector<16xi32>], vector<16xf32>,
    %gather3A_564 = tpu.vector_load_idx %arg11[%get3A_556] : memref<8192xf32, #tpu.memory_space<vmem>>[vector<16xi32>], vector<16xf32>,
    %gather3A_565 = tpu.vector_load_idx %arg12[%get3A_556] : memref<8192xf32, #tpu.memory_space<vmem>>[vector<16xi32>], vector<16xf32>,
    %sub3A_566 = arith.subf %gather3A_560, %gather3A_557 : vector<16xf32>
    %sub3A_567 = arith.subf %gather3A_561, %gather3A_558 : vector<16xf32>
    %sub3A_568 = arith.subf %gather3A_562, %gather3A_559 : vector<16xf32>
    %sub3A_569 = arith.subf %gather3A_563, %gather3A_557 : vector<16xf32>
    %sub3A_570 = arith.subf %gather3A_564, %gather3A_558 : vector<16xf32>
    %sub3A_571 = arith.subf %gather3A_565, %gather3A_559 : vector<16xf32>
    %sub3A_572 = arith.subf %gather3A_563, %gather3A_560 : vector<16xf32>
    %sub3A_573 = arith.subf %gather3A_564, %gather3A_561 : vector<16xf32>
    %sub3A_574 = arith.subf %gather3A_565, %gather3A_562 : vector<16xf32>
    %mul3A_575 = arith.mulf %sub3A_567, %sub3A_571 : vector<16xf32>
    %mul3A_576 = arith.mulf %sub3A_568, %sub3A_570 : vector<16xf32>
    %sub3A_577 = arith.subf %mul3A_575, %mul3A_576 : vector<16xf32>
    %mul3A_578 = arith.mulf %sub3A_568, %sub3A_569 : vector<16xf32>
    %mul3A_579 = arith.mulf %sub3A_566, %sub3A_571 : vector<16xf32>
    %sub3A_580 = arith.subf %mul3A_578, %mul3A_579 : vector<16xf32>
    %mul3A_581 = arith.mulf %sub3A_566, %sub3A_570 : vector<16xf32>
    %mul3A_582 = arith.mulf %sub3A_567, %sub3A_569 : vector<16xf32>
    %sub3A_583 = arith.subf %mul3A_581, %mul3A_582 : vector<16xf32>
    %mul3A_584 = arith.mulf %sub3A_566, %gather3A_557 : vector<16xf32>
    %mul3A_585 = arith.mulf %sub3A_567, %gather3A_558 : vector<16xf32>
    %add3A_586 = arith.addf %mul3A_584, %mul3A_585 : vector<16xf32>
    %mul3A_587 = arith.mulf %sub3A_568, %gather3A_559 : vector<16xf32>
    %add3A_588 = arith.addf %add3A_586, %mul3A_587 : vector<16xf32>
    %mul3A_589 = arith.mulf %sub3A_569, %gather3A_557 : vector<16xf32>
    %mul3A_590 = arith.mulf %sub3A_570, %gather3A_558 : vector<16xf32>
    %add3A_591 = arith.addf %mul3A_589, %mul3A_590 : vector<16xf32>
    %mul3A_592 = arith.mulf %sub3A_571, %gather3A_559 : vector<16xf32>
    %add3A_593 = arith.addf %add3A_591, %mul3A_592 : vector<16xf32>
    %mul3A_594 = arith.mulf %gather3A_557, %gather3A_557 : vector<16xf32>
    %mul3A_595 = arith.mulf %gather3A_558, %gather3A_558 : vector<16xf32>
    %add3A_596 = arith.addf %mul3A_594, %mul3A_595 : vector<16xf32>
    %mul3A_597 = arith.mulf %gather3A_559, %gather3A_559 : vector<16xf32>
    %add3A_598 = arith.addf %add3A_596, %mul3A_597 : vector<16xf32>
    %mul3A_599 = arith.mulf %sub3A_566, %sub3A_566 : vector<16xf32>
    %mul3A_600 = arith.mulf %sub3A_567, %sub3A_567 : vector<16xf32>
    %add3A_601 = arith.addf %mul3A_599, %mul3A_600 : vector<16xf32>
    %mul3A_602 = arith.mulf %sub3A_568, %sub3A_568 : vector<16xf32>
    %add3A_603 = arith.addf %add3A_601, %mul3A_602 : vector<16xf32>
    %mul3A_604 = arith.mulf %sub3A_569, %sub3A_569 : vector<16xf32>
    %mul3A_605 = arith.mulf %sub3A_570, %sub3A_570 : vector<16xf32>
    %add3A_606 = arith.addf %mul3A_604, %mul3A_605 : vector<16xf32>
    %mul3A_607 = arith.mulf %sub3A_571, %sub3A_571 : vector<16xf32>
    %add3A_608 = arith.addf %add3A_606, %mul3A_607 : vector<16xf32>
    %mul3A_609 = arith.mulf %sub3A_572, %sub3A_572 : vector<16xf32>
    %mul3A_610 = arith.mulf %sub3A_573, %sub3A_573 : vector<16xf32>
    %add3A_611 = arith.addf %mul3A_609, %mul3A_610 : vector<16xf32>
    %mul3A_612 = arith.mulf %sub3A_574, %sub3A_574 : vector<16xf32>
    %add3A_613 = arith.addf %add3A_611, %mul3A_612 : vector<16xf32>
    %mul3A_614 = arith.mulf %sub3A_566, %sub3A_569 : vector<16xf32>
    %mul3A_615 = arith.mulf %sub3A_567, %sub3A_570 : vector<16xf32>
    %add3A_616 = arith.addf %mul3A_614, %mul3A_615 : vector<16xf32>
    %mul3A_617 = arith.mulf %sub3A_568, %sub3A_571 : vector<16xf32>
    %add3A_618 = arith.addf %add3A_616, %mul3A_617 : vector<16xf32>
    %mul3A_619 = arith.mulf %sub3A_577, %sub3A_577 : vector<16xf32>
    %mul3A_620 = arith.mulf %sub3A_580, %sub3A_580 : vector<16xf32>
    %add3A_621 = arith.addf %mul3A_619, %mul3A_620 : vector<16xf32>
    %mul3A_622 = arith.mulf %sub3A_583, %sub3A_583 : vector<16xf32>
    %add3A_623 = arith.addf %add3A_621, %mul3A_622 : vector<16xf32>
    %eq3A_624 = arith.constant 0.000000e+00 : f32
    %eq3A_625 = vector.broadcast %eq3A_624 : f32 to vector<16xf32>
    %eq3A_626 = arith.cmpf oeq, %add3A_603, %eq3A_625 : vector<16xf32>
    %select_n3A_627 = arith.select %eq3A_626, %broadcast_in_dim3A_5, %add3A_603 : vector<16xi1>, vector<16xf32>
    %div3A_628 = arith.divf %broadcast_in_dim3A_5, %select_n3A_627 : vector<16xf32>
    %eq3A_629 = arith.constant 0.000000e+00 : f32
    %eq3A_630 = vector.broadcast %eq3A_629 : f32 to vector<16xf32>
    %eq3A_631 = arith.cmpf oeq, %add3A_608, %eq3A_630 : vector<16xf32>
    %select_n3A_632 = arith.select %eq3A_631, %broadcast_in_dim3A_5, %add3A_608 : vector<16xi1>, vector<16xf32>
    %div3A_633 = arith.divf %broadcast_in_dim3A_5, %select_n3A_632 : vector<16xf32>
    %eq3A_634 = arith.constant 0.000000e+00 : f32
    %eq3A_635 = vector.broadcast %eq3A_634 : f32 to vector<16xf32>
    %eq3A_636 = arith.cmpf oeq, %add3A_613, %eq3A_635 : vector<16xf32>
    %select_n3A_637 = arith.select %eq3A_636, %broadcast_in_dim3A_5, %add3A_613 : vector<16xi1>, vector<16xf32>
    %div3A_638 = arith.divf %broadcast_in_dim3A_5, %select_n3A_637 : vector<16xf32>
    %eq3A_639 = arith.constant 0.000000e+00 : f32
    %eq3A_640 = vector.broadcast %eq3A_639 : f32 to vector<16xf32>
    %eq3A_641 = arith.cmpf oeq, %add3A_623, %eq3A_640 : vector<16xf32>
    %select_n3A_642 = arith.select %eq3A_641, %broadcast_in_dim3A_5, %add3A_623 : vector<16xi1>, vector<16xf32>
    %div3A_643 = arith.divf %broadcast_in_dim3A_5, %select_n3A_642 : vector<16xf32>
    %mul3A_644 = arith.mulf %add3A_603, %add3A_608 : vector<16xf32>
    %mul3A_645 = arith.constant 9.99999997E-7 : f32
    %mul3A_646 = vector.broadcast %mul3A_645 : f32 to vector<16xf32>
    %mul3A_647 = arith.mulf %mul3A_646, %mul3A_644 : vector<16xf32>
    %gt3A_648 = arith.cmpf ogt, %add3A_623, %mul3A_647 : vector<16xf32>
    %broadcast_in_dim3A_649 = arith.constant 1.000000e+30 : f32
    %broadcast_in_dim3A_650 = vector.broadcast %broadcast_in_dim3A_649 : f32 to vector<16xf32>
    %select_n3A_651 = arith.select %gt3A_648, %broadcast_in_dim3A_3, %broadcast_in_dim3A_650 : vector<16xi1>, vector<16xf32>
    %swap3A_652 = arith.constant 0 : i32
    %swap3A_653 = arith.index_cast %swap3A_652 : i32 to index
    %swap3A_654 = arith.constant 32 : index
    %swap3A_655 = tpu.vector_load %arg16[%swap3A_653, %swap3A_654] {strides = array<i32>} : memref<8x128xf32, #tpu.memory_space<vmem>>, vector<16xf32>,
    tpu.vector_store %arg16[%swap3A_653, %swap3A_654], %sub3A_566 {strides = array<i32>} : memref<8x128xf32, #tpu.memory_space<vmem>>, vector<16xf32>,
    %swap3A_656 = arith.constant 1 : i32
    %swap3A_657 = arith.index_cast %swap3A_656 : i32 to index
    %swap3A_658 = arith.constant 32 : index
    %swap3A_659 = tpu.vector_load %arg16[%swap3A_657, %swap3A_658] {strides = array<i32>} : memref<8x128xf32, #tpu.memory_space<vmem>>, vector<16xf32>,
    tpu.vector_store %arg16[%swap3A_657, %swap3A_658], %sub3A_567 {strides = array<i32>} : memref<8x128xf32, #tpu.memory_space<vmem>>, vector<16xf32>,
    %swap3A_660 = arith.constant 2 : i32
    %swap3A_661 = arith.index_cast %swap3A_660 : i32 to index
    %swap3A_662 = arith.constant 32 : index
    %swap3A_663 = tpu.vector_load %arg16[%swap3A_661, %swap3A_662] {strides = array<i32>} : memref<8x128xf32, #tpu.memory_space<vmem>>, vector<16xf32>,
    tpu.vector_store %arg16[%swap3A_661, %swap3A_662], %sub3A_568 {strides = array<i32>} : memref<8x128xf32, #tpu.memory_space<vmem>>, vector<16xf32>,
    %swap3A_664 = arith.constant 3 : i32
    %swap3A_665 = arith.index_cast %swap3A_664 : i32 to index
    %swap3A_666 = arith.constant 32 : index
    %swap3A_667 = tpu.vector_load %arg16[%swap3A_665, %swap3A_666] {strides = array<i32>} : memref<8x128xf32, #tpu.memory_space<vmem>>, vector<16xf32>,
    tpu.vector_store %arg16[%swap3A_665, %swap3A_666], %broadcast_in_dim3A_3 {strides = array<i32>} : memref<8x128xf32, #tpu.memory_space<vmem>>, vector<16xf32>,
    %neg3A_668 = arith.constant 0.000000e+00 : f32
    %neg3A_669 = vector.broadcast %neg3A_668 : f32 to vector<16xf32>
    %neg3A_670 = arith.subf %neg3A_669, %add3A_588 : vector<16xf32>
    %swap3A_671 = arith.constant 4 : i32
    %swap3A_672 = arith.index_cast %swap3A_671 : i32 to index
    %swap3A_673 = arith.constant 32 : index
    %swap3A_674 = tpu.vector_load %arg16[%swap3A_672, %swap3A_673] {strides = array<i32>} : memref<8x128xf32, #tpu.memory_space<vmem>>, vector<16xf32>,
    tpu.vector_store %arg16[%swap3A_672, %swap3A_673], %neg3A_670 {strides = array<i32>} : memref<8x128xf32, #tpu.memory_space<vmem>>, vector<16xf32>,
    %swap3A_675 = arith.constant 0 : i32
    %swap3A_676 = arith.index_cast %swap3A_675 : i32 to index
    %swap3A_677 = arith.constant 32 : index
    %swap3A_678 = tpu.vector_load %arg17[%swap3A_676, %swap3A_677] {strides = array<i32>} : memref<8x128xf32, #tpu.memory_space<vmem>>, vector<16xf32>,
    tpu.vector_store %arg17[%swap3A_676, %swap3A_677], %sub3A_569 {strides = array<i32>} : memref<8x128xf32, #tpu.memory_space<vmem>>, vector<16xf32>,
    %swap3A_679 = arith.constant 1 : i32
    %swap3A_680 = arith.index_cast %swap3A_679 : i32 to index
    %swap3A_681 = arith.constant 32 : index
    %swap3A_682 = tpu.vector_load %arg17[%swap3A_680, %swap3A_681] {strides = array<i32>} : memref<8x128xf32, #tpu.memory_space<vmem>>, vector<16xf32>,
    tpu.vector_store %arg17[%swap3A_680, %swap3A_681], %sub3A_570 {strides = array<i32>} : memref<8x128xf32, #tpu.memory_space<vmem>>, vector<16xf32>,
    %swap3A_683 = arith.constant 2 : i32
    %swap3A_684 = arith.index_cast %swap3A_683 : i32 to index
    %swap3A_685 = arith.constant 32 : index
    %swap3A_686 = tpu.vector_load %arg17[%swap3A_684, %swap3A_685] {strides = array<i32>} : memref<8x128xf32, #tpu.memory_space<vmem>>, vector<16xf32>,
    tpu.vector_store %arg17[%swap3A_684, %swap3A_685], %sub3A_571 {strides = array<i32>} : memref<8x128xf32, #tpu.memory_space<vmem>>, vector<16xf32>,
    %swap3A_687 = arith.constant 3 : i32
    %swap3A_688 = arith.index_cast %swap3A_687 : i32 to index
    %swap3A_689 = arith.constant 32 : index
    %swap3A_690 = tpu.vector_load %arg17[%swap3A_688, %swap3A_689] {strides = array<i32>} : memref<8x128xf32, #tpu.memory_space<vmem>>, vector<16xf32>,
    tpu.vector_store %arg17[%swap3A_688, %swap3A_689], %broadcast_in_dim3A_3 {strides = array<i32>} : memref<8x128xf32, #tpu.memory_space<vmem>>, vector<16xf32>,
    %neg3A_691 = arith.constant 0.000000e+00 : f32
    %neg3A_692 = vector.broadcast %neg3A_691 : f32 to vector<16xf32>
    %neg3A_693 = arith.subf %neg3A_692, %add3A_593 : vector<16xf32>
    %swap3A_694 = arith.constant 4 : i32
    %swap3A_695 = arith.index_cast %swap3A_694 : i32 to index
    %swap3A_696 = arith.constant 32 : index
    %swap3A_697 = tpu.vector_load %arg17[%swap3A_695, %swap3A_696] {strides = array<i32>} : memref<8x128xf32, #tpu.memory_space<vmem>>, vector<16xf32>,
    tpu.vector_store %arg17[%swap3A_695, %swap3A_696], %neg3A_693 {strides = array<i32>} : memref<8x128xf32, #tpu.memory_space<vmem>>, vector<16xf32>,
    %mul3A_698 = arith.constant -2.000000e+00 : f32
    %mul3A_699 = vector.broadcast %mul3A_698 : f32 to vector<16xf32>
    %mul3A_700 = arith.mulf %mul3A_699, %gather3A_557 : vector<16xf32>
    %swap3A_701 = arith.constant 0 : i32
    %swap3A_702 = arith.index_cast %swap3A_701 : i32 to index
    %swap3A_703 = arith.constant 32 : index
    %swap3A_704 = tpu.vector_load %arg18[%swap3A_702, %swap3A_703] {strides = array<i32>} : memref<8x128xf32, #tpu.memory_space<vmem>>, vector<16xf32>,
    tpu.vector_store %arg18[%swap3A_702, %swap3A_703], %mul3A_700 {strides = array<i32>} : memref<8x128xf32, #tpu.memory_space<vmem>>, vector<16xf32>,
    %mul3A_705 = arith.constant -2.000000e+00 : f32
    %mul3A_706 = vector.broadcast %mul3A_705 : f32 to vector<16xf32>
    %mul3A_707 = arith.mulf %mul3A_706, %gather3A_558 : vector<16xf32>
    %swap3A_708 = arith.constant 1 : i32
    %swap3A_709 = arith.index_cast %swap3A_708 : i32 to index
    %swap3A_710 = arith.constant 32 : index
    %swap3A_711 = tpu.vector_load %arg18[%swap3A_709, %swap3A_710] {strides = array<i32>} : memref<8x128xf32, #tpu.memory_space<vmem>>, vector<16xf32>,
    tpu.vector_store %arg18[%swap3A_709, %swap3A_710], %mul3A_707 {strides = array<i32>} : memref<8x128xf32, #tpu.memory_space<vmem>>, vector<16xf32>,
    %mul3A_712 = arith.constant -2.000000e+00 : f32
    %mul3A_713 = vector.broadcast %mul3A_712 : f32 to vector<16xf32>
    %mul3A_714 = arith.mulf %mul3A_713, %gather3A_559 : vector<16xf32>
    %swap3A_715 = arith.constant 2 : i32
    %swap3A_716 = arith.index_cast %swap3A_715 : i32 to index
    %swap3A_717 = arith.constant 32 : index
    %swap3A_718 = tpu.vector_load %arg18[%swap3A_716, %swap3A_717] {strides = array<i32>} : memref<8x128xf32, #tpu.memory_space<vmem>>, vector<16xf32>,
    tpu.vector_store %arg18[%swap3A_716, %swap3A_717], %mul3A_714 {strides = array<i32>} : memref<8x128xf32, #tpu.memory_space<vmem>>, vector<16xf32>,
    %swap3A_719 = arith.constant 3 : i32
    %swap3A_720 = arith.index_cast %swap3A_719 : i32 to index
    %swap3A_721 = arith.constant 32 : index
    %swap3A_722 = tpu.vector_load %arg18[%swap3A_720, %swap3A_721] {strides = array<i32>} : memref<8x128xf32, #tpu.memory_space<vmem>>, vector<16xf32>,
    tpu.vector_store %arg18[%swap3A_720, %swap3A_721], %broadcast_in_dim3A_5 {strides = array<i32>} : memref<8x128xf32, #tpu.memory_space<vmem>>, vector<16xf32>,
    %swap3A_723 = arith.constant 4 : i32
    %swap3A_724 = arith.index_cast %swap3A_723 : i32 to index
    %swap3A_725 = arith.constant 32 : index
    %swap3A_726 = tpu.vector_load %arg18[%swap3A_724, %swap3A_725] {strides = array<i32>} : memref<8x128xf32, #tpu.memory_space<vmem>>, vector<16xf32>,
    tpu.vector_store %arg18[%swap3A_724, %swap3A_725], %add3A_598 {strides = array<i32>} : memref<8x128xf32, #tpu.memory_space<vmem>>, vector<16xf32>,
    %swap3A_727 = arith.constant 5 : i32
    %swap3A_728 = arith.index_cast %swap3A_727 : i32 to index
    %swap3A_729 = arith.constant 32 : index
    %swap3A_730 = tpu.vector_load %arg16[%swap3A_728, %swap3A_729] {strides = array<i32>} : memref<8x128xf32, #tpu.memory_space<vmem>>, vector<16xf32>,
    tpu.vector_store %arg16[%swap3A_728, %swap3A_729], %broadcast_in_dim3A_3 {strides = array<i32>} : memref<8x128xf32, #tpu.memory_space<vmem>>, vector<16xf32>,
    %swap3A_731 = arith.constant 6 : i32
    %swap3A_732 = arith.index_cast %swap3A_731 : i32 to index
    %swap3A_733 = arith.constant 32 : index
    %swap3A_734 = tpu.vector_load %arg16[%swap3A_732, %swap3A_733] {strides = array<i32>} : memref<8x128xf32, #tpu.memory_space<vmem>>, vector<16xf32>,
    tpu.vector_store %arg16[%swap3A_732, %swap3A_733], %broadcast_in_dim3A_3 {strides = array<i32>} : memref<8x128xf32, #tpu.memory_space<vmem>>, vector<16xf32>,
    %swap3A_735 = arith.constant 7 : i32
    %swap3A_736 = arith.index_cast %swap3A_735 : i32 to index
    %swap3A_737 = arith.constant 32 : index
    %swap3A_738 = tpu.vector_load %arg16[%swap3A_736, %swap3A_737] {strides = array<i32>} : memref<8x128xf32, #tpu.memory_space<vmem>>, vector<16xf32>,
    tpu.vector_store %arg16[%swap3A_736, %swap3A_737], %broadcast_in_dim3A_3 {strides = array<i32>} : memref<8x128xf32, #tpu.memory_space<vmem>>, vector<16xf32>,
    %swap3A_739 = arith.constant 5 : i32
    %swap3A_740 = arith.index_cast %swap3A_739 : i32 to index
    %swap3A_741 = arith.constant 32 : index
    %swap3A_742 = tpu.vector_load %arg17[%swap3A_740, %swap3A_741] {strides = array<i32>} : memref<8x128xf32, #tpu.memory_space<vmem>>, vector<16xf32>,
    tpu.vector_store %arg17[%swap3A_740, %swap3A_741], %broadcast_in_dim3A_3 {strides = array<i32>} : memref<8x128xf32, #tpu.memory_space<vmem>>, vector<16xf32>,
    %swap3A_743 = arith.constant 6 : i32
    %swap3A_744 = arith.index_cast %swap3A_743 : i32 to index
    %swap3A_745 = arith.constant 32 : index
    %swap3A_746 = tpu.vector_load %arg17[%swap3A_744, %swap3A_745] {strides = array<i32>} : memref<8x128xf32, #tpu.memory_space<vmem>>, vector<16xf32>,
    tpu.vector_store %arg17[%swap3A_744, %swap3A_745], %broadcast_in_dim3A_3 {strides = array<i32>} : memref<8x128xf32, #tpu.memory_space<vmem>>, vector<16xf32>,
    %swap3A_747 = arith.constant 7 : i32
    %swap3A_748 = arith.index_cast %swap3A_747 : i32 to index
    %swap3A_749 = arith.constant 32 : index
    %swap3A_750 = tpu.vector_load %arg17[%swap3A_748, %swap3A_749] {strides = array<i32>} : memref<8x128xf32, #tpu.memory_space<vmem>>, vector<16xf32>,
    tpu.vector_store %arg17[%swap3A_748, %swap3A_749], %broadcast_in_dim3A_3 {strides = array<i32>} : memref<8x128xf32, #tpu.memory_space<vmem>>, vector<16xf32>,
    %swap3A_751 = arith.constant 5 : i32
    %swap3A_752 = arith.index_cast %swap3A_751 : i32 to index
    %swap3A_753 = arith.constant 32 : index
    %swap3A_754 = tpu.vector_load %arg18[%swap3A_752, %swap3A_753] {strides = array<i32>} : memref<8x128xf32, #tpu.memory_space<vmem>>, vector<16xf32>,
    tpu.vector_store %arg18[%swap3A_752, %swap3A_753], %broadcast_in_dim3A_3 {strides = array<i32>} : memref<8x128xf32, #tpu.memory_space<vmem>>, vector<16xf32>,
    %swap3A_755 = arith.constant 6 : i32
    %swap3A_756 = arith.index_cast %swap3A_755 : i32 to index
    %swap3A_757 = arith.constant 32 : index
    %swap3A_758 = tpu.vector_load %arg18[%swap3A_756, %swap3A_757] {strides = array<i32>} : memref<8x128xf32, #tpu.memory_space<vmem>>, vector<16xf32>,
    tpu.vector_store %arg18[%swap3A_756, %swap3A_757], %broadcast_in_dim3A_3 {strides = array<i32>} : memref<8x128xf32, #tpu.memory_space<vmem>>, vector<16xf32>,
    %swap3A_759 = arith.constant 7 : i32
    %swap3A_760 = arith.index_cast %swap3A_759 : i32 to index
    %swap3A_761 = arith.constant 32 : index
    %swap3A_762 = tpu.vector_load %arg18[%swap3A_760, %swap3A_761] {strides = array<i32>} : memref<8x128xf32, #tpu.memory_space<vmem>>, vector<16xf32>,
    tpu.vector_store %arg18[%swap3A_760, %swap3A_761], %broadcast_in_dim3A_3 {strides = array<i32>} : memref<8x128xf32, #tpu.memory_space<vmem>>, vector<16xf32>,
    %swap3A_763 = arith.constant 0 : i32
    %swap3A_764 = arith.index_cast %swap3A_763 : i32 to index
    %swap3A_765 = arith.constant 32 : index
    %swap3A_766 = tpu.vector_load %arg19[%swap3A_764, %swap3A_765] {strides = array<i32>} : memref<16x128xf32, #tpu.memory_space<vmem>>, vector<16xf32>,
    tpu.vector_store %arg19[%swap3A_764, %swap3A_765], %add3A_603 {strides = array<i32>} : memref<16x128xf32, #tpu.memory_space<vmem>>, vector<16xf32>,
    %swap3A_767 = arith.constant 1 : i32
    %swap3A_768 = arith.index_cast %swap3A_767 : i32 to index
    %swap3A_769 = arith.constant 32 : index
    %swap3A_770 = tpu.vector_load %arg19[%swap3A_768, %swap3A_769] {strides = array<i32>} : memref<16x128xf32, #tpu.memory_space<vmem>>, vector<16xf32>,
    tpu.vector_store %arg19[%swap3A_768, %swap3A_769], %add3A_608 {strides = array<i32>} : memref<16x128xf32, #tpu.memory_space<vmem>>, vector<16xf32>,
    %swap3A_771 = arith.constant 2 : i32
    %swap3A_772 = arith.index_cast %swap3A_771 : i32 to index
    %swap3A_773 = arith.constant 32 : index
    %swap3A_774 = tpu.vector_load %arg19[%swap3A_772, %swap3A_773] {strides = array<i32>} : memref<16x128xf32, #tpu.memory_space<vmem>>, vector<16xf32>,
    tpu.vector_store %arg19[%swap3A_772, %swap3A_773], %add3A_613 {strides = array<i32>} : memref<16x128xf32, #tpu.memory_space<vmem>>, vector<16xf32>,
    %swap3A_775 = arith.constant 3 : i32
    %swap3A_776 = arith.index_cast %swap3A_775 : i32 to index
    %swap3A_777 = arith.constant 32 : index
    %swap3A_778 = tpu.vector_load %arg19[%swap3A_776, %swap3A_777] {strides = array<i32>} : memref<16x128xf32, #tpu.memory_space<vmem>>, vector<16xf32>,
    tpu.vector_store %arg19[%swap3A_776, %swap3A_777], %div3A_628 {strides = array<i32>} : memref<16x128xf32, #tpu.memory_space<vmem>>, vector<16xf32>,
    %swap3A_779 = arith.constant 4 : i32
    %swap3A_780 = arith.index_cast %swap3A_779 : i32 to index
    %swap3A_781 = arith.constant 32 : index
    %swap3A_782 = tpu.vector_load %arg19[%swap3A_780, %swap3A_781] {strides = array<i32>} : memref<16x128xf32, #tpu.memory_space<vmem>>, vector<16xf32>,
    tpu.vector_store %arg19[%swap3A_780, %swap3A_781], %div3A_633 {strides = array<i32>} : memref<16x128xf32, #tpu.memory_space<vmem>>, vector<16xf32>,
    %swap3A_783 = arith.constant 5 : i32
    %swap3A_784 = arith.index_cast %swap3A_783 : i32 to index
    %swap3A_785 = arith.constant 32 : index
    %swap3A_786 = tpu.vector_load %arg19[%swap3A_784, %swap3A_785] {strides = array<i32>} : memref<16x128xf32, #tpu.memory_space<vmem>>, vector<16xf32>,
    tpu.vector_store %arg19[%swap3A_784, %swap3A_785], %div3A_638 {strides = array<i32>} : memref<16x128xf32, #tpu.memory_space<vmem>>, vector<16xf32>,
    %swap3A_787 = arith.constant 6 : i32
    %swap3A_788 = arith.index_cast %swap3A_787 : i32 to index
    %swap3A_789 = arith.constant 32 : index
    %swap3A_790 = tpu.vector_load %arg19[%swap3A_788, %swap3A_789] {strides = array<i32>} : memref<16x128xf32, #tpu.memory_space<vmem>>, vector<16xf32>,
    tpu.vector_store %arg19[%swap3A_788, %swap3A_789], %div3A_643 {strides = array<i32>} : memref<16x128xf32, #tpu.memory_space<vmem>>, vector<16xf32>,
    %sub3A_791 = arith.subf %add3A_603, %add3A_618 : vector<16xf32>
    %swap3A_792 = arith.constant 7 : i32
    %swap3A_793 = arith.index_cast %swap3A_792 : i32 to index
    %swap3A_794 = arith.constant 32 : index
    %swap3A_795 = tpu.vector_load %arg19[%swap3A_793, %swap3A_794] {strides = array<i32>} : memref<16x128xf32, #tpu.memory_space<vmem>>, vector<16xf32>,
    tpu.vector_store %arg19[%swap3A_793, %swap3A_794], %sub3A_791 {strides = array<i32>} : memref<16x128xf32, #tpu.memory_space<vmem>>, vector<16xf32>,
    %swap3A_796 = arith.constant 8 : i32
    %swap3A_797 = arith.index_cast %swap3A_796 : i32 to index
    %swap3A_798 = arith.constant 32 : index
    %swap3A_799 = tpu.vector_load %arg19[%swap3A_797, %swap3A_798] {strides = array<i32>} : memref<16x128xf32, #tpu.memory_space<vmem>>, vector<16xf32>,
    tpu.vector_store %arg19[%swap3A_797, %swap3A_798], %select_n3A_651 {strides = array<i32>} : memref<16x128xf32, #tpu.memory_space<vmem>>, vector<16xf32>,
    %swap3A_800 = arith.constant 9 : i32
    %swap3A_801 = arith.index_cast %swap3A_800 : i32 to index
    %swap3A_802 = arith.constant 32 : index
    %swap3A_803 = tpu.vector_load %arg19[%swap3A_801, %swap3A_802] {strides = array<i32>} : memref<16x128xf32, #tpu.memory_space<vmem>>, vector<16xf32>,
    tpu.vector_store %arg19[%swap3A_801, %swap3A_802], %add3A_623 {strides = array<i32>} : memref<16x128xf32, #tpu.memory_space<vmem>>, vector<16xf32>,
    %swap3A_804 = arith.constant 10 : i32
    %swap3A_805 = arith.index_cast %swap3A_804 : i32 to index
    %swap3A_806 = arith.constant 32 : index
    %swap3A_807 = tpu.vector_load %arg19[%swap3A_805, %swap3A_806] {strides = array<i32>} : memref<16x128xf32, #tpu.memory_space<vmem>>, vector<16xf32>,
    tpu.vector_store %arg19[%swap3A_805, %swap3A_806], %add3A_618 {strides = array<i32>} : memref<16x128xf32, #tpu.memory_space<vmem>>, vector<16xf32>,
    %swap3A_808 = arith.constant 11 : i32
    %swap3A_809 = arith.index_cast %swap3A_808 : i32 to index
    %swap3A_810 = arith.constant 32 : index
    %swap3A_811 = tpu.vector_load %arg19[%swap3A_809, %swap3A_810] {strides = array<i32>} : memref<16x128xf32, #tpu.memory_space<vmem>>, vector<16xf32>,
    tpu.vector_store %arg19[%swap3A_809, %swap3A_810], %broadcast_in_dim3A_3 {strides = array<i32>} : memref<16x128xf32, #tpu.memory_space<vmem>>, vector<16xf32>,
    %swap3A_812 = arith.constant 12 : i32
    %swap3A_813 = arith.index_cast %swap3A_812 : i32 to index
    %swap3A_814 = arith.constant 32 : index
    %swap3A_815 = tpu.vector_load %arg19[%swap3A_813, %swap3A_814] {strides = array<i32>} : memref<16x128xf32, #tpu.memory_space<vmem>>, vector<16xf32>,
    tpu.vector_store %arg19[%swap3A_813, %swap3A_814], %broadcast_in_dim3A_3 {strides = array<i32>} : memref<16x128xf32, #tpu.memory_space<vmem>>, vector<16xf32>,
    %swap3A_816 = arith.constant 13 : i32
    %swap3A_817 = arith.index_cast %swap3A_816 : i32 to index
    %swap3A_818 = arith.constant 32 : index
    %swap3A_819 = tpu.vector_load %arg19[%swap3A_817, %swap3A_818] {strides = array<i32>} : memref<16x128xf32, #tpu.memory_space<vmem>>, vector<16xf32>,
    tpu.vector_store %arg19[%swap3A_817, %swap3A_818], %broadcast_in_dim3A_3 {strides = array<i32>} : memref<16x128xf32, #tpu.memory_space<vmem>>, vector<16xf32>,
    %swap3A_820 = arith.constant 14 : i32
    %swap3A_821 = arith.index_cast %swap3A_820 : i32 to index
    %swap3A_822 = arith.constant 32 : index
    %swap3A_823 = tpu.vector_load %arg19[%swap3A_821, %swap3A_822] {strides = array<i32>} : memref<16x128xf32, #tpu.memory_space<vmem>>, vector<16xf32>,
    tpu.vector_store %arg19[%swap3A_821, %swap3A_822], %broadcast_in_dim3A_3 {strides = array<i32>} : memref<16x128xf32, #tpu.memory_space<vmem>>, vector<16xf32>,
    %swap3A_824 = arith.constant 15 : i32
    %swap3A_825 = arith.index_cast %swap3A_824 : i32 to index
    %swap3A_826 = arith.constant 32 : index
    %swap3A_827 = tpu.vector_load %arg19[%swap3A_825, %swap3A_826] {strides = array<i32>} : memref<16x128xf32, #tpu.memory_space<vmem>>, vector<16xf32>,
    tpu.vector_store %arg19[%swap3A_825, %swap3A_826], %broadcast_in_dim3A_3 {strides = array<i32>} : memref<16x128xf32, #tpu.memory_space<vmem>>, vector<16xf32>,
    %get3A_828 = arith.constant 48 : index
    %get3A_829 = tpu.vector_load %arg13[%get3A_828] {strides = array<i32>} : memref<128xi32, #tpu.memory_space<vmem>>, vector<16xi32>,
    %get3A_830 = arith.constant 48 : index
    %get3A_831 = tpu.vector_load %arg14[%get3A_830] {strides = array<i32>} : memref<128xi32, #tpu.memory_space<vmem>>, vector<16xi32>,
    %get3A_832 = arith.constant 48 : index
    %get3A_833 = tpu.vector_load %arg15[%get3A_832] {strides = array<i32>} : memref<128xi32, #tpu.memory_space<vmem>>, vector<16xi32>,
    %gather3A_834 = tpu.vector_load_idx %arg10[%get3A_829] : memref<8192xf32, #tpu.memory_space<vmem>>[vector<16xi32>], vector<16xf32>,
    %gather3A_835 = tpu.vector_load_idx %arg11[%get3A_829] : memref<8192xf32, #tpu.memory_space<vmem>>[vector<16xi32>], vector<16xf32>,
    %gather3A_836 = tpu.vector_load_idx %arg12[%get3A_829] : memref<8192xf32, #tpu.memory_space<vmem>>[vector<16xi32>], vector<16xf32>,
    %gather3A_837 = tpu.vector_load_idx %arg10[%get3A_831] : memref<8192xf32, #tpu.memory_space<vmem>>[vector<16xi32>], vector<16xf32>,
    %gather3A_838 = tpu.vector_load_idx %arg11[%get3A_831] : memref<8192xf32, #tpu.memory_space<vmem>>[vector<16xi32>], vector<16xf32>,
    %gather3A_839 = tpu.vector_load_idx %arg12[%get3A_831] : memref<8192xf32, #tpu.memory_space<vmem>>[vector<16xi32>], vector<16xf32>,
    %gather3A_840 = tpu.vector_load_idx %arg10[%get3A_833] : memref<8192xf32, #tpu.memory_space<vmem>>[vector<16xi32>], vector<16xf32>,
    %gather3A_841 = tpu.vector_load_idx %arg11[%get3A_833] : memref<8192xf32, #tpu.memory_space<vmem>>[vector<16xi32>], vector<16xf32>,
    %gather3A_842 = tpu.vector_load_idx %arg12[%get3A_833] : memref<8192xf32, #tpu.memory_space<vmem>>[vector<16xi32>], vector<16xf32>,
    %sub3A_843 = arith.subf %gather3A_837, %gather3A_834 : vector<16xf32>
    %sub3A_844 = arith.subf %gather3A_838, %gather3A_835 : vector<16xf32>
    %sub3A_845 = arith.subf %gather3A_839, %gather3A_836 : vector<16xf32>
    %sub3A_846 = arith.subf %gather3A_840, %gather3A_834 : vector<16xf32>
    %sub3A_847 = arith.subf %gather3A_841, %gather3A_835 : vector<16xf32>
    %sub3A_848 = arith.subf %gather3A_842, %gather3A_836 : vector<16xf32>
    %sub3A_849 = arith.subf %gather3A_840, %gather3A_837 : vector<16xf32>
    %sub3A_850 = arith.subf %gather3A_841, %gather3A_838 : vector<16xf32>
    %sub3A_851 = arith.subf %gather3A_842, %gather3A_839 : vector<16xf32>
    %mul3A_852 = arith.mulf %sub3A_844, %sub3A_848 : vector<16xf32>
    %mul3A_853 = arith.mulf %sub3A_845, %sub3A_847 : vector<16xf32>
    %sub3A_854 = arith.subf %mul3A_852, %mul3A_853 : vector<16xf32>
    %mul3A_855 = arith.mulf %sub3A_845, %sub3A_846 : vector<16xf32>
    %mul3A_856 = arith.mulf %sub3A_843, %sub3A_848 : vector<16xf32>
    %sub3A_857 = arith.subf %mul3A_855, %mul3A_856 : vector<16xf32>
    %mul3A_858 = arith.mulf %sub3A_843, %sub3A_847 : vector<16xf32>
    %mul3A_859 = arith.mulf %sub3A_844, %sub3A_846 : vector<16xf32>
    %sub3A_860 = arith.subf %mul3A_858, %mul3A_859 : vector<16xf32>
    %mul3A_861 = arith.mulf %sub3A_843, %gather3A_834 : vector<16xf32>
    %mul3A_862 = arith.mulf %sub3A_844, %gather3A_835 : vector<16xf32>
    %add3A_863 = arith.addf %mul3A_861, %mul3A_862 : vector<16xf32>
    %mul3A_864 = arith.mulf %sub3A_845, %gather3A_836 : vector<16xf32>
    %add3A_865 = arith.addf %add3A_863, %mul3A_864 : vector<16xf32>
    %mul3A_866 = arith.mulf %sub3A_846, %gather3A_834 : vector<16xf32>
    %mul3A_867 = arith.mulf %sub3A_847, %gather3A_835 : vector<16xf32>
    %add3A_868 = arith.addf %mul3A_866, %mul3A_867 : vector<16xf32>
    %mul3A_869 = arith.mulf %sub3A_848, %gather3A_836 : vector<16xf32>
    %add3A_870 = arith.addf %add3A_868, %mul3A_869 : vector<16xf32>
    %mul3A_871 = arith.mulf %gather3A_834, %gather3A_834 : vector<16xf32>
    %mul3A_872 = arith.mulf %gather3A_835, %gather3A_835 : vector<16xf32>
    %add3A_873 = arith.addf %mul3A_871, %mul3A_872 : vector<16xf32>
    %mul3A_874 = arith.mulf %gather3A_836, %gather3A_836 : vector<16xf32>
    %add3A_875 = arith.addf %add3A_873, %mul3A_874 : vector<16xf32>
    %mul3A_876 = arith.mulf %sub3A_843, %sub3A_843 : vector<16xf32>
    %mul3A_877 = arith.mulf %sub3A_844, %sub3A_844 : vector<16xf32>
    %add3A_878 = arith.addf %mul3A_876, %mul3A_877 : vector<16xf32>
    %mul3A_879 = arith.mulf %sub3A_845, %sub3A_845 : vector<16xf32>
    %add3A_880 = arith.addf %add3A_878, %mul3A_879 : vector<16xf32>
    %mul3A_881 = arith.mulf %sub3A_846, %sub3A_846 : vector<16xf32>
    %mul3A_882 = arith.mulf %sub3A_847, %sub3A_847 : vector<16xf32>
    %add3A_883 = arith.addf %mul3A_881, %mul3A_882 : vector<16xf32>
    %mul3A_884 = arith.mulf %sub3A_848, %sub3A_848 : vector<16xf32>
    %add3A_885 = arith.addf %add3A_883, %mul3A_884 : vector<16xf32>
    %mul3A_886 = arith.mulf %sub3A_849, %sub3A_849 : vector<16xf32>
    %mul3A_887 = arith.mulf %sub3A_850, %sub3A_850 : vector<16xf32>
    %add3A_888 = arith.addf %mul3A_886, %mul3A_887 : vector<16xf32>
    %mul3A_889 = arith.mulf %sub3A_851, %sub3A_851 : vector<16xf32>
    %add3A_890 = arith.addf %add3A_888, %mul3A_889 : vector<16xf32>
    %mul3A_891 = arith.mulf %sub3A_843, %sub3A_846 : vector<16xf32>
    %mul3A_892 = arith.mulf %sub3A_844, %sub3A_847 : vector<16xf32>
    %add3A_893 = arith.addf %mul3A_891, %mul3A_892 : vector<16xf32>
    %mul3A_894 = arith.mulf %sub3A_845, %sub3A_848 : vector<16xf32>
    %add3A_895 = arith.addf %add3A_893, %mul3A_894 : vector<16xf32>
    %mul3A_896 = arith.mulf %sub3A_854, %sub3A_854 : vector<16xf32>
    %mul3A_897 = arith.mulf %sub3A_857, %sub3A_857 : vector<16xf32>
    %add3A_898 = arith.addf %mul3A_896, %mul3A_897 : vector<16xf32>
    %mul3A_899 = arith.mulf %sub3A_860, %sub3A_860 : vector<16xf32>
    %add3A_900 = arith.addf %add3A_898, %mul3A_899 : vector<16xf32>
    %eq3A_901 = arith.constant 0.000000e+00 : f32
    %eq3A_902 = vector.broadcast %eq3A_901 : f32 to vector<16xf32>
    %eq3A_903 = arith.cmpf oeq, %add3A_880, %eq3A_902 : vector<16xf32>
    %select_n3A_904 = arith.select %eq3A_903, %broadcast_in_dim3A_5, %add3A_880 : vector<16xi1>, vector<16xf32>
    %div3A_905 = arith.divf %broadcast_in_dim3A_5, %select_n3A_904 : vector<16xf32>
    %eq3A_906 = arith.constant 0.000000e+00 : f32
    %eq3A_907 = vector.broadcast %eq3A_906 : f32 to vector<16xf32>
    %eq3A_908 = arith.cmpf oeq, %add3A_885, %eq3A_907 : vector<16xf32>
    %select_n3A_909 = arith.select %eq3A_908, %broadcast_in_dim3A_5, %add3A_885 : vector<16xi1>, vector<16xf32>
    %div3A_910 = arith.divf %broadcast_in_dim3A_5, %select_n3A_909 : vector<16xf32>
    %eq3A_911 = arith.constant 0.000000e+00 : f32
    %eq3A_912 = vector.broadcast %eq3A_911 : f32 to vector<16xf32>
    %eq3A_913 = arith.cmpf oeq, %add3A_890, %eq3A_912 : vector<16xf32>
    %select_n3A_914 = arith.select %eq3A_913, %broadcast_in_dim3A_5, %add3A_890 : vector<16xi1>, vector<16xf32>
    %div3A_915 = arith.divf %broadcast_in_dim3A_5, %select_n3A_914 : vector<16xf32>
    %eq3A_916 = arith.constant 0.000000e+00 : f32
    %eq3A_917 = vector.broadcast %eq3A_916 : f32 to vector<16xf32>
    %eq3A_918 = arith.cmpf oeq, %add3A_900, %eq3A_917 : vector<16xf32>
    %select_n3A_919 = arith.select %eq3A_918, %broadcast_in_dim3A_5, %add3A_900 : vector<16xi1>, vector<16xf32>
    %div3A_920 = arith.divf %broadcast_in_dim3A_5, %select_n3A_919 : vector<16xf32>
    %mul3A_921 = arith.mulf %add3A_880, %add3A_885 : vector<16xf32>
    %mul3A_922 = arith.constant 9.99999997E-7 : f32
    %mul3A_923 = vector.broadcast %mul3A_922 : f32 to vector<16xf32>
    %mul3A_924 = arith.mulf %mul3A_923, %mul3A_921 : vector<16xf32>
    %gt3A_925 = arith.cmpf ogt, %add3A_900, %mul3A_924 : vector<16xf32>
    %broadcast_in_dim3A_926 = arith.constant 1.000000e+30 : f32
    %broadcast_in_dim3A_927 = vector.broadcast %broadcast_in_dim3A_926 : f32 to vector<16xf32>
    %select_n3A_928 = arith.select %gt3A_925, %broadcast_in_dim3A_3, %broadcast_in_dim3A_927 : vector<16xi1>, vector<16xf32>
    %swap3A_929 = arith.constant 0 : i32
    %swap3A_930 = arith.index_cast %swap3A_929 : i32 to index
    %swap3A_931 = arith.constant 48 : index
    %swap3A_932 = tpu.vector_load %arg16[%swap3A_930, %swap3A_931] {strides = array<i32>} : memref<8x128xf32, #tpu.memory_space<vmem>>, vector<16xf32>,
    tpu.vector_store %arg16[%swap3A_930, %swap3A_931], %sub3A_843 {strides = array<i32>} : memref<8x128xf32, #tpu.memory_space<vmem>>, vector<16xf32>,
    %swap3A_933 = arith.constant 1 : i32
    %swap3A_934 = arith.index_cast %swap3A_933 : i32 to index
    %swap3A_935 = arith.constant 48 : index
    %swap3A_936 = tpu.vector_load %arg16[%swap3A_934, %swap3A_935] {strides = array<i32>} : memref<8x128xf32, #tpu.memory_space<vmem>>, vector<16xf32>,
    tpu.vector_store %arg16[%swap3A_934, %swap3A_935], %sub3A_844 {strides = array<i32>} : memref<8x128xf32, #tpu.memory_space<vmem>>, vector<16xf32>,
    %swap3A_937 = arith.constant 2 : i32
    %swap3A_938 = arith.index_cast %swap3A_937 : i32 to index
    %swap3A_939 = arith.constant 48 : index
    %swap3A_940 = tpu.vector_load %arg16[%swap3A_938, %swap3A_939] {strides = array<i32>} : memref<8x128xf32, #tpu.memory_space<vmem>>, vector<16xf32>,
    tpu.vector_store %arg16[%swap3A_938, %swap3A_939], %sub3A_845 {strides = array<i32>} : memref<8x128xf32, #tpu.memory_space<vmem>>, vector<16xf32>,
    %swap3A_941 = arith.constant 3 : i32
    %swap3A_942 = arith.index_cast %swap3A_941 : i32 to index
    %swap3A_943 = arith.constant 48 : index
    %swap3A_944 = tpu.vector_load %arg16[%swap3A_942, %swap3A_943] {strides = array<i32>} : memref<8x128xf32, #tpu.memory_space<vmem>>, vector<16xf32>,
    tpu.vector_store %arg16[%swap3A_942, %swap3A_943], %broadcast_in_dim3A_3 {strides = array<i32>} : memref<8x128xf32, #tpu.memory_space<vmem>>, vector<16xf32>,
    %neg3A_945 = arith.constant 0.000000e+00 : f32
    %neg3A_946 = vector.broadcast %neg3A_945 : f32 to vector<16xf32>
    %neg3A_947 = arith.subf %neg3A_946, %add3A_865 : vector<16xf32>
    %swap3A_948 = arith.constant 4 : i32
    %swap3A_949 = arith.index_cast %swap3A_948 : i32 to index
    %swap3A_950 = arith.constant 48 : index
    %swap3A_951 = tpu.vector_load %arg16[%swap3A_949, %swap3A_950] {strides = array<i32>} : memref<8x128xf32, #tpu.memory_space<vmem>>, vector<16xf32>,
    tpu.vector_store %arg16[%swap3A_949, %swap3A_950], %neg3A_947 {strides = array<i32>} : memref<8x128xf32, #tpu.memory_space<vmem>>, vector<16xf32>,
    %swap3A_952 = arith.constant 0 : i32
    %swap3A_953 = arith.index_cast %swap3A_952 : i32 to index
    %swap3A_954 = arith.constant 48 : index
    %swap3A_955 = tpu.vector_load %arg17[%swap3A_953, %swap3A_954] {strides = array<i32>} : memref<8x128xf32, #tpu.memory_space<vmem>>, vector<16xf32>,
    tpu.vector_store %arg17[%swap3A_953, %swap3A_954], %sub3A_846 {strides = array<i32>} : memref<8x128xf32, #tpu.memory_space<vmem>>, vector<16xf32>,
    %swap3A_956 = arith.constant 1 : i32
    %swap3A_957 = arith.index_cast %swap3A_956 : i32 to index
    %swap3A_958 = arith.constant 48 : index
    %swap3A_959 = tpu.vector_load %arg17[%swap3A_957, %swap3A_958] {strides = array<i32>} : memref<8x128xf32, #tpu.memory_space<vmem>>, vector<16xf32>,
    tpu.vector_store %arg17[%swap3A_957, %swap3A_958], %sub3A_847 {strides = array<i32>} : memref<8x128xf32, #tpu.memory_space<vmem>>, vector<16xf32>,
    %swap3A_960 = arith.constant 2 : i32
    %swap3A_961 = arith.index_cast %swap3A_960 : i32 to index
    %swap3A_962 = arith.constant 48 : index
    %swap3A_963 = tpu.vector_load %arg17[%swap3A_961, %swap3A_962] {strides = array<i32>} : memref<8x128xf32, #tpu.memory_space<vmem>>, vector<16xf32>,
    tpu.vector_store %arg17[%swap3A_961, %swap3A_962], %sub3A_848 {strides = array<i32>} : memref<8x128xf32, #tpu.memory_space<vmem>>, vector<16xf32>,
    %swap3A_964 = arith.constant 3 : i32
    %swap3A_965 = arith.index_cast %swap3A_964 : i32 to index
    %swap3A_966 = arith.constant 48 : index
    %swap3A_967 = tpu.vector_load %arg17[%swap3A_965, %swap3A_966] {strides = array<i32>} : memref<8x128xf32, #tpu.memory_space<vmem>>, vector<16xf32>,
    tpu.vector_store %arg17[%swap3A_965, %swap3A_966], %broadcast_in_dim3A_3 {strides = array<i32>} : memref<8x128xf32, #tpu.memory_space<vmem>>, vector<16xf32>,
    %neg3A_968 = arith.constant 0.000000e+00 : f32
    %neg3A_969 = vector.broadcast %neg3A_968 : f32 to vector<16xf32>
    %neg3A_970 = arith.subf %neg3A_969, %add3A_870 : vector<16xf32>
    %swap3A_971 = arith.constant 4 : i32
    %swap3A_972 = arith.index_cast %swap3A_971 : i32 to index
    %swap3A_973 = arith.constant 48 : index
    %swap3A_974 = tpu.vector_load %arg17[%swap3A_972, %swap3A_973] {strides = array<i32>} : memref<8x128xf32, #tpu.memory_space<vmem>>, vector<16xf32>,
    tpu.vector_store %arg17[%swap3A_972, %swap3A_973], %neg3A_970 {strides = array<i32>} : memref<8x128xf32, #tpu.memory_space<vmem>>, vector<16xf32>,
    %mul3A_975 = arith.constant -2.000000e+00 : f32
    %mul3A_976 = vector.broadcast %mul3A_975 : f32 to vector<16xf32>
    %mul3A_977 = arith.mulf %mul3A_976, %gather3A_834 : vector<16xf32>
    %swap3A_978 = arith.constant 0 : i32
    %swap3A_979 = arith.index_cast %swap3A_978 : i32 to index
    %swap3A_980 = arith.constant 48 : index
    %swap3A_981 = tpu.vector_load %arg18[%swap3A_979, %swap3A_980] {strides = array<i32>} : memref<8x128xf32, #tpu.memory_space<vmem>>, vector<16xf32>,
    tpu.vector_store %arg18[%swap3A_979, %swap3A_980], %mul3A_977 {strides = array<i32>} : memref<8x128xf32, #tpu.memory_space<vmem>>, vector<16xf32>,
    %mul3A_982 = arith.constant -2.000000e+00 : f32
    %mul3A_983 = vector.broadcast %mul3A_982 : f32 to vector<16xf32>
    %mul3A_984 = arith.mulf %mul3A_983, %gather3A_835 : vector<16xf32>
    %swap3A_985 = arith.constant 1 : i32
    %swap3A_986 = arith.index_cast %swap3A_985 : i32 to index
    %swap3A_987 = arith.constant 48 : index
    %swap3A_988 = tpu.vector_load %arg18[%swap3A_986, %swap3A_987] {strides = array<i32>} : memref<8x128xf32, #tpu.memory_space<vmem>>, vector<16xf32>,
    tpu.vector_store %arg18[%swap3A_986, %swap3A_987], %mul3A_984 {strides = array<i32>} : memref<8x128xf32, #tpu.memory_space<vmem>>, vector<16xf32>,
    %mul3A_989 = arith.constant -2.000000e+00 : f32
    %mul3A_990 = vector.broadcast %mul3A_989 : f32 to vector<16xf32>
    %mul3A_991 = arith.mulf %mul3A_990, %gather3A_836 : vector<16xf32>
    %swap3A_992 = arith.constant 2 : i32
    %swap3A_993 = arith.index_cast %swap3A_992 : i32 to index
    %swap3A_994 = arith.constant 48 : index
    %swap3A_995 = tpu.vector_load %arg18[%swap3A_993, %swap3A_994] {strides = array<i32>} : memref<8x128xf32, #tpu.memory_space<vmem>>, vector<16xf32>,
    tpu.vector_store %arg18[%swap3A_993, %swap3A_994], %mul3A_991 {strides = array<i32>} : memref<8x128xf32, #tpu.memory_space<vmem>>, vector<16xf32>,
    %swap3A_996 = arith.constant 3 : i32
    %swap3A_997 = arith.index_cast %swap3A_996 : i32 to index
    %swap3A_998 = arith.constant 48 : index
    %swap3A_999 = tpu.vector_load %arg18[%swap3A_997, %swap3A_998] {strides = array<i32>} : memref<8x128xf32, #tpu.memory_space<vmem>>, vector<16xf32>,
    tpu.vector_store %arg18[%swap3A_997, %swap3A_998], %broadcast_in_dim3A_5 {strides = array<i32>} : memref<8x128xf32, #tpu.memory_space<vmem>>, vector<16xf32>,
    %swap3A_1000 = arith.constant 4 : i32
    %swap3A_1001 = arith.index_cast %swap3A_1000 : i32 to index
    %swap3A_1002 = arith.constant 48 : index
    %swap3A_1003 = tpu.vector_load %arg18[%swap3A_1001, %swap3A_1002] {strides = array<i32>} : memref<8x128xf32, #tpu.memory_space<vmem>>, vector<16xf32>,
    tpu.vector_store %arg18[%swap3A_1001, %swap3A_1002], %add3A_875 {strides = array<i32>} : memref<8x128xf32, #tpu.memory_space<vmem>>, vector<16xf32>,
    %swap3A_1004 = arith.constant 5 : i32
    %swap3A_1005 = arith.index_cast %swap3A_1004 : i32 to index
    %swap3A_1006 = arith.constant 48 : index
    %swap3A_1007 = tpu.vector_load %arg16[%swap3A_1005, %swap3A_1006] {strides = array<i32>} : memref<8x128xf32, #tpu.memory_space<vmem>>, vector<16xf32>,
    tpu.vector_store %arg16[%swap3A_1005, %swap3A_1006], %broadcast_in_dim3A_3 {strides = array<i32>} : memref<8x128xf32, #tpu.memory_space<vmem>>, vector<16xf32>,
    %swap3A_1008 = arith.constant 6 : i32
    %swap3A_1009 = arith.index_cast %swap3A_1008 : i32 to index
    %swap3A_1010 = arith.constant 48 : index
    %swap3A_1011 = tpu.vector_load %arg16[%swap3A_1009, %swap3A_1010] {strides = array<i32>} : memref<8x128xf32, #tpu.memory_space<vmem>>, vector<16xf32>,
    tpu.vector_store %arg16[%swap3A_1009, %swap3A_1010], %broadcast_in_dim3A_3 {strides = array<i32>} : memref<8x128xf32, #tpu.memory_space<vmem>>, vector<16xf32>,
    %swap3A_1012 = arith.constant 7 : i32
    %swap3A_1013 = arith.index_cast %swap3A_1012 : i32 to index
    %swap3A_1014 = arith.constant 48 : index
    %swap3A_1015 = tpu.vector_load %arg16[%swap3A_1013, %swap3A_1014] {strides = array<i32>} : memref<8x128xf32, #tpu.memory_space<vmem>>, vector<16xf32>,
    tpu.vector_store %arg16[%swap3A_1013, %swap3A_1014], %broadcast_in_dim3A_3 {strides = array<i32>} : memref<8x128xf32, #tpu.memory_space<vmem>>, vector<16xf32>,
    %swap3A_1016 = arith.constant 5 : i32
    %swap3A_1017 = arith.index_cast %swap3A_1016 : i32 to index
    %swap3A_1018 = arith.constant 48 : index
    %swap3A_1019 = tpu.vector_load %arg17[%swap3A_1017, %swap3A_1018] {strides = array<i32>} : memref<8x128xf32, #tpu.memory_space<vmem>>, vector<16xf32>,
    tpu.vector_store %arg17[%swap3A_1017, %swap3A_1018], %broadcast_in_dim3A_3 {strides = array<i32>} : memref<8x128xf32, #tpu.memory_space<vmem>>, vector<16xf32>,
    %swap3A_1020 = arith.constant 6 : i32
    %swap3A_1021 = arith.index_cast %swap3A_1020 : i32 to index
    %swap3A_1022 = arith.constant 48 : index
    %swap3A_1023 = tpu.vector_load %arg17[%swap3A_1021, %swap3A_1022] {strides = array<i32>} : memref<8x128xf32, #tpu.memory_space<vmem>>, vector<16xf32>,
    tpu.vector_store %arg17[%swap3A_1021, %swap3A_1022], %broadcast_in_dim3A_3 {strides = array<i32>} : memref<8x128xf32, #tpu.memory_space<vmem>>, vector<16xf32>,
    %swap3A_1024 = arith.constant 7 : i32
    %swap3A_1025 = arith.index_cast %swap3A_1024 : i32 to index
    %swap3A_1026 = arith.constant 48 : index
    %swap3A_1027 = tpu.vector_load %arg17[%swap3A_1025, %swap3A_1026] {strides = array<i32>} : memref<8x128xf32, #tpu.memory_space<vmem>>, vector<16xf32>,
    tpu.vector_store %arg17[%swap3A_1025, %swap3A_1026], %broadcast_in_dim3A_3 {strides = array<i32>} : memref<8x128xf32, #tpu.memory_space<vmem>>, vector<16xf32>,
    %swap3A_1028 = arith.constant 5 : i32
    %swap3A_1029 = arith.index_cast %swap3A_1028 : i32 to index
    %swap3A_1030 = arith.constant 48 : index
    %swap3A_1031 = tpu.vector_load %arg18[%swap3A_1029, %swap3A_1030] {strides = array<i32>} : memref<8x128xf32, #tpu.memory_space<vmem>>, vector<16xf32>,
    tpu.vector_store %arg18[%swap3A_1029, %swap3A_1030], %broadcast_in_dim3A_3 {strides = array<i32>} : memref<8x128xf32, #tpu.memory_space<vmem>>, vector<16xf32>,
    %swap3A_1032 = arith.constant 6 : i32
    %swap3A_1033 = arith.index_cast %swap3A_1032 : i32 to index
    %swap3A_1034 = arith.constant 48 : index
    %swap3A_1035 = tpu.vector_load %arg18[%swap3A_1033, %swap3A_1034] {strides = array<i32>} : memref<8x128xf32, #tpu.memory_space<vmem>>, vector<16xf32>,
    tpu.vector_store %arg18[%swap3A_1033, %swap3A_1034], %broadcast_in_dim3A_3 {strides = array<i32>} : memref<8x128xf32, #tpu.memory_space<vmem>>, vector<16xf32>,
    %swap3A_1036 = arith.constant 7 : i32
    %swap3A_1037 = arith.index_cast %swap3A_1036 : i32 to index
    %swap3A_1038 = arith.constant 48 : index
    %swap3A_1039 = tpu.vector_load %arg18[%swap3A_1037, %swap3A_1038] {strides = array<i32>} : memref<8x128xf32, #tpu.memory_space<vmem>>, vector<16xf32>,
    tpu.vector_store %arg18[%swap3A_1037, %swap3A_1038], %broadcast_in_dim3A_3 {strides = array<i32>} : memref<8x128xf32, #tpu.memory_space<vmem>>, vector<16xf32>,
    %swap3A_1040 = arith.constant 0 : i32
    %swap3A_1041 = arith.index_cast %swap3A_1040 : i32 to index
    %swap3A_1042 = arith.constant 48 : index
    %swap3A_1043 = tpu.vector_load %arg19[%swap3A_1041, %swap3A_1042] {strides = array<i32>} : memref<16x128xf32, #tpu.memory_space<vmem>>, vector<16xf32>,
    tpu.vector_store %arg19[%swap3A_1041, %swap3A_1042], %add3A_880 {strides = array<i32>} : memref<16x128xf32, #tpu.memory_space<vmem>>, vector<16xf32>,
    %swap3A_1044 = arith.constant 1 : i32
    %swap3A_1045 = arith.index_cast %swap3A_1044 : i32 to index
    %swap3A_1046 = arith.constant 48 : index
    %swap3A_1047 = tpu.vector_load %arg19[%swap3A_1045, %swap3A_1046] {strides = array<i32>} : memref<16x128xf32, #tpu.memory_space<vmem>>, vector<16xf32>,
    tpu.vector_store %arg19[%swap3A_1045, %swap3A_1046], %add3A_885 {strides = array<i32>} : memref<16x128xf32, #tpu.memory_space<vmem>>, vector<16xf32>,
    %swap3A_1048 = arith.constant 2 : i32
    %swap3A_1049 = arith.index_cast %swap3A_1048 : i32 to index
    %swap3A_1050 = arith.constant 48 : index
    %swap3A_1051 = tpu.vector_load %arg19[%swap3A_1049, %swap3A_1050] {strides = array<i32>} : memref<16x128xf32, #tpu.memory_space<vmem>>, vector<16xf32>,
    tpu.vector_store %arg19[%swap3A_1049, %swap3A_1050], %add3A_890 {strides = array<i32>} : memref<16x128xf32, #tpu.memory_space<vmem>>, vector<16xf32>,
    %swap3A_1052 = arith.constant 3 : i32
    %swap3A_1053 = arith.index_cast %swap3A_1052 : i32 to index
    %swap3A_1054 = arith.constant 48 : index
    %swap3A_1055 = tpu.vector_load %arg19[%swap3A_1053, %swap3A_1054] {strides = array<i32>} : memref<16x128xf32, #tpu.memory_space<vmem>>, vector<16xf32>,
    tpu.vector_store %arg19[%swap3A_1053, %swap3A_1054], %div3A_905 {strides = array<i32>} : memref<16x128xf32, #tpu.memory_space<vmem>>, vector<16xf32>,
    %swap3A_1056 = arith.constant 4 : i32
    %swap3A_1057 = arith.index_cast %swap3A_1056 : i32 to index
    %swap3A_1058 = arith.constant 48 : index
    %swap3A_1059 = tpu.vector_load %arg19[%swap3A_1057, %swap3A_1058] {strides = array<i32>} : memref<16x128xf32, #tpu.memory_space<vmem>>, vector<16xf32>,
    tpu.vector_store %arg19[%swap3A_1057, %swap3A_1058], %div3A_910 {strides = array<i32>} : memref<16x128xf32, #tpu.memory_space<vmem>>, vector<16xf32>,
    %swap3A_1060 = arith.constant 5 : i32
    %swap3A_1061 = arith.index_cast %swap3A_1060 : i32 to index
    %swap3A_1062 = arith.constant 48 : index
    %swap3A_1063 = tpu.vector_load %arg19[%swap3A_1061, %swap3A_1062] {strides = array<i32>} : memref<16x128xf32, #tpu.memory_space<vmem>>, vector<16xf32>,
    tpu.vector_store %arg19[%swap3A_1061, %swap3A_1062], %div3A_915 {strides = array<i32>} : memref<16x128xf32, #tpu.memory_space<vmem>>, vector<16xf32>,
    %swap3A_1064 = arith.constant 6 : i32
    %swap3A_1065 = arith.index_cast %swap3A_1064 : i32 to index
    %swap3A_1066 = arith.constant 48 : index
    %swap3A_1067 = tpu.vector_load %arg19[%swap3A_1065, %swap3A_1066] {strides = array<i32>} : memref<16x128xf32, #tpu.memory_space<vmem>>, vector<16xf32>,
    tpu.vector_store %arg19[%swap3A_1065, %swap3A_1066], %div3A_920 {strides = array<i32>} : memref<16x128xf32, #tpu.memory_space<vmem>>, vector<16xf32>,
    %sub3A_1068 = arith.subf %add3A_880, %add3A_895 : vector<16xf32>
    %swap3A_1069 = arith.constant 7 : i32
    %swap3A_1070 = arith.index_cast %swap3A_1069 : i32 to index
    %swap3A_1071 = arith.constant 48 : index
    %swap3A_1072 = tpu.vector_load %arg19[%swap3A_1070, %swap3A_1071] {strides = array<i32>} : memref<16x128xf32, #tpu.memory_space<vmem>>, vector<16xf32>,
    tpu.vector_store %arg19[%swap3A_1070, %swap3A_1071], %sub3A_1068 {strides = array<i32>} : memref<16x128xf32, #tpu.memory_space<vmem>>, vector<16xf32>,
    %swap3A_1073 = arith.constant 8 : i32
    %swap3A_1074 = arith.index_cast %swap3A_1073 : i32 to index
    %swap3A_1075 = arith.constant 48 : index
    %swap3A_1076 = tpu.vector_load %arg19[%swap3A_1074, %swap3A_1075] {strides = array<i32>} : memref<16x128xf32, #tpu.memory_space<vmem>>, vector<16xf32>,
    tpu.vector_store %arg19[%swap3A_1074, %swap3A_1075], %select_n3A_928 {strides = array<i32>} : memref<16x128xf32, #tpu.memory_space<vmem>>, vector<16xf32>,
    %swap3A_1077 = arith.constant 9 : i32
    %swap3A_1078 = arith.index_cast %swap3A_1077 : i32 to index
    %swap3A_1079 = arith.constant 48 : index
    %swap3A_1080 = tpu.vector_load %arg19[%swap3A_1078, %swap3A_1079] {strides = array<i32>} : memref<16x128xf32, #tpu.memory_space<vmem>>, vector<16xf32>,
    tpu.vector_store %arg19[%swap3A_1078, %swap3A_1079], %add3A_900 {strides = array<i32>} : memref<16x128xf32, #tpu.memory_space<vmem>>, vector<16xf32>,
    %swap3A_1081 = arith.constant 10 : i32
    %swap3A_1082 = arith.index_cast %swap3A_1081 : i32 to index
    %swap3A_1083 = arith.constant 48 : index
    %swap3A_1084 = tpu.vector_load %arg19[%swap3A_1082, %swap3A_1083] {strides = array<i32>} : memref<16x128xf32, #tpu.memory_space<vmem>>, vector<16xf32>,
    tpu.vector_store %arg19[%swap3A_1082, %swap3A_1083], %add3A_895 {strides = array<i32>} : memref<16x128xf32, #tpu.memory_space<vmem>>, vector<16xf32>,
    %swap3A_1085 = arith.constant 11 : i32
    %swap3A_1086 = arith.index_cast %swap3A_1085 : i32 to index
    %swap3A_1087 = arith.constant 48 : index
    %swap3A_1088 = tpu.vector_load %arg19[%swap3A_1086, %swap3A_1087] {strides = array<i32>} : memref<16x128xf32, #tpu.memory_space<vmem>>, vector<16xf32>,
    tpu.vector_store %arg19[%swap3A_1086, %swap3A_1087], %broadcast_in_dim3A_3 {strides = array<i32>} : memref<16x128xf32, #tpu.memory_space<vmem>>, vector<16xf32>,
    %swap3A_1089 = arith.constant 12 : i32
    %swap3A_1090 = arith.index_cast %swap3A_1089 : i32 to index
    %swap3A_1091 = arith.constant 48 : index
    %swap3A_1092 = tpu.vector_load %arg19[%swap3A_1090, %swap3A_1091] {strides = array<i32>} : memref<16x128xf32, #tpu.memory_space<vmem>>, vector<16xf32>,
    tpu.vector_store %arg19[%swap3A_1090, %swap3A_1091], %broadcast_in_dim3A_3 {strides = array<i32>} : memref<16x128xf32, #tpu.memory_space<vmem>>, vector<16xf32>,
    %swap3A_1093 = arith.constant 13 : i32
    %swap3A_1094 = arith.index_cast %swap3A_1093 : i32 to index
    %swap3A_1095 = arith.constant 48 : index
    %swap3A_1096 = tpu.vector_load %arg19[%swap3A_1094, %swap3A_1095] {strides = array<i32>} : memref<16x128xf32, #tpu.memory_space<vmem>>, vector<16xf32>,
    tpu.vector_store %arg19[%swap3A_1094, %swap3A_1095], %broadcast_in_dim3A_3 {strides = array<i32>} : memref<16x128xf32, #tpu.memory_space<vmem>>, vector<16xf32>,
    %swap3A_1097 = arith.constant 14 : i32
    %swap3A_1098 = arith.index_cast %swap3A_1097 : i32 to index
    %swap3A_1099 = arith.constant 48 : index
    %swap3A_1100 = tpu.vector_load %arg19[%swap3A_1098, %swap3A_1099] {strides = array<i32>} : memref<16x128xf32, #tpu.memory_space<vmem>>, vector<16xf32>,
    tpu.vector_store %arg19[%swap3A_1098, %swap3A_1099], %broadcast_in_dim3A_3 {strides = array<i32>} : memref<16x128xf32, #tpu.memory_space<vmem>>, vector<16xf32>,
    %swap3A_1101 = arith.constant 15 : i32
    %swap3A_1102 = arith.index_cast %swap3A_1101 : i32 to index
    %swap3A_1103 = arith.constant 48 : index
    %swap3A_1104 = tpu.vector_load %arg19[%swap3A_1102, %swap3A_1103] {strides = array<i32>} : memref<16x128xf32, #tpu.memory_space<vmem>>, vector<16xf32>,
    tpu.vector_store %arg19[%swap3A_1102, %swap3A_1103], %broadcast_in_dim3A_3 {strides = array<i32>} : memref<16x128xf32, #tpu.memory_space<vmem>>, vector<16xf32>,
    %get3A_1105 = arith.constant 64 : index
    %get3A_1106 = tpu.vector_load %arg13[%get3A_1105] {strides = array<i32>} : memref<128xi32, #tpu.memory_space<vmem>>, vector<16xi32>,
    %get3A_1107 = arith.constant 64 : index
    %get3A_1108 = tpu.vector_load %arg14[%get3A_1107] {strides = array<i32>} : memref<128xi32, #tpu.memory_space<vmem>>, vector<16xi32>,
    %get3A_1109 = arith.constant 64 : index
    %get3A_1110 = tpu.vector_load %arg15[%get3A_1109] {strides = array<i32>} : memref<128xi32, #tpu.memory_space<vmem>>, vector<16xi32>,
    %gather3A_1111 = tpu.vector_load_idx %arg10[%get3A_1106] : memref<8192xf32, #tpu.memory_space<vmem>>[vector<16xi32>], vector<16xf32>,
    %gather3A_1112 = tpu.vector_load_idx %arg11[%get3A_1106] : memref<8192xf32, #tpu.memory_space<vmem>>[vector<16xi32>], vector<16xf32>,
    %gather3A_1113 = tpu.vector_load_idx %arg12[%get3A_1106] : memref<8192xf32, #tpu.memory_space<vmem>>[vector<16xi32>], vector<16xf32>,
    %gather3A_1114 = tpu.vector_load_idx %arg10[%get3A_1108] : memref<8192xf32, #tpu.memory_space<vmem>>[vector<16xi32>], vector<16xf32>,
    %gather3A_1115 = tpu.vector_load_idx %arg11[%get3A_1108] : memref<8192xf32, #tpu.memory_space<vmem>>[vector<16xi32>], vector<16xf32>,
    %gather3A_1116 = tpu.vector_load_idx %arg12[%get3A_1108] : memref<8192xf32, #tpu.memory_space<vmem>>[vector<16xi32>], vector<16xf32>,
    %gather3A_1117 = tpu.vector_load_idx %arg10[%get3A_1110] : memref<8192xf32, #tpu.memory_space<vmem>>[vector<16xi32>], vector<16xf32>,
    %gather3A_1118 = tpu.vector_load_idx %arg11[%get3A_1110] : memref<8192xf32, #tpu.memory_space<vmem>>[vector<16xi32>], vector<16xf32>,
    %gather3A_1119 = tpu.vector_load_idx %arg12[%get3A_1110] : memref<8192xf32, #tpu.memory_space<vmem>>[vector<16xi32>], vector<16xf32>,
    %sub3A_1120 = arith.subf %gather3A_1114, %gather3A_1111 : vector<16xf32>
    %sub3A_1121 = arith.subf %gather3A_1115, %gather3A_1112 : vector<16xf32>
    %sub3A_1122 = arith.subf %gather3A_1116, %gather3A_1113 : vector<16xf32>
    %sub3A_1123 = arith.subf %gather3A_1117, %gather3A_1111 : vector<16xf32>
    %sub3A_1124 = arith.subf %gather3A_1118, %gather3A_1112 : vector<16xf32>
    %sub3A_1125 = arith.subf %gather3A_1119, %gather3A_1113 : vector<16xf32>
    %sub3A_1126 = arith.subf %gather3A_1117, %gather3A_1114 : vector<16xf32>
    %sub3A_1127 = arith.subf %gather3A_1118, %gather3A_1115 : vector<16xf32>
    %sub3A_1128 = arith.subf %gather3A_1119, %gather3A_1116 : vector<16xf32>
    %mul3A_1129 = arith.mulf %sub3A_1121, %sub3A_1125 : vector<16xf32>
    %mul3A_1130 = arith.mulf %sub3A_1122, %sub3A_1124 : vector<16xf32>
    %sub3A_1131 = arith.subf %mul3A_1129, %mul3A_1130 : vector<16xf32>
    %mul3A_1132 = arith.mulf %sub3A_1122, %sub3A_1123 : vector<16xf32>
    %mul3A_1133 = arith.mulf %sub3A_1120, %sub3A_1125 : vector<16xf32>
    %sub3A_1134 = arith.subf %mul3A_1132, %mul3A_1133 : vector<16xf32>
    %mul3A_1135 = arith.mulf %sub3A_1120, %sub3A_1124 : vector<16xf32>
    %mul3A_1136 = arith.mulf %sub3A_1121, %sub3A_1123 : vector<16xf32>
    %sub3A_1137 = arith.subf %mul3A_1135, %mul3A_1136 : vector<16xf32>
    %mul3A_1138 = arith.mulf %sub3A_1120, %gather3A_1111 : vector<16xf32>
    %mul3A_1139 = arith.mulf %sub3A_1121, %gather3A_1112 : vector<16xf32>
    %add3A_1140 = arith.addf %mul3A_1138, %mul3A_1139 : vector<16xf32>
    %mul3A_1141 = arith.mulf %sub3A_1122, %gather3A_1113 : vector<16xf32>
    %add3A_1142 = arith.addf %add3A_1140, %mul3A_1141 : vector<16xf32>
    %mul3A_1143 = arith.mulf %sub3A_1123, %gather3A_1111 : vector<16xf32>
    %mul3A_1144 = arith.mulf %sub3A_1124, %gather3A_1112 : vector<16xf32>
    %add3A_1145 = arith.addf %mul3A_1143, %mul3A_1144 : vector<16xf32>
    %mul3A_1146 = arith.mulf %sub3A_1125, %gather3A_1113 : vector<16xf32>
    %add3A_1147 = arith.addf %add3A_1145, %mul3A_1146 : vector<16xf32>
    %mul3A_1148 = arith.mulf %gather3A_1111, %gather3A_1111 : vector<16xf32>
    %mul3A_1149 = arith.mulf %gather3A_1112, %gather3A_1112 : vector<16xf32>
    %add3A_1150 = arith.addf %mul3A_1148, %mul3A_1149 : vector<16xf32>
    %mul3A_1151 = arith.mulf %gather3A_1113, %gather3A_1113 : vector<16xf32>
    %add3A_1152 = arith.addf %add3A_1150, %mul3A_1151 : vector<16xf32>
    %mul3A_1153 = arith.mulf %sub3A_1120, %sub3A_1120 : vector<16xf32>
    %mul3A_1154 = arith.mulf %sub3A_1121, %sub3A_1121 : vector<16xf32>
    %add3A_1155 = arith.addf %mul3A_1153, %mul3A_1154 : vector<16xf32>
    %mul3A_1156 = arith.mulf %sub3A_1122, %sub3A_1122 : vector<16xf32>
    %add3A_1157 = arith.addf %add3A_1155, %mul3A_1156 : vector<16xf32>
    %mul3A_1158 = arith.mulf %sub3A_1123, %sub3A_1123 : vector<16xf32>
    %mul3A_1159 = arith.mulf %sub3A_1124, %sub3A_1124 : vector<16xf32>
    %add3A_1160 = arith.addf %mul3A_1158, %mul3A_1159 : vector<16xf32>
    %mul3A_1161 = arith.mulf %sub3A_1125, %sub3A_1125 : vector<16xf32>
    %add3A_1162 = arith.addf %add3A_1160, %mul3A_1161 : vector<16xf32>
    %mul3A_1163 = arith.mulf %sub3A_1126, %sub3A_1126 : vector<16xf32>
    %mul3A_1164 = arith.mulf %sub3A_1127, %sub3A_1127 : vector<16xf32>
    %add3A_1165 = arith.addf %mul3A_1163, %mul3A_1164 : vector<16xf32>
    %mul3A_1166 = arith.mulf %sub3A_1128, %sub3A_1128 : vector<16xf32>
    %add3A_1167 = arith.addf %add3A_1165, %mul3A_1166 : vector<16xf32>
    %mul3A_1168 = arith.mulf %sub3A_1120, %sub3A_1123 : vector<16xf32>
    %mul3A_1169 = arith.mulf %sub3A_1121, %sub3A_1124 : vector<16xf32>
    %add3A_1170 = arith.addf %mul3A_1168, %mul3A_1169 : vector<16xf32>
    %mul3A_1171 = arith.mulf %sub3A_1122, %sub3A_1125 : vector<16xf32>
    %add3A_1172 = arith.addf %add3A_1170, %mul3A_1171 : vector<16xf32>
    %mul3A_1173 = arith.mulf %sub3A_1131, %sub3A_1131 : vector<16xf32>
    %mul3A_1174 = arith.mulf %sub3A_1134, %sub3A_1134 : vector<16xf32>
    %add3A_1175 = arith.addf %mul3A_1173, %mul3A_1174 : vector<16xf32>
    %mul3A_1176 = arith.mulf %sub3A_1137, %sub3A_1137 : vector<16xf32>
    %add3A_1177 = arith.addf %add3A_1175, %mul3A_1176 : vector<16xf32>
    %eq3A_1178 = arith.constant 0.000000e+00 : f32
    %eq3A_1179 = vector.broadcast %eq3A_1178 : f32 to vector<16xf32>
    %eq3A_1180 = arith.cmpf oeq, %add3A_1157, %eq3A_1179 : vector<16xf32>
    %select_n3A_1181 = arith.select %eq3A_1180, %broadcast_in_dim3A_5, %add3A_1157 : vector<16xi1>, vector<16xf32>
    %div3A_1182 = arith.divf %broadcast_in_dim3A_5, %select_n3A_1181 : vector<16xf32>
    %eq3A_1183 = arith.constant 0.000000e+00 : f32
    %eq3A_1184 = vector.broadcast %eq3A_1183 : f32 to vector<16xf32>
    %eq3A_1185 = arith.cmpf oeq, %add3A_1162, %eq3A_1184 : vector<16xf32>
    %select_n3A_1186 = arith.select %eq3A_1185, %broadcast_in_dim3A_5, %add3A_1162 : vector<16xi1>, vector<16xf32>
    %div3A_1187 = arith.divf %broadcast_in_dim3A_5, %select_n3A_1186 : vector<16xf32>
    %eq3A_1188 = arith.constant 0.000000e+00 : f32
    %eq3A_1189 = vector.broadcast %eq3A_1188 : f32 to vector<16xf32>
    %eq3A_1190 = arith.cmpf oeq, %add3A_1167, %eq3A_1189 : vector<16xf32>
    %select_n3A_1191 = arith.select %eq3A_1190, %broadcast_in_dim3A_5, %add3A_1167 : vector<16xi1>, vector<16xf32>
    %div3A_1192 = arith.divf %broadcast_in_dim3A_5, %select_n3A_1191 : vector<16xf32>
    %eq3A_1193 = arith.constant 0.000000e+00 : f32
    %eq3A_1194 = vector.broadcast %eq3A_1193 : f32 to vector<16xf32>
    %eq3A_1195 = arith.cmpf oeq, %add3A_1177, %eq3A_1194 : vector<16xf32>
    %select_n3A_1196 = arith.select %eq3A_1195, %broadcast_in_dim3A_5, %add3A_1177 : vector<16xi1>, vector<16xf32>
    %div3A_1197 = arith.divf %broadcast_in_dim3A_5, %select_n3A_1196 : vector<16xf32>
    %mul3A_1198 = arith.mulf %add3A_1157, %add3A_1162 : vector<16xf32>
    %mul3A_1199 = arith.constant 9.99999997E-7 : f32
    %mul3A_1200 = vector.broadcast %mul3A_1199 : f32 to vector<16xf32>
    %mul3A_1201 = arith.mulf %mul3A_1200, %mul3A_1198 : vector<16xf32>
    %gt3A_1202 = arith.cmpf ogt, %add3A_1177, %mul3A_1201 : vector<16xf32>
    %broadcast_in_dim3A_1203 = arith.constant 1.000000e+30 : f32
    %broadcast_in_dim3A_1204 = vector.broadcast %broadcast_in_dim3A_1203 : f32 to vector<16xf32>
    %select_n3A_1205 = arith.select %gt3A_1202, %broadcast_in_dim3A_3, %broadcast_in_dim3A_1204 : vector<16xi1>, vector<16xf32>
    %swap3A_1206 = arith.constant 0 : i32
    %swap3A_1207 = arith.index_cast %swap3A_1206 : i32 to index
    %swap3A_1208 = arith.constant 64 : index
    %swap3A_1209 = tpu.vector_load %arg16[%swap3A_1207, %swap3A_1208] {strides = array<i32>} : memref<8x128xf32, #tpu.memory_space<vmem>>, vector<16xf32>,
    tpu.vector_store %arg16[%swap3A_1207, %swap3A_1208], %sub3A_1120 {strides = array<i32>} : memref<8x128xf32, #tpu.memory_space<vmem>>, vector<16xf32>,
    %swap3A_1210 = arith.constant 1 : i32
    %swap3A_1211 = arith.index_cast %swap3A_1210 : i32 to index
    %swap3A_1212 = arith.constant 64 : index
    %swap3A_1213 = tpu.vector_load %arg16[%swap3A_1211, %swap3A_1212] {strides = array<i32>} : memref<8x128xf32, #tpu.memory_space<vmem>>, vector<16xf32>,
    tpu.vector_store %arg16[%swap3A_1211, %swap3A_1212], %sub3A_1121 {strides = array<i32>} : memref<8x128xf32, #tpu.memory_space<vmem>>, vector<16xf32>,
    %swap3A_1214 = arith.constant 2 : i32
    %swap3A_1215 = arith.index_cast %swap3A_1214 : i32 to index
    %swap3A_1216 = arith.constant 64 : index
    %swap3A_1217 = tpu.vector_load %arg16[%swap3A_1215, %swap3A_1216] {strides = array<i32>} : memref<8x128xf32, #tpu.memory_space<vmem>>, vector<16xf32>,
    tpu.vector_store %arg16[%swap3A_1215, %swap3A_1216], %sub3A_1122 {strides = array<i32>} : memref<8x128xf32, #tpu.memory_space<vmem>>, vector<16xf32>,
    %swap3A_1218 = arith.constant 3 : i32
    %swap3A_1219 = arith.index_cast %swap3A_1218 : i32 to index
    %swap3A_1220 = arith.constant 64 : index
    %swap3A_1221 = tpu.vector_load %arg16[%swap3A_1219, %swap3A_1220] {strides = array<i32>} : memref<8x128xf32, #tpu.memory_space<vmem>>, vector<16xf32>,
    tpu.vector_store %arg16[%swap3A_1219, %swap3A_1220], %broadcast_in_dim3A_3 {strides = array<i32>} : memref<8x128xf32, #tpu.memory_space<vmem>>, vector<16xf32>,
    %neg3A_1222 = arith.constant 0.000000e+00 : f32
    %neg3A_1223 = vector.broadcast %neg3A_1222 : f32 to vector<16xf32>
    %neg3A_1224 = arith.subf %neg3A_1223, %add3A_1142 : vector<16xf32>
    %swap3A_1225 = arith.constant 4 : i32
    %swap3A_1226 = arith.index_cast %swap3A_1225 : i32 to index
    %swap3A_1227 = arith.constant 64 : index
    %swap3A_1228 = tpu.vector_load %arg16[%swap3A_1226, %swap3A_1227] {strides = array<i32>} : memref<8x128xf32, #tpu.memory_space<vmem>>, vector<16xf32>,
    tpu.vector_store %arg16[%swap3A_1226, %swap3A_1227], %neg3A_1224 {strides = array<i32>} : memref<8x128xf32, #tpu.memory_space<vmem>>, vector<16xf32>,
    %swap3A_1229 = arith.constant 0 : i32
    %swap3A_1230 = arith.index_cast %swap3A_1229 : i32 to index
    %swap3A_1231 = arith.constant 64 : index
    %swap3A_1232 = tpu.vector_load %arg17[%swap3A_1230, %swap3A_1231] {strides = array<i32>} : memref<8x128xf32, #tpu.memory_space<vmem>>, vector<16xf32>,
    tpu.vector_store %arg17[%swap3A_1230, %swap3A_1231], %sub3A_1123 {strides = array<i32>} : memref<8x128xf32, #tpu.memory_space<vmem>>, vector<16xf32>,
    %swap3A_1233 = arith.constant 1 : i32
    %swap3A_1234 = arith.index_cast %swap3A_1233 : i32 to index
    %swap3A_1235 = arith.constant 64 : index
    %swap3A_1236 = tpu.vector_load %arg17[%swap3A_1234, %swap3A_1235] {strides = array<i32>} : memref<8x128xf32, #tpu.memory_space<vmem>>, vector<16xf32>,
    tpu.vector_store %arg17[%swap3A_1234, %swap3A_1235], %sub3A_1124 {strides = array<i32>} : memref<8x128xf32, #tpu.memory_space<vmem>>, vector<16xf32>,
    %swap3A_1237 = arith.constant 2 : i32
    %swap3A_1238 = arith.index_cast %swap3A_1237 : i32 to index
    %swap3A_1239 = arith.constant 64 : index
    %swap3A_1240 = tpu.vector_load %arg17[%swap3A_1238, %swap3A_1239] {strides = array<i32>} : memref<8x128xf32, #tpu.memory_space<vmem>>, vector<16xf32>,
    tpu.vector_store %arg17[%swap3A_1238, %swap3A_1239], %sub3A_1125 {strides = array<i32>} : memref<8x128xf32, #tpu.memory_space<vmem>>, vector<16xf32>,
    %swap3A_1241 = arith.constant 3 : i32
    %swap3A_1242 = arith.index_cast %swap3A_1241 : i32 to index
    %swap3A_1243 = arith.constant 64 : index
    %swap3A_1244 = tpu.vector_load %arg17[%swap3A_1242, %swap3A_1243] {strides = array<i32>} : memref<8x128xf32, #tpu.memory_space<vmem>>, vector<16xf32>,
    tpu.vector_store %arg17[%swap3A_1242, %swap3A_1243], %broadcast_in_dim3A_3 {strides = array<i32>} : memref<8x128xf32, #tpu.memory_space<vmem>>, vector<16xf32>,
    %neg3A_1245 = arith.constant 0.000000e+00 : f32
    %neg3A_1246 = vector.broadcast %neg3A_1245 : f32 to vector<16xf32>
    %neg3A_1247 = arith.subf %neg3A_1246, %add3A_1147 : vector<16xf32>
    %swap3A_1248 = arith.constant 4 : i32
    %swap3A_1249 = arith.index_cast %swap3A_1248 : i32 to index
    %swap3A_1250 = arith.constant 64 : index
    %swap3A_1251 = tpu.vector_load %arg17[%swap3A_1249, %swap3A_1250] {strides = array<i32>} : memref<8x128xf32, #tpu.memory_space<vmem>>, vector<16xf32>,
    tpu.vector_store %arg17[%swap3A_1249, %swap3A_1250], %neg3A_1247 {strides = array<i32>} : memref<8x128xf32, #tpu.memory_space<vmem>>, vector<16xf32>,
    %mul3A_1252 = arith.constant -2.000000e+00 : f32
    %mul3A_1253 = vector.broadcast %mul3A_1252 : f32 to vector<16xf32>
    %mul3A_1254 = arith.mulf %mul3A_1253, %gather3A_1111 : vector<16xf32>
    %swap3A_1255 = arith.constant 0 : i32
    %swap3A_1256 = arith.index_cast %swap3A_1255 : i32 to index
    %swap3A_1257 = arith.constant 64 : index
    %swap3A_1258 = tpu.vector_load %arg18[%swap3A_1256, %swap3A_1257] {strides = array<i32>} : memref<8x128xf32, #tpu.memory_space<vmem>>, vector<16xf32>,
    tpu.vector_store %arg18[%swap3A_1256, %swap3A_1257], %mul3A_1254 {strides = array<i32>} : memref<8x128xf32, #tpu.memory_space<vmem>>, vector<16xf32>,
    %mul3A_1259 = arith.constant -2.000000e+00 : f32
    %mul3A_1260 = vector.broadcast %mul3A_1259 : f32 to vector<16xf32>
    %mul3A_1261 = arith.mulf %mul3A_1260, %gather3A_1112 : vector<16xf32>
    %swap3A_1262 = arith.constant 1 : i32
    %swap3A_1263 = arith.index_cast %swap3A_1262 : i32 to index
    %swap3A_1264 = arith.constant 64 : index
    %swap3A_1265 = tpu.vector_load %arg18[%swap3A_1263, %swap3A_1264] {strides = array<i32>} : memref<8x128xf32, #tpu.memory_space<vmem>>, vector<16xf32>,
    tpu.vector_store %arg18[%swap3A_1263, %swap3A_1264], %mul3A_1261 {strides = array<i32>} : memref<8x128xf32, #tpu.memory_space<vmem>>, vector<16xf32>,
    %mul3A_1266 = arith.constant -2.000000e+00 : f32
    %mul3A_1267 = vector.broadcast %mul3A_1266 : f32 to vector<16xf32>
    %mul3A_1268 = arith.mulf %mul3A_1267, %gather3A_1113 : vector<16xf32>
    %swap3A_1269 = arith.constant 2 : i32
    %swap3A_1270 = arith.index_cast %swap3A_1269 : i32 to index
    %swap3A_1271 = arith.constant 64 : index
    %swap3A_1272 = tpu.vector_load %arg18[%swap3A_1270, %swap3A_1271] {strides = array<i32>} : memref<8x128xf32, #tpu.memory_space<vmem>>, vector<16xf32>,
    tpu.vector_store %arg18[%swap3A_1270, %swap3A_1271], %mul3A_1268 {strides = array<i32>} : memref<8x128xf32, #tpu.memory_space<vmem>>, vector<16xf32>,
    %swap3A_1273 = arith.constant 3 : i32
    %swap3A_1274 = arith.index_cast %swap3A_1273 : i32 to index
    %swap3A_1275 = arith.constant 64 : index
    %swap3A_1276 = tpu.vector_load %arg18[%swap3A_1274, %swap3A_1275] {strides = array<i32>} : memref<8x128xf32, #tpu.memory_space<vmem>>, vector<16xf32>,
    tpu.vector_store %arg18[%swap3A_1274, %swap3A_1275], %broadcast_in_dim3A_5 {strides = array<i32>} : memref<8x128xf32, #tpu.memory_space<vmem>>, vector<16xf32>,
    %swap3A_1277 = arith.constant 4 : i32
    %swap3A_1278 = arith.index_cast %swap3A_1277 : i32 to index
    %swap3A_1279 = arith.constant 64 : index
    %swap3A_1280 = tpu.vector_load %arg18[%swap3A_1278, %swap3A_1279] {strides = array<i32>} : memref<8x128xf32, #tpu.memory_space<vmem>>, vector<16xf32>,
    tpu.vector_store %arg18[%swap3A_1278, %swap3A_1279], %add3A_1152 {strides = array<i32>} : memref<8x128xf32, #tpu.memory_space<vmem>>, vector<16xf32>,
    %swap3A_1281 = arith.constant 5 : i32
    %swap3A_1282 = arith.index_cast %swap3A_1281 : i32 to index
    %swap3A_1283 = arith.constant 64 : index
    %swap3A_1284 = tpu.vector_load %arg16[%swap3A_1282, %swap3A_1283] {strides = array<i32>} : memref<8x128xf32, #tpu.memory_space<vmem>>, vector<16xf32>,
    tpu.vector_store %arg16[%swap3A_1282, %swap3A_1283], %broadcast_in_dim3A_3 {strides = array<i32>} : memref<8x128xf32, #tpu.memory_space<vmem>>, vector<16xf32>,
    %swap3A_1285 = arith.constant 6 : i32
    %swap3A_1286 = arith.index_cast %swap3A_1285 : i32 to index
    %swap3A_1287 = arith.constant 64 : index
    %swap3A_1288 = tpu.vector_load %arg16[%swap3A_1286, %swap3A_1287] {strides = array<i32>} : memref<8x128xf32, #tpu.memory_space<vmem>>, vector<16xf32>,
    tpu.vector_store %arg16[%swap3A_1286, %swap3A_1287], %broadcast_in_dim3A_3 {strides = array<i32>} : memref<8x128xf32, #tpu.memory_space<vmem>>, vector<16xf32>,
    %swap3A_1289 = arith.constant 7 : i32
    %swap3A_1290 = arith.index_cast %swap3A_1289 : i32 to index
    %swap3A_1291 = arith.constant 64 : index
    %swap3A_1292 = tpu.vector_load %arg16[%swap3A_1290, %swap3A_1291] {strides = array<i32>} : memref<8x128xf32, #tpu.memory_space<vmem>>, vector<16xf32>,
    tpu.vector_store %arg16[%swap3A_1290, %swap3A_1291], %broadcast_in_dim3A_3 {strides = array<i32>} : memref<8x128xf32, #tpu.memory_space<vmem>>, vector<16xf32>,
    %swap3A_1293 = arith.constant 5 : i32
    %swap3A_1294 = arith.index_cast %swap3A_1293 : i32 to index
    %swap3A_1295 = arith.constant 64 : index
    %swap3A_1296 = tpu.vector_load %arg17[%swap3A_1294, %swap3A_1295] {strides = array<i32>} : memref<8x128xf32, #tpu.memory_space<vmem>>, vector<16xf32>,
    tpu.vector_store %arg17[%swap3A_1294, %swap3A_1295], %broadcast_in_dim3A_3 {strides = array<i32>} : memref<8x128xf32, #tpu.memory_space<vmem>>, vector<16xf32>,
    %swap3A_1297 = arith.constant 6 : i32
    %swap3A_1298 = arith.index_cast %swap3A_1297 : i32 to index
    %swap3A_1299 = arith.constant 64 : index
    %swap3A_1300 = tpu.vector_load %arg17[%swap3A_1298, %swap3A_1299] {strides = array<i32>} : memref<8x128xf32, #tpu.memory_space<vmem>>, vector<16xf32>,
    tpu.vector_store %arg17[%swap3A_1298, %swap3A_1299], %broadcast_in_dim3A_3 {strides = array<i32>} : memref<8x128xf32, #tpu.memory_space<vmem>>, vector<16xf32>,
    %swap3A_1301 = arith.constant 7 : i32
    %swap3A_1302 = arith.index_cast %swap3A_1301 : i32 to index
    %swap3A_1303 = arith.constant 64 : index
    %swap3A_1304 = tpu.vector_load %arg17[%swap3A_1302, %swap3A_1303] {strides = array<i32>} : memref<8x128xf32, #tpu.memory_space<vmem>>, vector<16xf32>,
    tpu.vector_store %arg17[%swap3A_1302, %swap3A_1303], %broadcast_in_dim3A_3 {strides = array<i32>} : memref<8x128xf32, #tpu.memory_space<vmem>>, vector<16xf32>,
    %swap3A_1305 = arith.constant 5 : i32
    %swap3A_1306 = arith.index_cast %swap3A_1305 : i32 to index
    %swap3A_1307 = arith.constant 64 : index
    %swap3A_1308 = tpu.vector_load %arg18[%swap3A_1306, %swap3A_1307] {strides = array<i32>} : memref<8x128xf32, #tpu.memory_space<vmem>>, vector<16xf32>,
    tpu.vector_store %arg18[%swap3A_1306, %swap3A_1307], %broadcast_in_dim3A_3 {strides = array<i32>} : memref<8x128xf32, #tpu.memory_space<vmem>>, vector<16xf32>,
    %swap3A_1309 = arith.constant 6 : i32
    %swap3A_1310 = arith.index_cast %swap3A_1309 : i32 to index
    %swap3A_1311 = arith.constant 64 : index
    %swap3A_1312 = tpu.vector_load %arg18[%swap3A_1310, %swap3A_1311] {strides = array<i32>} : memref<8x128xf32, #tpu.memory_space<vmem>>, vector<16xf32>,
    tpu.vector_store %arg18[%swap3A_1310, %swap3A_1311], %broadcast_in_dim3A_3 {strides = array<i32>} : memref<8x128xf32, #tpu.memory_space<vmem>>, vector<16xf32>,
    %swap3A_1313 = arith.constant 7 : i32
    %swap3A_1314 = arith.index_cast %swap3A_1313 : i32 to index
    %swap3A_1315 = arith.constant 64 : index
    %swap3A_1316 = tpu.vector_load %arg18[%swap3A_1314, %swap3A_1315] {strides = array<i32>} : memref<8x128xf32, #tpu.memory_space<vmem>>, vector<16xf32>,
    tpu.vector_store %arg18[%swap3A_1314, %swap3A_1315], %broadcast_in_dim3A_3 {strides = array<i32>} : memref<8x128xf32, #tpu.memory_space<vmem>>, vector<16xf32>,
    %swap3A_1317 = arith.constant 0 : i32
    %swap3A_1318 = arith.index_cast %swap3A_1317 : i32 to index
    %swap3A_1319 = arith.constant 64 : index
    %swap3A_1320 = tpu.vector_load %arg19[%swap3A_1318, %swap3A_1319] {strides = array<i32>} : memref<16x128xf32, #tpu.memory_space<vmem>>, vector<16xf32>,
    tpu.vector_store %arg19[%swap3A_1318, %swap3A_1319], %add3A_1157 {strides = array<i32>} : memref<16x128xf32, #tpu.memory_space<vmem>>, vector<16xf32>,
    %swap3A_1321 = arith.constant 1 : i32
    %swap3A_1322 = arith.index_cast %swap3A_1321 : i32 to index
    %swap3A_1323 = arith.constant 64 : index
    %swap3A_1324 = tpu.vector_load %arg19[%swap3A_1322, %swap3A_1323] {strides = array<i32>} : memref<16x128xf32, #tpu.memory_space<vmem>>, vector<16xf32>,
    tpu.vector_store %arg19[%swap3A_1322, %swap3A_1323], %add3A_1162 {strides = array<i32>} : memref<16x128xf32, #tpu.memory_space<vmem>>, vector<16xf32>,
    %swap3A_1325 = arith.constant 2 : i32
    %swap3A_1326 = arith.index_cast %swap3A_1325 : i32 to index
    %swap3A_1327 = arith.constant 64 : index
    %swap3A_1328 = tpu.vector_load %arg19[%swap3A_1326, %swap3A_1327] {strides = array<i32>} : memref<16x128xf32, #tpu.memory_space<vmem>>, vector<16xf32>,
    tpu.vector_store %arg19[%swap3A_1326, %swap3A_1327], %add3A_1167 {strides = array<i32>} : memref<16x128xf32, #tpu.memory_space<vmem>>, vector<16xf32>,
    %swap3A_1329 = arith.constant 3 : i32
    %swap3A_1330 = arith.index_cast %swap3A_1329 : i32 to index
    %swap3A_1331 = arith.constant 64 : index
    %swap3A_1332 = tpu.vector_load %arg19[%swap3A_1330, %swap3A_1331] {strides = array<i32>} : memref<16x128xf32, #tpu.memory_space<vmem>>, vector<16xf32>,
    tpu.vector_store %arg19[%swap3A_1330, %swap3A_1331], %div3A_1182 {strides = array<i32>} : memref<16x128xf32, #tpu.memory_space<vmem>>, vector<16xf32>,
    %swap3A_1333 = arith.constant 4 : i32
    %swap3A_1334 = arith.index_cast %swap3A_1333 : i32 to index
    %swap3A_1335 = arith.constant 64 : index
    %swap3A_1336 = tpu.vector_load %arg19[%swap3A_1334, %swap3A_1335] {strides = array<i32>} : memref<16x128xf32, #tpu.memory_space<vmem>>, vector<16xf32>,
    tpu.vector_store %arg19[%swap3A_1334, %swap3A_1335], %div3A_1187 {strides = array<i32>} : memref<16x128xf32, #tpu.memory_space<vmem>>, vector<16xf32>,
    %swap3A_1337 = arith.constant 5 : i32
    %swap3A_1338 = arith.index_cast %swap3A_1337 : i32 to index
    %swap3A_1339 = arith.constant 64 : index
    %swap3A_1340 = tpu.vector_load %arg19[%swap3A_1338, %swap3A_1339] {strides = array<i32>} : memref<16x128xf32, #tpu.memory_space<vmem>>, vector<16xf32>,
    tpu.vector_store %arg19[%swap3A_1338, %swap3A_1339], %div3A_1192 {strides = array<i32>} : memref<16x128xf32, #tpu.memory_space<vmem>>, vector<16xf32>,
    %swap3A_1341 = arith.constant 6 : i32
    %swap3A_1342 = arith.index_cast %swap3A_1341 : i32 to index
    %swap3A_1343 = arith.constant 64 : index
    %swap3A_1344 = tpu.vector_load %arg19[%swap3A_1342, %swap3A_1343] {strides = array<i32>} : memref<16x128xf32, #tpu.memory_space<vmem>>, vector<16xf32>,
    tpu.vector_store %arg19[%swap3A_1342, %swap3A_1343], %div3A_1197 {strides = array<i32>} : memref<16x128xf32, #tpu.memory_space<vmem>>, vector<16xf32>,
    %sub3A_1345 = arith.subf %add3A_1157, %add3A_1172 : vector<16xf32>
    %swap3A_1346 = arith.constant 7 : i32
    %swap3A_1347 = arith.index_cast %swap3A_1346 : i32 to index
    %swap3A_1348 = arith.constant 64 : index
    %swap3A_1349 = tpu.vector_load %arg19[%swap3A_1347, %swap3A_1348] {strides = array<i32>} : memref<16x128xf32, #tpu.memory_space<vmem>>, vector<16xf32>,
    tpu.vector_store %arg19[%swap3A_1347, %swap3A_1348], %sub3A_1345 {strides = array<i32>} : memref<16x128xf32, #tpu.memory_space<vmem>>, vector<16xf32>,
    %swap3A_1350 = arith.constant 8 : i32
    %swap3A_1351 = arith.index_cast %swap3A_1350 : i32 to index
    %swap3A_1352 = arith.constant 64 : index
    %swap3A_1353 = tpu.vector_load %arg19[%swap3A_1351, %swap3A_1352] {strides = array<i32>} : memref<16x128xf32, #tpu.memory_space<vmem>>, vector<16xf32>,
    tpu.vector_store %arg19[%swap3A_1351, %swap3A_1352], %select_n3A_1205 {strides = array<i32>} : memref<16x128xf32, #tpu.memory_space<vmem>>, vector<16xf32>,
    %swap3A_1354 = arith.constant 9 : i32
    %swap3A_1355 = arith.index_cast %swap3A_1354 : i32 to index
    %swap3A_1356 = arith.constant 64 : index
    %swap3A_1357 = tpu.vector_load %arg19[%swap3A_1355, %swap3A_1356] {strides = array<i32>} : memref<16x128xf32, #tpu.memory_space<vmem>>, vector<16xf32>,
    tpu.vector_store %arg19[%swap3A_1355, %swap3A_1356], %add3A_1177 {strides = array<i32>} : memref<16x128xf32, #tpu.memory_space<vmem>>, vector<16xf32>,
    %swap3A_1358 = arith.constant 10 : i32
    %swap3A_1359 = arith.index_cast %swap3A_1358 : i32 to index
    %swap3A_1360 = arith.constant 64 : index
    %swap3A_1361 = tpu.vector_load %arg19[%swap3A_1359, %swap3A_1360] {strides = array<i32>} : memref<16x128xf32, #tpu.memory_space<vmem>>, vector<16xf32>,
    tpu.vector_store %arg19[%swap3A_1359, %swap3A_1360], %add3A_1172 {strides = array<i32>} : memref<16x128xf32, #tpu.memory_space<vmem>>, vector<16xf32>,
    %swap3A_1362 = arith.constant 11 : i32
    %swap3A_1363 = arith.index_cast %swap3A_1362 : i32 to index
    %swap3A_1364 = arith.constant 64 : index
    %swap3A_1365 = tpu.vector_load %arg19[%swap3A_1363, %swap3A_1364] {strides = array<i32>} : memref<16x128xf32, #tpu.memory_space<vmem>>, vector<16xf32>,
    tpu.vector_store %arg19[%swap3A_1363, %swap3A_1364], %broadcast_in_dim3A_3 {strides = array<i32>} : memref<16x128xf32, #tpu.memory_space<vmem>>, vector<16xf32>,
    %swap3A_1366 = arith.constant 12 : i32
    %swap3A_1367 = arith.index_cast %swap3A_1366 : i32 to index
    %swap3A_1368 = arith.constant 64 : index
    %swap3A_1369 = tpu.vector_load %arg19[%swap3A_1367, %swap3A_1368] {strides = array<i32>} : memref<16x128xf32, #tpu.memory_space<vmem>>, vector<16xf32>,
    tpu.vector_store %arg19[%swap3A_1367, %swap3A_1368], %broadcast_in_dim3A_3 {strides = array<i32>} : memref<16x128xf32, #tpu.memory_space<vmem>>, vector<16xf32>,
    %swap3A_1370 = arith.constant 13 : i32
    %swap3A_1371 = arith.index_cast %swap3A_1370 : i32 to index
    %swap3A_1372 = arith.constant 64 : index
    %swap3A_1373 = tpu.vector_load %arg19[%swap3A_1371, %swap3A_1372] {strides = array<i32>} : memref<16x128xf32, #tpu.memory_space<vmem>>, vector<16xf32>,
    tpu.vector_store %arg19[%swap3A_1371, %swap3A_1372], %broadcast_in_dim3A_3 {strides = array<i32>} : memref<16x128xf32, #tpu.memory_space<vmem>>, vector<16xf32>,
    %swap3A_1374 = arith.constant 14 : i32
    %swap3A_1375 = arith.index_cast %swap3A_1374 : i32 to index
    %swap3A_1376 = arith.constant 64 : index
    %swap3A_1377 = tpu.vector_load %arg19[%swap3A_1375, %swap3A_1376] {strides = array<i32>} : memref<16x128xf32, #tpu.memory_space<vmem>>, vector<16xf32>,
    tpu.vector_store %arg19[%swap3A_1375, %swap3A_1376], %broadcast_in_dim3A_3 {strides = array<i32>} : memref<16x128xf32, #tpu.memory_space<vmem>>, vector<16xf32>,
    %swap3A_1378 = arith.constant 15 : i32
    %swap3A_1379 = arith.index_cast %swap3A_1378 : i32 to index
    %swap3A_1380 = arith.constant 64 : index
    %swap3A_1381 = tpu.vector_load %arg19[%swap3A_1379, %swap3A_1380] {strides = array<i32>} : memref<16x128xf32, #tpu.memory_space<vmem>>, vector<16xf32>,
    tpu.vector_store %arg19[%swap3A_1379, %swap3A_1380], %broadcast_in_dim3A_3 {strides = array<i32>} : memref<16x128xf32, #tpu.memory_space<vmem>>, vector<16xf32>,
    %get3A_1382 = arith.constant 80 : index
    %get3A_1383 = tpu.vector_load %arg13[%get3A_1382] {strides = array<i32>} : memref<128xi32, #tpu.memory_space<vmem>>, vector<16xi32>,
    %get3A_1384 = arith.constant 80 : index
    %get3A_1385 = tpu.vector_load %arg14[%get3A_1384] {strides = array<i32>} : memref<128xi32, #tpu.memory_space<vmem>>, vector<16xi32>,
    %get3A_1386 = arith.constant 80 : index
    %get3A_1387 = tpu.vector_load %arg15[%get3A_1386] {strides = array<i32>} : memref<128xi32, #tpu.memory_space<vmem>>, vector<16xi32>,
    %gather3A_1388 = tpu.vector_load_idx %arg10[%get3A_1383] : memref<8192xf32, #tpu.memory_space<vmem>>[vector<16xi32>], vector<16xf32>,
    %gather3A_1389 = tpu.vector_load_idx %arg11[%get3A_1383] : memref<8192xf32, #tpu.memory_space<vmem>>[vector<16xi32>], vector<16xf32>,
    %gather3A_1390 = tpu.vector_load_idx %arg12[%get3A_1383] : memref<8192xf32, #tpu.memory_space<vmem>>[vector<16xi32>], vector<16xf32>,
    %gather3A_1391 = tpu.vector_load_idx %arg10[%get3A_1385] : memref<8192xf32, #tpu.memory_space<vmem>>[vector<16xi32>], vector<16xf32>,
    %gather3A_1392 = tpu.vector_load_idx %arg11[%get3A_1385] : memref<8192xf32, #tpu.memory_space<vmem>>[vector<16xi32>], vector<16xf32>,
    %gather3A_1393 = tpu.vector_load_idx %arg12[%get3A_1385] : memref<8192xf32, #tpu.memory_space<vmem>>[vector<16xi32>], vector<16xf32>,
    %gather3A_1394 = tpu.vector_load_idx %arg10[%get3A_1387] : memref<8192xf32, #tpu.memory_space<vmem>>[vector<16xi32>], vector<16xf32>,
    %gather3A_1395 = tpu.vector_load_idx %arg11[%get3A_1387] : memref<8192xf32, #tpu.memory_space<vmem>>[vector<16xi32>], vector<16xf32>,
    %gather3A_1396 = tpu.vector_load_idx %arg12[%get3A_1387] : memref<8192xf32, #tpu.memory_space<vmem>>[vector<16xi32>], vector<16xf32>,
    %sub3A_1397 = arith.subf %gather3A_1391, %gather3A_1388 : vector<16xf32>
    %sub3A_1398 = arith.subf %gather3A_1392, %gather3A_1389 : vector<16xf32>
    %sub3A_1399 = arith.subf %gather3A_1393, %gather3A_1390 : vector<16xf32>
    %sub3A_1400 = arith.subf %gather3A_1394, %gather3A_1388 : vector<16xf32>
    %sub3A_1401 = arith.subf %gather3A_1395, %gather3A_1389 : vector<16xf32>
    %sub3A_1402 = arith.subf %gather3A_1396, %gather3A_1390 : vector<16xf32>
    %sub3A_1403 = arith.subf %gather3A_1394, %gather3A_1391 : vector<16xf32>
    %sub3A_1404 = arith.subf %gather3A_1395, %gather3A_1392 : vector<16xf32>
    %sub3A_1405 = arith.subf %gather3A_1396, %gather3A_1393 : vector<16xf32>
    %mul3A_1406 = arith.mulf %sub3A_1398, %sub3A_1402 : vector<16xf32>
    %mul3A_1407 = arith.mulf %sub3A_1399, %sub3A_1401 : vector<16xf32>
    %sub3A_1408 = arith.subf %mul3A_1406, %mul3A_1407 : vector<16xf32>
    %mul3A_1409 = arith.mulf %sub3A_1399, %sub3A_1400 : vector<16xf32>
    %mul3A_1410 = arith.mulf %sub3A_1397, %sub3A_1402 : vector<16xf32>
    %sub3A_1411 = arith.subf %mul3A_1409, %mul3A_1410 : vector<16xf32>
    %mul3A_1412 = arith.mulf %sub3A_1397, %sub3A_1401 : vector<16xf32>
    %mul3A_1413 = arith.mulf %sub3A_1398, %sub3A_1400 : vector<16xf32>
    %sub3A_1414 = arith.subf %mul3A_1412, %mul3A_1413 : vector<16xf32>
    %mul3A_1415 = arith.mulf %sub3A_1397, %gather3A_1388 : vector<16xf32>
    %mul3A_1416 = arith.mulf %sub3A_1398, %gather3A_1389 : vector<16xf32>
    %add3A_1417 = arith.addf %mul3A_1415, %mul3A_1416 : vector<16xf32>
    %mul3A_1418 = arith.mulf %sub3A_1399, %gather3A_1390 : vector<16xf32>
    %add3A_1419 = arith.addf %add3A_1417, %mul3A_1418 : vector<16xf32>
    %mul3A_1420 = arith.mulf %sub3A_1400, %gather3A_1388 : vector<16xf32>
    %mul3A_1421 = arith.mulf %sub3A_1401, %gather3A_1389 : vector<16xf32>
    %add3A_1422 = arith.addf %mul3A_1420, %mul3A_1421 : vector<16xf32>
    %mul3A_1423 = arith.mulf %sub3A_1402, %gather3A_1390 : vector<16xf32>
    %add3A_1424 = arith.addf %add3A_1422, %mul3A_1423 : vector<16xf32>
    %mul3A_1425 = arith.mulf %gather3A_1388, %gather3A_1388 : vector<16xf32>
    %mul3A_1426 = arith.mulf %gather3A_1389, %gather3A_1389 : vector<16xf32>
    %add3A_1427 = arith.addf %mul3A_1425, %mul3A_1426 : vector<16xf32>
    %mul3A_1428 = arith.mulf %gather3A_1390, %gather3A_1390 : vector<16xf32>
    %add3A_1429 = arith.addf %add3A_1427, %mul3A_1428 : vector<16xf32>
    %mul3A_1430 = arith.mulf %sub3A_1397, %sub3A_1397 : vector<16xf32>
    %mul3A_1431 = arith.mulf %sub3A_1398, %sub3A_1398 : vector<16xf32>
    %add3A_1432 = arith.addf %mul3A_1430, %mul3A_1431 : vector<16xf32>
    %mul3A_1433 = arith.mulf %sub3A_1399, %sub3A_1399 : vector<16xf32>
    %add3A_1434 = arith.addf %add3A_1432, %mul3A_1433 : vector<16xf32>
    %mul3A_1435 = arith.mulf %sub3A_1400, %sub3A_1400 : vector<16xf32>
    %mul3A_1436 = arith.mulf %sub3A_1401, %sub3A_1401 : vector<16xf32>
    %add3A_1437 = arith.addf %mul3A_1435, %mul3A_1436 : vector<16xf32>
    %mul3A_1438 = arith.mulf %sub3A_1402, %sub3A_1402 : vector<16xf32>
    %add3A_1439 = arith.addf %add3A_1437, %mul3A_1438 : vector<16xf32>
    %mul3A_1440 = arith.mulf %sub3A_1403, %sub3A_1403 : vector<16xf32>
    %mul3A_1441 = arith.mulf %sub3A_1404, %sub3A_1404 : vector<16xf32>
    %add3A_1442 = arith.addf %mul3A_1440, %mul3A_1441 : vector<16xf32>
    %mul3A_1443 = arith.mulf %sub3A_1405, %sub3A_1405 : vector<16xf32>
    %add3A_1444 = arith.addf %add3A_1442, %mul3A_1443 : vector<16xf32>
    %mul3A_1445 = arith.mulf %sub3A_1397, %sub3A_1400 : vector<16xf32>
    %mul3A_1446 = arith.mulf %sub3A_1398, %sub3A_1401 : vector<16xf32>
    %add3A_1447 = arith.addf %mul3A_1445, %mul3A_1446 : vector<16xf32>
    %mul3A_1448 = arith.mulf %sub3A_1399, %sub3A_1402 : vector<16xf32>
    %add3A_1449 = arith.addf %add3A_1447, %mul3A_1448 : vector<16xf32>
    %mul3A_1450 = arith.mulf %sub3A_1408, %sub3A_1408 : vector<16xf32>
    %mul3A_1451 = arith.mulf %sub3A_1411, %sub3A_1411 : vector<16xf32>
    %add3A_1452 = arith.addf %mul3A_1450, %mul3A_1451 : vector<16xf32>
    %mul3A_1453 = arith.mulf %sub3A_1414, %sub3A_1414 : vector<16xf32>
    %add3A_1454 = arith.addf %add3A_1452, %mul3A_1453 : vector<16xf32>
    %eq3A_1455 = arith.constant 0.000000e+00 : f32
    %eq3A_1456 = vector.broadcast %eq3A_1455 : f32 to vector<16xf32>
    %eq3A_1457 = arith.cmpf oeq, %add3A_1434, %eq3A_1456 : vector<16xf32>
    %select_n3A_1458 = arith.select %eq3A_1457, %broadcast_in_dim3A_5, %add3A_1434 : vector<16xi1>, vector<16xf32>
    %div3A_1459 = arith.divf %broadcast_in_dim3A_5, %select_n3A_1458 : vector<16xf32>
    %eq3A_1460 = arith.constant 0.000000e+00 : f32
    %eq3A_1461 = vector.broadcast %eq3A_1460 : f32 to vector<16xf32>
    %eq3A_1462 = arith.cmpf oeq, %add3A_1439, %eq3A_1461 : vector<16xf32>
    %select_n3A_1463 = arith.select %eq3A_1462, %broadcast_in_dim3A_5, %add3A_1439 : vector<16xi1>, vector<16xf32>
    %div3A_1464 = arith.divf %broadcast_in_dim3A_5, %select_n3A_1463 : vector<16xf32>
    %eq3A_1465 = arith.constant 0.000000e+00 : f32
    %eq3A_1466 = vector.broadcast %eq3A_1465 : f32 to vector<16xf32>
    %eq3A_1467 = arith.cmpf oeq, %add3A_1444, %eq3A_1466 : vector<16xf32>
    %select_n3A_1468 = arith.select %eq3A_1467, %broadcast_in_dim3A_5, %add3A_1444 : vector<16xi1>, vector<16xf32>
    %div3A_1469 = arith.divf %broadcast_in_dim3A_5, %select_n3A_1468 : vector<16xf32>
    %eq3A_1470 = arith.constant 0.000000e+00 : f32
    %eq3A_1471 = vector.broadcast %eq3A_1470 : f32 to vector<16xf32>
    %eq3A_1472 = arith.cmpf oeq, %add3A_1454, %eq3A_1471 : vector<16xf32>
    %select_n3A_1473 = arith.select %eq3A_1472, %broadcast_in_dim3A_5, %add3A_1454 : vector<16xi1>, vector<16xf32>
    %div3A_1474 = arith.divf %broadcast_in_dim3A_5, %select_n3A_1473 : vector<16xf32>
    %mul3A_1475 = arith.mulf %add3A_1434, %add3A_1439 : vector<16xf32>
    %mul3A_1476 = arith.constant 9.99999997E-7 : f32
    %mul3A_1477 = vector.broadcast %mul3A_1476 : f32 to vector<16xf32>
    %mul3A_1478 = arith.mulf %mul3A_1477, %mul3A_1475 : vector<16xf32>
    %gt3A_1479 = arith.cmpf ogt, %add3A_1454, %mul3A_1478 : vector<16xf32>
    %broadcast_in_dim3A_1480 = arith.constant 1.000000e+30 : f32
    %broadcast_in_dim3A_1481 = vector.broadcast %broadcast_in_dim3A_1480 : f32 to vector<16xf32>
    %select_n3A_1482 = arith.select %gt3A_1479, %broadcast_in_dim3A_3, %broadcast_in_dim3A_1481 : vector<16xi1>, vector<16xf32>
    %swap3A_1483 = arith.constant 0 : i32
    %swap3A_1484 = arith.index_cast %swap3A_1483 : i32 to index
    %swap3A_1485 = arith.constant 80 : index
    %swap3A_1486 = tpu.vector_load %arg16[%swap3A_1484, %swap3A_1485] {strides = array<i32>} : memref<8x128xf32, #tpu.memory_space<vmem>>, vector<16xf32>,
    tpu.vector_store %arg16[%swap3A_1484, %swap3A_1485], %sub3A_1397 {strides = array<i32>} : memref<8x128xf32, #tpu.memory_space<vmem>>, vector<16xf32>,
    %swap3A_1487 = arith.constant 1 : i32
    %swap3A_1488 = arith.index_cast %swap3A_1487 : i32 to index
    %swap3A_1489 = arith.constant 80 : index
    %swap3A_1490 = tpu.vector_load %arg16[%swap3A_1488, %swap3A_1489] {strides = array<i32>} : memref<8x128xf32, #tpu.memory_space<vmem>>, vector<16xf32>,
    tpu.vector_store %arg16[%swap3A_1488, %swap3A_1489], %sub3A_1398 {strides = array<i32>} : memref<8x128xf32, #tpu.memory_space<vmem>>, vector<16xf32>,
    %swap3A_1491 = arith.constant 2 : i32
    %swap3A_1492 = arith.index_cast %swap3A_1491 : i32 to index
    %swap3A_1493 = arith.constant 80 : index
    %swap3A_1494 = tpu.vector_load %arg16[%swap3A_1492, %swap3A_1493] {strides = array<i32>} : memref<8x128xf32, #tpu.memory_space<vmem>>, vector<16xf32>,
    tpu.vector_store %arg16[%swap3A_1492, %swap3A_1493], %sub3A_1399 {strides = array<i32>} : memref<8x128xf32, #tpu.memory_space<vmem>>, vector<16xf32>,
    %swap3A_1495 = arith.constant 3 : i32
    %swap3A_1496 = arith.index_cast %swap3A_1495 : i32 to index
    %swap3A_1497 = arith.constant 80 : index
    %swap3A_1498 = tpu.vector_load %arg16[%swap3A_1496, %swap3A_1497] {strides = array<i32>} : memref<8x128xf32, #tpu.memory_space<vmem>>, vector<16xf32>,
    tpu.vector_store %arg16[%swap3A_1496, %swap3A_1497], %broadcast_in_dim3A_3 {strides = array<i32>} : memref<8x128xf32, #tpu.memory_space<vmem>>, vector<16xf32>,
    %neg3A_1499 = arith.constant 0.000000e+00 : f32
    %neg3A_1500 = vector.broadcast %neg3A_1499 : f32 to vector<16xf32>
    %neg3A_1501 = arith.subf %neg3A_1500, %add3A_1419 : vector<16xf32>
    %swap3A_1502 = arith.constant 4 : i32
    %swap3A_1503 = arith.index_cast %swap3A_1502 : i32 to index
    %swap3A_1504 = arith.constant 80 : index
    %swap3A_1505 = tpu.vector_load %arg16[%swap3A_1503, %swap3A_1504] {strides = array<i32>} : memref<8x128xf32, #tpu.memory_space<vmem>>, vector<16xf32>,
    tpu.vector_store %arg16[%swap3A_1503, %swap3A_1504], %neg3A_1501 {strides = array<i32>} : memref<8x128xf32, #tpu.memory_space<vmem>>, vector<16xf32>,
    %swap3A_1506 = arith.constant 0 : i32
    %swap3A_1507 = arith.index_cast %swap3A_1506 : i32 to index
    %swap3A_1508 = arith.constant 80 : index
    %swap3A_1509 = tpu.vector_load %arg17[%swap3A_1507, %swap3A_1508] {strides = array<i32>} : memref<8x128xf32, #tpu.memory_space<vmem>>, vector<16xf32>,
    tpu.vector_store %arg17[%swap3A_1507, %swap3A_1508], %sub3A_1400 {strides = array<i32>} : memref<8x128xf32, #tpu.memory_space<vmem>>, vector<16xf32>,
    %swap3A_1510 = arith.constant 1 : i32
    %swap3A_1511 = arith.index_cast %swap3A_1510 : i32 to index
    %swap3A_1512 = arith.constant 80 : index
    %swap3A_1513 = tpu.vector_load %arg17[%swap3A_1511, %swap3A_1512] {strides = array<i32>} : memref<8x128xf32, #tpu.memory_space<vmem>>, vector<16xf32>,
    tpu.vector_store %arg17[%swap3A_1511, %swap3A_1512], %sub3A_1401 {strides = array<i32>} : memref<8x128xf32, #tpu.memory_space<vmem>>, vector<16xf32>,
    %swap3A_1514 = arith.constant 2 : i32
    %swap3A_1515 = arith.index_cast %swap3A_1514 : i32 to index
    %swap3A_1516 = arith.constant 80 : index
    %swap3A_1517 = tpu.vector_load %arg17[%swap3A_1515, %swap3A_1516] {strides = array<i32>} : memref<8x128xf32, #tpu.memory_space<vmem>>, vector<16xf32>,
    tpu.vector_store %arg17[%swap3A_1515, %swap3A_1516], %sub3A_1402 {strides = array<i32>} : memref<8x128xf32, #tpu.memory_space<vmem>>, vector<16xf32>,
    %swap3A_1518 = arith.constant 3 : i32
    %swap3A_1519 = arith.index_cast %swap3A_1518 : i32 to index
    %swap3A_1520 = arith.constant 80 : index
    %swap3A_1521 = tpu.vector_load %arg17[%swap3A_1519, %swap3A_1520] {strides = array<i32>} : memref<8x128xf32, #tpu.memory_space<vmem>>, vector<16xf32>,
    tpu.vector_store %arg17[%swap3A_1519, %swap3A_1520], %broadcast_in_dim3A_3 {strides = array<i32>} : memref<8x128xf32, #tpu.memory_space<vmem>>, vector<16xf32>,
    %neg3A_1522 = arith.constant 0.000000e+00 : f32
    %neg3A_1523 = vector.broadcast %neg3A_1522 : f32 to vector<16xf32>
    %neg3A_1524 = arith.subf %neg3A_1523, %add3A_1424 : vector<16xf32>
    %swap3A_1525 = arith.constant 4 : i32
    %swap3A_1526 = arith.index_cast %swap3A_1525 : i32 to index
    %swap3A_1527 = arith.constant 80 : index
    %swap3A_1528 = tpu.vector_load %arg17[%swap3A_1526, %swap3A_1527] {strides = array<i32>} : memref<8x128xf32, #tpu.memory_space<vmem>>, vector<16xf32>,
    tpu.vector_store %arg17[%swap3A_1526, %swap3A_1527], %neg3A_1524 {strides = array<i32>} : memref<8x128xf32, #tpu.memory_space<vmem>>, vector<16xf32>,
    %mul3A_1529 = arith.constant -2.000000e+00 : f32
    %mul3A_1530 = vector.broadcast %mul3A_1529 : f32 to vector<16xf32>
    %mul3A_1531 = arith.mulf %mul3A_1530, %gather3A_1388 : vector<16xf32>
    %swap3A_1532 = arith.constant 0 : i32
    %swap3A_1533 = arith.index_cast %swap3A_1532 : i32 to index
    %swap3A_1534 = arith.constant 80 : index
    %swap3A_1535 = tpu.vector_load %arg18[%swap3A_1533, %swap3A_1534] {strides = array<i32>} : memref<8x128xf32, #tpu.memory_space<vmem>>, vector<16xf32>,
    tpu.vector_store %arg18[%swap3A_1533, %swap3A_1534], %mul3A_1531 {strides = array<i32>} : memref<8x128xf32, #tpu.memory_space<vmem>>, vector<16xf32>,
    %mul3A_1536 = arith.constant -2.000000e+00 : f32
    %mul3A_1537 = vector.broadcast %mul3A_1536 : f32 to vector<16xf32>
    %mul3A_1538 = arith.mulf %mul3A_1537, %gather3A_1389 : vector<16xf32>
    %swap3A_1539 = arith.constant 1 : i32
    %swap3A_1540 = arith.index_cast %swap3A_1539 : i32 to index
    %swap3A_1541 = arith.constant 80 : index
    %swap3A_1542 = tpu.vector_load %arg18[%swap3A_1540, %swap3A_1541] {strides = array<i32>} : memref<8x128xf32, #tpu.memory_space<vmem>>, vector<16xf32>,
    tpu.vector_store %arg18[%swap3A_1540, %swap3A_1541], %mul3A_1538 {strides = array<i32>} : memref<8x128xf32, #tpu.memory_space<vmem>>, vector<16xf32>,
    %mul3A_1543 = arith.constant -2.000000e+00 : f32
    %mul3A_1544 = vector.broadcast %mul3A_1543 : f32 to vector<16xf32>
    %mul3A_1545 = arith.mulf %mul3A_1544, %gather3A_1390 : vector<16xf32>
    %swap3A_1546 = arith.constant 2 : i32
    %swap3A_1547 = arith.index_cast %swap3A_1546 : i32 to index
    %swap3A_1548 = arith.constant 80 : index
    %swap3A_1549 = tpu.vector_load %arg18[%swap3A_1547, %swap3A_1548] {strides = array<i32>} : memref<8x128xf32, #tpu.memory_space<vmem>>, vector<16xf32>,
    tpu.vector_store %arg18[%swap3A_1547, %swap3A_1548], %mul3A_1545 {strides = array<i32>} : memref<8x128xf32, #tpu.memory_space<vmem>>, vector<16xf32>,
    %swap3A_1550 = arith.constant 3 : i32
    %swap3A_1551 = arith.index_cast %swap3A_1550 : i32 to index
    %swap3A_1552 = arith.constant 80 : index
    %swap3A_1553 = tpu.vector_load %arg18[%swap3A_1551, %swap3A_1552] {strides = array<i32>} : memref<8x128xf32, #tpu.memory_space<vmem>>, vector<16xf32>,
    tpu.vector_store %arg18[%swap3A_1551, %swap3A_1552], %broadcast_in_dim3A_5 {strides = array<i32>} : memref<8x128xf32, #tpu.memory_space<vmem>>, vector<16xf32>,
    %swap3A_1554 = arith.constant 4 : i32
    %swap3A_1555 = arith.index_cast %swap3A_1554 : i32 to index
    %swap3A_1556 = arith.constant 80 : index
    %swap3A_1557 = tpu.vector_load %arg18[%swap3A_1555, %swap3A_1556] {strides = array<i32>} : memref<8x128xf32, #tpu.memory_space<vmem>>, vector<16xf32>,
    tpu.vector_store %arg18[%swap3A_1555, %swap3A_1556], %add3A_1429 {strides = array<i32>} : memref<8x128xf32, #tpu.memory_space<vmem>>, vector<16xf32>,
    %swap3A_1558 = arith.constant 5 : i32
    %swap3A_1559 = arith.index_cast %swap3A_1558 : i32 to index
    %swap3A_1560 = arith.constant 80 : index
    %swap3A_1561 = tpu.vector_load %arg16[%swap3A_1559, %swap3A_1560] {strides = array<i32>} : memref<8x128xf32, #tpu.memory_space<vmem>>, vector<16xf32>,
    tpu.vector_store %arg16[%swap3A_1559, %swap3A_1560], %broadcast_in_dim3A_3 {strides = array<i32>} : memref<8x128xf32, #tpu.memory_space<vmem>>, vector<16xf32>,
    %swap3A_1562 = arith.constant 6 : i32
    %swap3A_1563 = arith.index_cast %swap3A_1562 : i32 to index
    %swap3A_1564 = arith.constant 80 : index
    %swap3A_1565 = tpu.vector_load %arg16[%swap3A_1563, %swap3A_1564] {strides = array<i32>} : memref<8x128xf32, #tpu.memory_space<vmem>>, vector<16xf32>,
    tpu.vector_store %arg16[%swap3A_1563, %swap3A_1564], %broadcast_in_dim3A_3 {strides = array<i32>} : memref<8x128xf32, #tpu.memory_space<vmem>>, vector<16xf32>,
    %swap3A_1566 = arith.constant 7 : i32
    %swap3A_1567 = arith.index_cast %swap3A_1566 : i32 to index
    %swap3A_1568 = arith.constant 80 : index
    %swap3A_1569 = tpu.vector_load %arg16[%swap3A_1567, %swap3A_1568] {strides = array<i32>} : memref<8x128xf32, #tpu.memory_space<vmem>>, vector<16xf32>,
    tpu.vector_store %arg16[%swap3A_1567, %swap3A_1568], %broadcast_in_dim3A_3 {strides = array<i32>} : memref<8x128xf32, #tpu.memory_space<vmem>>, vector<16xf32>,
    %swap3A_1570 = arith.constant 5 : i32
    %swap3A_1571 = arith.index_cast %swap3A_1570 : i32 to index
    %swap3A_1572 = arith.constant 80 : index
    %swap3A_1573 = tpu.vector_load %arg17[%swap3A_1571, %swap3A_1572] {strides = array<i32>} : memref<8x128xf32, #tpu.memory_space<vmem>>, vector<16xf32>,
    tpu.vector_store %arg17[%swap3A_1571, %swap3A_1572], %broadcast_in_dim3A_3 {strides = array<i32>} : memref<8x128xf32, #tpu.memory_space<vmem>>, vector<16xf32>,
    %swap3A_1574 = arith.constant 6 : i32
    %swap3A_1575 = arith.index_cast %swap3A_1574 : i32 to index
    %swap3A_1576 = arith.constant 80 : index
    %swap3A_1577 = tpu.vector_load %arg17[%swap3A_1575, %swap3A_1576] {strides = array<i32>} : memref<8x128xf32, #tpu.memory_space<vmem>>, vector<16xf32>,
    tpu.vector_store %arg17[%swap3A_1575, %swap3A_1576], %broadcast_in_dim3A_3 {strides = array<i32>} : memref<8x128xf32, #tpu.memory_space<vmem>>, vector<16xf32>,
    %swap3A_1578 = arith.constant 7 : i32
    %swap3A_1579 = arith.index_cast %swap3A_1578 : i32 to index
    %swap3A_1580 = arith.constant 80 : index
    %swap3A_1581 = tpu.vector_load %arg17[%swap3A_1579, %swap3A_1580] {strides = array<i32>} : memref<8x128xf32, #tpu.memory_space<vmem>>, vector<16xf32>,
    tpu.vector_store %arg17[%swap3A_1579, %swap3A_1580], %broadcast_in_dim3A_3 {strides = array<i32>} : memref<8x128xf32, #tpu.memory_space<vmem>>, vector<16xf32>,
    %swap3A_1582 = arith.constant 5 : i32
    %swap3A_1583 = arith.index_cast %swap3A_1582 : i32 to index
    %swap3A_1584 = arith.constant 80 : index
    %swap3A_1585 = tpu.vector_load %arg18[%swap3A_1583, %swap3A_1584] {strides = array<i32>} : memref<8x128xf32, #tpu.memory_space<vmem>>, vector<16xf32>,
    tpu.vector_store %arg18[%swap3A_1583, %swap3A_1584], %broadcast_in_dim3A_3 {strides = array<i32>} : memref<8x128xf32, #tpu.memory_space<vmem>>, vector<16xf32>,
    %swap3A_1586 = arith.constant 6 : i32
    %swap3A_1587 = arith.index_cast %swap3A_1586 : i32 to index
    %swap3A_1588 = arith.constant 80 : index
    %swap3A_1589 = tpu.vector_load %arg18[%swap3A_1587, %swap3A_1588] {strides = array<i32>} : memref<8x128xf32, #tpu.memory_space<vmem>>, vector<16xf32>,
    tpu.vector_store %arg18[%swap3A_1587, %swap3A_1588], %broadcast_in_dim3A_3 {strides = array<i32>} : memref<8x128xf32, #tpu.memory_space<vmem>>, vector<16xf32>,
    %swap3A_1590 = arith.constant 7 : i32
    %swap3A_1591 = arith.index_cast %swap3A_1590 : i32 to index
    %swap3A_1592 = arith.constant 80 : index
    %swap3A_1593 = tpu.vector_load %arg18[%swap3A_1591, %swap3A_1592] {strides = array<i32>} : memref<8x128xf32, #tpu.memory_space<vmem>>, vector<16xf32>,
    tpu.vector_store %arg18[%swap3A_1591, %swap3A_1592], %broadcast_in_dim3A_3 {strides = array<i32>} : memref<8x128xf32, #tpu.memory_space<vmem>>, vector<16xf32>,
    %swap3A_1594 = arith.constant 0 : i32
    %swap3A_1595 = arith.index_cast %swap3A_1594 : i32 to index
    %swap3A_1596 = arith.constant 80 : index
    %swap3A_1597 = tpu.vector_load %arg19[%swap3A_1595, %swap3A_1596] {strides = array<i32>} : memref<16x128xf32, #tpu.memory_space<vmem>>, vector<16xf32>,
    tpu.vector_store %arg19[%swap3A_1595, %swap3A_1596], %add3A_1434 {strides = array<i32>} : memref<16x128xf32, #tpu.memory_space<vmem>>, vector<16xf32>,
    %swap3A_1598 = arith.constant 1 : i32
    %swap3A_1599 = arith.index_cast %swap3A_1598 : i32 to index
    %swap3A_1600 = arith.constant 80 : index
    %swap3A_1601 = tpu.vector_load %arg19[%swap3A_1599, %swap3A_1600] {strides = array<i32>} : memref<16x128xf32, #tpu.memory_space<vmem>>, vector<16xf32>,
    tpu.vector_store %arg19[%swap3A_1599, %swap3A_1600], %add3A_1439 {strides = array<i32>} : memref<16x128xf32, #tpu.memory_space<vmem>>, vector<16xf32>,
    %swap3A_1602 = arith.constant 2 : i32
    %swap3A_1603 = arith.index_cast %swap3A_1602 : i32 to index
    %swap3A_1604 = arith.constant 80 : index
    %swap3A_1605 = tpu.vector_load %arg19[%swap3A_1603, %swap3A_1604] {strides = array<i32>} : memref<16x128xf32, #tpu.memory_space<vmem>>, vector<16xf32>,
    tpu.vector_store %arg19[%swap3A_1603, %swap3A_1604], %add3A_1444 {strides = array<i32>} : memref<16x128xf32, #tpu.memory_space<vmem>>, vector<16xf32>,
    %swap3A_1606 = arith.constant 3 : i32
    %swap3A_1607 = arith.index_cast %swap3A_1606 : i32 to index
    %swap3A_1608 = arith.constant 80 : index
    %swap3A_1609 = tpu.vector_load %arg19[%swap3A_1607, %swap3A_1608] {strides = array<i32>} : memref<16x128xf32, #tpu.memory_space<vmem>>, vector<16xf32>,
    tpu.vector_store %arg19[%swap3A_1607, %swap3A_1608], %div3A_1459 {strides = array<i32>} : memref<16x128xf32, #tpu.memory_space<vmem>>, vector<16xf32>,
    %swap3A_1610 = arith.constant 4 : i32
    %swap3A_1611 = arith.index_cast %swap3A_1610 : i32 to index
    %swap3A_1612 = arith.constant 80 : index
    %swap3A_1613 = tpu.vector_load %arg19[%swap3A_1611, %swap3A_1612] {strides = array<i32>} : memref<16x128xf32, #tpu.memory_space<vmem>>, vector<16xf32>,
    tpu.vector_store %arg19[%swap3A_1611, %swap3A_1612], %div3A_1464 {strides = array<i32>} : memref<16x128xf32, #tpu.memory_space<vmem>>, vector<16xf32>,
    %swap3A_1614 = arith.constant 5 : i32
    %swap3A_1615 = arith.index_cast %swap3A_1614 : i32 to index
    %swap3A_1616 = arith.constant 80 : index
    %swap3A_1617 = tpu.vector_load %arg19[%swap3A_1615, %swap3A_1616] {strides = array<i32>} : memref<16x128xf32, #tpu.memory_space<vmem>>, vector<16xf32>,
    tpu.vector_store %arg19[%swap3A_1615, %swap3A_1616], %div3A_1469 {strides = array<i32>} : memref<16x128xf32, #tpu.memory_space<vmem>>, vector<16xf32>,
    %swap3A_1618 = arith.constant 6 : i32
    %swap3A_1619 = arith.index_cast %swap3A_1618 : i32 to index
    %swap3A_1620 = arith.constant 80 : index
    %swap3A_1621 = tpu.vector_load %arg19[%swap3A_1619, %swap3A_1620] {strides = array<i32>} : memref<16x128xf32, #tpu.memory_space<vmem>>, vector<16xf32>,
    tpu.vector_store %arg19[%swap3A_1619, %swap3A_1620], %div3A_1474 {strides = array<i32>} : memref<16x128xf32, #tpu.memory_space<vmem>>, vector<16xf32>,
    %sub3A_1622 = arith.subf %add3A_1434, %add3A_1449 : vector<16xf32>
    %swap3A_1623 = arith.constant 7 : i32
    %swap3A_1624 = arith.index_cast %swap3A_1623 : i32 to index
    %swap3A_1625 = arith.constant 80 : index
    %swap3A_1626 = tpu.vector_load %arg19[%swap3A_1624, %swap3A_1625] {strides = array<i32>} : memref<16x128xf32, #tpu.memory_space<vmem>>, vector<16xf32>,
    tpu.vector_store %arg19[%swap3A_1624, %swap3A_1625], %sub3A_1622 {strides = array<i32>} : memref<16x128xf32, #tpu.memory_space<vmem>>, vector<16xf32>,
    %swap3A_1627 = arith.constant 8 : i32
    %swap3A_1628 = arith.index_cast %swap3A_1627 : i32 to index
    %swap3A_1629 = arith.constant 80 : index
    %swap3A_1630 = tpu.vector_load %arg19[%swap3A_1628, %swap3A_1629] {strides = array<i32>} : memref<16x128xf32, #tpu.memory_space<vmem>>, vector<16xf32>,
    tpu.vector_store %arg19[%swap3A_1628, %swap3A_1629], %select_n3A_1482 {strides = array<i32>} : memref<16x128xf32, #tpu.memory_space<vmem>>, vector<16xf32>,
    %swap3A_1631 = arith.constant 9 : i32
    %swap3A_1632 = arith.index_cast %swap3A_1631 : i32 to index
    %swap3A_1633 = arith.constant 80 : index
    %swap3A_1634 = tpu.vector_load %arg19[%swap3A_1632, %swap3A_1633] {strides = array<i32>} : memref<16x128xf32, #tpu.memory_space<vmem>>, vector<16xf32>,
    tpu.vector_store %arg19[%swap3A_1632, %swap3A_1633], %add3A_1454 {strides = array<i32>} : memref<16x128xf32, #tpu.memory_space<vmem>>, vector<16xf32>,
    %swap3A_1635 = arith.constant 10 : i32
    %swap3A_1636 = arith.index_cast %swap3A_1635 : i32 to index
    %swap3A_1637 = arith.constant 80 : index
    %swap3A_1638 = tpu.vector_load %arg19[%swap3A_1636, %swap3A_1637] {strides = array<i32>} : memref<16x128xf32, #tpu.memory_space<vmem>>, vector<16xf32>,
    tpu.vector_store %arg19[%swap3A_1636, %swap3A_1637], %add3A_1449 {strides = array<i32>} : memref<16x128xf32, #tpu.memory_space<vmem>>, vector<16xf32>,
    %swap3A_1639 = arith.constant 11 : i32
    %swap3A_1640 = arith.index_cast %swap3A_1639 : i32 to index
    %swap3A_1641 = arith.constant 80 : index
    %swap3A_1642 = tpu.vector_load %arg19[%swap3A_1640, %swap3A_1641] {strides = array<i32>} : memref<16x128xf32, #tpu.memory_space<vmem>>, vector<16xf32>,
    tpu.vector_store %arg19[%swap3A_1640, %swap3A_1641], %broadcast_in_dim3A_3 {strides = array<i32>} : memref<16x128xf32, #tpu.memory_space<vmem>>, vector<16xf32>,
    %swap3A_1643 = arith.constant 12 : i32
    %swap3A_1644 = arith.index_cast %swap3A_1643 : i32 to index
    %swap3A_1645 = arith.constant 80 : index
    %swap3A_1646 = tpu.vector_load %arg19[%swap3A_1644, %swap3A_1645] {strides = array<i32>} : memref<16x128xf32, #tpu.memory_space<vmem>>, vector<16xf32>,
    tpu.vector_store %arg19[%swap3A_1644, %swap3A_1645], %broadcast_in_dim3A_3 {strides = array<i32>} : memref<16x128xf32, #tpu.memory_space<vmem>>, vector<16xf32>,
    %swap3A_1647 = arith.constant 13 : i32
    %swap3A_1648 = arith.index_cast %swap3A_1647 : i32 to index
    %swap3A_1649 = arith.constant 80 : index
    %swap3A_1650 = tpu.vector_load %arg19[%swap3A_1648, %swap3A_1649] {strides = array<i32>} : memref<16x128xf32, #tpu.memory_space<vmem>>, vector<16xf32>,
    tpu.vector_store %arg19[%swap3A_1648, %swap3A_1649], %broadcast_in_dim3A_3 {strides = array<i32>} : memref<16x128xf32, #tpu.memory_space<vmem>>, vector<16xf32>,
    %swap3A_1651 = arith.constant 14 : i32
    %swap3A_1652 = arith.index_cast %swap3A_1651 : i32 to index
    %swap3A_1653 = arith.constant 80 : index
    %swap3A_1654 = tpu.vector_load %arg19[%swap3A_1652, %swap3A_1653] {strides = array<i32>} : memref<16x128xf32, #tpu.memory_space<vmem>>, vector<16xf32>,
    tpu.vector_store %arg19[%swap3A_1652, %swap3A_1653], %broadcast_in_dim3A_3 {strides = array<i32>} : memref<16x128xf32, #tpu.memory_space<vmem>>, vector<16xf32>,
    %swap3A_1655 = arith.constant 15 : i32
    %swap3A_1656 = arith.index_cast %swap3A_1655 : i32 to index
    %swap3A_1657 = arith.constant 80 : index
    %swap3A_1658 = tpu.vector_load %arg19[%swap3A_1656, %swap3A_1657] {strides = array<i32>} : memref<16x128xf32, #tpu.memory_space<vmem>>, vector<16xf32>,
    tpu.vector_store %arg19[%swap3A_1656, %swap3A_1657], %broadcast_in_dim3A_3 {strides = array<i32>} : memref<16x128xf32, #tpu.memory_space<vmem>>, vector<16xf32>,
    %get3A_1659 = arith.constant 96 : index
    %get3A_1660 = tpu.vector_load %arg13[%get3A_1659] {strides = array<i32>} : memref<128xi32, #tpu.memory_space<vmem>>, vector<16xi32>,
    %get3A_1661 = arith.constant 96 : index
    %get3A_1662 = tpu.vector_load %arg14[%get3A_1661] {strides = array<i32>} : memref<128xi32, #tpu.memory_space<vmem>>, vector<16xi32>,
    %get3A_1663 = arith.constant 96 : index
    %get3A_1664 = tpu.vector_load %arg15[%get3A_1663] {strides = array<i32>} : memref<128xi32, #tpu.memory_space<vmem>>, vector<16xi32>,
    %gather3A_1665 = tpu.vector_load_idx %arg10[%get3A_1660] : memref<8192xf32, #tpu.memory_space<vmem>>[vector<16xi32>], vector<16xf32>,
    %gather3A_1666 = tpu.vector_load_idx %arg11[%get3A_1660] : memref<8192xf32, #tpu.memory_space<vmem>>[vector<16xi32>], vector<16xf32>,
    %gather3A_1667 = tpu.vector_load_idx %arg12[%get3A_1660] : memref<8192xf32, #tpu.memory_space<vmem>>[vector<16xi32>], vector<16xf32>,
    %gather3A_1668 = tpu.vector_load_idx %arg10[%get3A_1662] : memref<8192xf32, #tpu.memory_space<vmem>>[vector<16xi32>], vector<16xf32>,
    %gather3A_1669 = tpu.vector_load_idx %arg11[%get3A_1662] : memref<8192xf32, #tpu.memory_space<vmem>>[vector<16xi32>], vector<16xf32>,
    %gather3A_1670 = tpu.vector_load_idx %arg12[%get3A_1662] : memref<8192xf32, #tpu.memory_space<vmem>>[vector<16xi32>], vector<16xf32>,
    %gather3A_1671 = tpu.vector_load_idx %arg10[%get3A_1664] : memref<8192xf32, #tpu.memory_space<vmem>>[vector<16xi32>], vector<16xf32>,
    %gather3A_1672 = tpu.vector_load_idx %arg11[%get3A_1664] : memref<8192xf32, #tpu.memory_space<vmem>>[vector<16xi32>], vector<16xf32>,
    %gather3A_1673 = tpu.vector_load_idx %arg12[%get3A_1664] : memref<8192xf32, #tpu.memory_space<vmem>>[vector<16xi32>], vector<16xf32>,
    %sub3A_1674 = arith.subf %gather3A_1668, %gather3A_1665 : vector<16xf32>
    %sub3A_1675 = arith.subf %gather3A_1669, %gather3A_1666 : vector<16xf32>
    %sub3A_1676 = arith.subf %gather3A_1670, %gather3A_1667 : vector<16xf32>
    %sub3A_1677 = arith.subf %gather3A_1671, %gather3A_1665 : vector<16xf32>
    %sub3A_1678 = arith.subf %gather3A_1672, %gather3A_1666 : vector<16xf32>
    %sub3A_1679 = arith.subf %gather3A_1673, %gather3A_1667 : vector<16xf32>
    %sub3A_1680 = arith.subf %gather3A_1671, %gather3A_1668 : vector<16xf32>
    %sub3A_1681 = arith.subf %gather3A_1672, %gather3A_1669 : vector<16xf32>
    %sub3A_1682 = arith.subf %gather3A_1673, %gather3A_1670 : vector<16xf32>
    %mul3A_1683 = arith.mulf %sub3A_1675, %sub3A_1679 : vector<16xf32>
    %mul3A_1684 = arith.mulf %sub3A_1676, %sub3A_1678 : vector<16xf32>
    %sub3A_1685 = arith.subf %mul3A_1683, %mul3A_1684 : vector<16xf32>
    %mul3A_1686 = arith.mulf %sub3A_1676, %sub3A_1677 : vector<16xf32>
    %mul3A_1687 = arith.mulf %sub3A_1674, %sub3A_1679 : vector<16xf32>
    %sub3A_1688 = arith.subf %mul3A_1686, %mul3A_1687 : vector<16xf32>
    %mul3A_1689 = arith.mulf %sub3A_1674, %sub3A_1678 : vector<16xf32>
    %mul3A_1690 = arith.mulf %sub3A_1675, %sub3A_1677 : vector<16xf32>
    %sub3A_1691 = arith.subf %mul3A_1689, %mul3A_1690 : vector<16xf32>
    %mul3A_1692 = arith.mulf %sub3A_1674, %gather3A_1665 : vector<16xf32>
    %mul3A_1693 = arith.mulf %sub3A_1675, %gather3A_1666 : vector<16xf32>
    %add3A_1694 = arith.addf %mul3A_1692, %mul3A_1693 : vector<16xf32>
    %mul3A_1695 = arith.mulf %sub3A_1676, %gather3A_1667 : vector<16xf32>
    %add3A_1696 = arith.addf %add3A_1694, %mul3A_1695 : vector<16xf32>
    %mul3A_1697 = arith.mulf %sub3A_1677, %gather3A_1665 : vector<16xf32>
    %mul3A_1698 = arith.mulf %sub3A_1678, %gather3A_1666 : vector<16xf32>
    %add3A_1699 = arith.addf %mul3A_1697, %mul3A_1698 : vector<16xf32>
    %mul3A_1700 = arith.mulf %sub3A_1679, %gather3A_1667 : vector<16xf32>
    %add3A_1701 = arith.addf %add3A_1699, %mul3A_1700 : vector<16xf32>
    %mul3A_1702 = arith.mulf %gather3A_1665, %gather3A_1665 : vector<16xf32>
    %mul3A_1703 = arith.mulf %gather3A_1666, %gather3A_1666 : vector<16xf32>
    %add3A_1704 = arith.addf %mul3A_1702, %mul3A_1703 : vector<16xf32>
    %mul3A_1705 = arith.mulf %gather3A_1667, %gather3A_1667 : vector<16xf32>
    %add3A_1706 = arith.addf %add3A_1704, %mul3A_1705 : vector<16xf32>
    %mul3A_1707 = arith.mulf %sub3A_1674, %sub3A_1674 : vector<16xf32>
    %mul3A_1708 = arith.mulf %sub3A_1675, %sub3A_1675 : vector<16xf32>
    %add3A_1709 = arith.addf %mul3A_1707, %mul3A_1708 : vector<16xf32>
    %mul3A_1710 = arith.mulf %sub3A_1676, %sub3A_1676 : vector<16xf32>
    %add3A_1711 = arith.addf %add3A_1709, %mul3A_1710 : vector<16xf32>
    %mul3A_1712 = arith.mulf %sub3A_1677, %sub3A_1677 : vector<16xf32>
    %mul3A_1713 = arith.mulf %sub3A_1678, %sub3A_1678 : vector<16xf32>
    %add3A_1714 = arith.addf %mul3A_1712, %mul3A_1713 : vector<16xf32>
    %mul3A_1715 = arith.mulf %sub3A_1679, %sub3A_1679 : vector<16xf32>
    %add3A_1716 = arith.addf %add3A_1714, %mul3A_1715 : vector<16xf32>
    %mul3A_1717 = arith.mulf %sub3A_1680, %sub3A_1680 : vector<16xf32>
    %mul3A_1718 = arith.mulf %sub3A_1681, %sub3A_1681 : vector<16xf32>
    %add3A_1719 = arith.addf %mul3A_1717, %mul3A_1718 : vector<16xf32>
    %mul3A_1720 = arith.mulf %sub3A_1682, %sub3A_1682 : vector<16xf32>
    %add3A_1721 = arith.addf %add3A_1719, %mul3A_1720 : vector<16xf32>
    %mul3A_1722 = arith.mulf %sub3A_1674, %sub3A_1677 : vector<16xf32>
    %mul3A_1723 = arith.mulf %sub3A_1675, %sub3A_1678 : vector<16xf32>
    %add3A_1724 = arith.addf %mul3A_1722, %mul3A_1723 : vector<16xf32>
    %mul3A_1725 = arith.mulf %sub3A_1676, %sub3A_1679 : vector<16xf32>
    %add3A_1726 = arith.addf %add3A_1724, %mul3A_1725 : vector<16xf32>
    %mul3A_1727 = arith.mulf %sub3A_1685, %sub3A_1685 : vector<16xf32>
    %mul3A_1728 = arith.mulf %sub3A_1688, %sub3A_1688 : vector<16xf32>
    %add3A_1729 = arith.addf %mul3A_1727, %mul3A_1728 : vector<16xf32>
    %mul3A_1730 = arith.mulf %sub3A_1691, %sub3A_1691 : vector<16xf32>
    %add3A_1731 = arith.addf %add3A_1729, %mul3A_1730 : vector<16xf32>
    %eq3A_1732 = arith.constant 0.000000e+00 : f32
    %eq3A_1733 = vector.broadcast %eq3A_1732 : f32 to vector<16xf32>
    %eq3A_1734 = arith.cmpf oeq, %add3A_1711, %eq3A_1733 : vector<16xf32>
    %select_n3A_1735 = arith.select %eq3A_1734, %broadcast_in_dim3A_5, %add3A_1711 : vector<16xi1>, vector<16xf32>
    %div3A_1736 = arith.divf %broadcast_in_dim3A_5, %select_n3A_1735 : vector<16xf32>
    %eq3A_1737 = arith.constant 0.000000e+00 : f32
    %eq3A_1738 = vector.broadcast %eq3A_1737 : f32 to vector<16xf32>
    %eq3A_1739 = arith.cmpf oeq, %add3A_1716, %eq3A_1738 : vector<16xf32>
    %select_n3A_1740 = arith.select %eq3A_1739, %broadcast_in_dim3A_5, %add3A_1716 : vector<16xi1>, vector<16xf32>
    %div3A_1741 = arith.divf %broadcast_in_dim3A_5, %select_n3A_1740 : vector<16xf32>
    %eq3A_1742 = arith.constant 0.000000e+00 : f32
    %eq3A_1743 = vector.broadcast %eq3A_1742 : f32 to vector<16xf32>
    %eq3A_1744 = arith.cmpf oeq, %add3A_1721, %eq3A_1743 : vector<16xf32>
    %select_n3A_1745 = arith.select %eq3A_1744, %broadcast_in_dim3A_5, %add3A_1721 : vector<16xi1>, vector<16xf32>
    %div3A_1746 = arith.divf %broadcast_in_dim3A_5, %select_n3A_1745 : vector<16xf32>
    %eq3A_1747 = arith.constant 0.000000e+00 : f32
    %eq3A_1748 = vector.broadcast %eq3A_1747 : f32 to vector<16xf32>
    %eq3A_1749 = arith.cmpf oeq, %add3A_1731, %eq3A_1748 : vector<16xf32>
    %select_n3A_1750 = arith.select %eq3A_1749, %broadcast_in_dim3A_5, %add3A_1731 : vector<16xi1>, vector<16xf32>
    %div3A_1751 = arith.divf %broadcast_in_dim3A_5, %select_n3A_1750 : vector<16xf32>
    %mul3A_1752 = arith.mulf %add3A_1711, %add3A_1716 : vector<16xf32>
    %mul3A_1753 = arith.constant 9.99999997E-7 : f32
    %mul3A_1754 = vector.broadcast %mul3A_1753 : f32 to vector<16xf32>
    %mul3A_1755 = arith.mulf %mul3A_1754, %mul3A_1752 : vector<16xf32>
    %gt3A_1756 = arith.cmpf ogt, %add3A_1731, %mul3A_1755 : vector<16xf32>
    %broadcast_in_dim3A_1757 = arith.constant 1.000000e+30 : f32
    %broadcast_in_dim3A_1758 = vector.broadcast %broadcast_in_dim3A_1757 : f32 to vector<16xf32>
    %select_n3A_1759 = arith.select %gt3A_1756, %broadcast_in_dim3A_3, %broadcast_in_dim3A_1758 : vector<16xi1>, vector<16xf32>
    %swap3A_1760 = arith.constant 0 : i32
    %swap3A_1761 = arith.index_cast %swap3A_1760 : i32 to index
    %swap3A_1762 = arith.constant 96 : index
    %swap3A_1763 = tpu.vector_load %arg16[%swap3A_1761, %swap3A_1762] {strides = array<i32>} : memref<8x128xf32, #tpu.memory_space<vmem>>, vector<16xf32>,
    tpu.vector_store %arg16[%swap3A_1761, %swap3A_1762], %sub3A_1674 {strides = array<i32>} : memref<8x128xf32, #tpu.memory_space<vmem>>, vector<16xf32>,
    %swap3A_1764 = arith.constant 1 : i32
    %swap3A_1765 = arith.index_cast %swap3A_1764 : i32 to index
    %swap3A_1766 = arith.constant 96 : index
    %swap3A_1767 = tpu.vector_load %arg16[%swap3A_1765, %swap3A_1766] {strides = array<i32>} : memref<8x128xf32, #tpu.memory_space<vmem>>, vector<16xf32>,
    tpu.vector_store %arg16[%swap3A_1765, %swap3A_1766], %sub3A_1675 {strides = array<i32>} : memref<8x128xf32, #tpu.memory_space<vmem>>, vector<16xf32>,
    %swap3A_1768 = arith.constant 2 : i32
    %swap3A_1769 = arith.index_cast %swap3A_1768 : i32 to index
    %swap3A_1770 = arith.constant 96 : index
    %swap3A_1771 = tpu.vector_load %arg16[%swap3A_1769, %swap3A_1770] {strides = array<i32>} : memref<8x128xf32, #tpu.memory_space<vmem>>, vector<16xf32>,
    tpu.vector_store %arg16[%swap3A_1769, %swap3A_1770], %sub3A_1676 {strides = array<i32>} : memref<8x128xf32, #tpu.memory_space<vmem>>, vector<16xf32>,
    %swap3A_1772 = arith.constant 3 : i32
    %swap3A_1773 = arith.index_cast %swap3A_1772 : i32 to index
    %swap3A_1774 = arith.constant 96 : index
    %swap3A_1775 = tpu.vector_load %arg16[%swap3A_1773, %swap3A_1774] {strides = array<i32>} : memref<8x128xf32, #tpu.memory_space<vmem>>, vector<16xf32>,
    tpu.vector_store %arg16[%swap3A_1773, %swap3A_1774], %broadcast_in_dim3A_3 {strides = array<i32>} : memref<8x128xf32, #tpu.memory_space<vmem>>, vector<16xf32>,
    %neg3A_1776 = arith.constant 0.000000e+00 : f32
    %neg3A_1777 = vector.broadcast %neg3A_1776 : f32 to vector<16xf32>
    %neg3A_1778 = arith.subf %neg3A_1777, %add3A_1696 : vector<16xf32>
    %swap3A_1779 = arith.constant 4 : i32
    %swap3A_1780 = arith.index_cast %swap3A_1779 : i32 to index
    %swap3A_1781 = arith.constant 96 : index
    %swap3A_1782 = tpu.vector_load %arg16[%swap3A_1780, %swap3A_1781] {strides = array<i32>} : memref<8x128xf32, #tpu.memory_space<vmem>>, vector<16xf32>,
    tpu.vector_store %arg16[%swap3A_1780, %swap3A_1781], %neg3A_1778 {strides = array<i32>} : memref<8x128xf32, #tpu.memory_space<vmem>>, vector<16xf32>,
    %swap3A_1783 = arith.constant 0 : i32
    %swap3A_1784 = arith.index_cast %swap3A_1783 : i32 to index
    %swap3A_1785 = arith.constant 96 : index
    %swap3A_1786 = tpu.vector_load %arg17[%swap3A_1784, %swap3A_1785] {strides = array<i32>} : memref<8x128xf32, #tpu.memory_space<vmem>>, vector<16xf32>,
    tpu.vector_store %arg17[%swap3A_1784, %swap3A_1785], %sub3A_1677 {strides = array<i32>} : memref<8x128xf32, #tpu.memory_space<vmem>>, vector<16xf32>,
    %swap3A_1787 = arith.constant 1 : i32
    %swap3A_1788 = arith.index_cast %swap3A_1787 : i32 to index
    %swap3A_1789 = arith.constant 96 : index
    %swap3A_1790 = tpu.vector_load %arg17[%swap3A_1788, %swap3A_1789] {strides = array<i32>} : memref<8x128xf32, #tpu.memory_space<vmem>>, vector<16xf32>,
    tpu.vector_store %arg17[%swap3A_1788, %swap3A_1789], %sub3A_1678 {strides = array<i32>} : memref<8x128xf32, #tpu.memory_space<vmem>>, vector<16xf32>,
    %swap3A_1791 = arith.constant 2 : i32
    %swap3A_1792 = arith.index_cast %swap3A_1791 : i32 to index
    %swap3A_1793 = arith.constant 96 : index
    %swap3A_1794 = tpu.vector_load %arg17[%swap3A_1792, %swap3A_1793] {strides = array<i32>} : memref<8x128xf32, #tpu.memory_space<vmem>>, vector<16xf32>,
    tpu.vector_store %arg17[%swap3A_1792, %swap3A_1793], %sub3A_1679 {strides = array<i32>} : memref<8x128xf32, #tpu.memory_space<vmem>>, vector<16xf32>,
    %swap3A_1795 = arith.constant 3 : i32
    %swap3A_1796 = arith.index_cast %swap3A_1795 : i32 to index
    %swap3A_1797 = arith.constant 96 : index
    %swap3A_1798 = tpu.vector_load %arg17[%swap3A_1796, %swap3A_1797] {strides = array<i32>} : memref<8x128xf32, #tpu.memory_space<vmem>>, vector<16xf32>,
    tpu.vector_store %arg17[%swap3A_1796, %swap3A_1797], %broadcast_in_dim3A_3 {strides = array<i32>} : memref<8x128xf32, #tpu.memory_space<vmem>>, vector<16xf32>,
    %neg3A_1799 = arith.constant 0.000000e+00 : f32
    %neg3A_1800 = vector.broadcast %neg3A_1799 : f32 to vector<16xf32>
    %neg3A_1801 = arith.subf %neg3A_1800, %add3A_1701 : vector<16xf32>
    %swap3A_1802 = arith.constant 4 : i32
    %swap3A_1803 = arith.index_cast %swap3A_1802 : i32 to index
    %swap3A_1804 = arith.constant 96 : index
    %swap3A_1805 = tpu.vector_load %arg17[%swap3A_1803, %swap3A_1804] {strides = array<i32>} : memref<8x128xf32, #tpu.memory_space<vmem>>, vector<16xf32>,
    tpu.vector_store %arg17[%swap3A_1803, %swap3A_1804], %neg3A_1801 {strides = array<i32>} : memref<8x128xf32, #tpu.memory_space<vmem>>, vector<16xf32>,
    %mul3A_1806 = arith.constant -2.000000e+00 : f32
    %mul3A_1807 = vector.broadcast %mul3A_1806 : f32 to vector<16xf32>
    %mul3A_1808 = arith.mulf %mul3A_1807, %gather3A_1665 : vector<16xf32>
    %swap3A_1809 = arith.constant 0 : i32
    %swap3A_1810 = arith.index_cast %swap3A_1809 : i32 to index
    %swap3A_1811 = arith.constant 96 : index
    %swap3A_1812 = tpu.vector_load %arg18[%swap3A_1810, %swap3A_1811] {strides = array<i32>} : memref<8x128xf32, #tpu.memory_space<vmem>>, vector<16xf32>,
    tpu.vector_store %arg18[%swap3A_1810, %swap3A_1811], %mul3A_1808 {strides = array<i32>} : memref<8x128xf32, #tpu.memory_space<vmem>>, vector<16xf32>,
    %mul3A_1813 = arith.constant -2.000000e+00 : f32
    %mul3A_1814 = vector.broadcast %mul3A_1813 : f32 to vector<16xf32>
    %mul3A_1815 = arith.mulf %mul3A_1814, %gather3A_1666 : vector<16xf32>
    %swap3A_1816 = arith.constant 1 : i32
    %swap3A_1817 = arith.index_cast %swap3A_1816 : i32 to index
    %swap3A_1818 = arith.constant 96 : index
    %swap3A_1819 = tpu.vector_load %arg18[%swap3A_1817, %swap3A_1818] {strides = array<i32>} : memref<8x128xf32, #tpu.memory_space<vmem>>, vector<16xf32>,
    tpu.vector_store %arg18[%swap3A_1817, %swap3A_1818], %mul3A_1815 {strides = array<i32>} : memref<8x128xf32, #tpu.memory_space<vmem>>, vector<16xf32>,
    %mul3A_1820 = arith.constant -2.000000e+00 : f32
    %mul3A_1821 = vector.broadcast %mul3A_1820 : f32 to vector<16xf32>
    %mul3A_1822 = arith.mulf %mul3A_1821, %gather3A_1667 : vector<16xf32>
    %swap3A_1823 = arith.constant 2 : i32
    %swap3A_1824 = arith.index_cast %swap3A_1823 : i32 to index
    %swap3A_1825 = arith.constant 96 : index
    %swap3A_1826 = tpu.vector_load %arg18[%swap3A_1824, %swap3A_1825] {strides = array<i32>} : memref<8x128xf32, #tpu.memory_space<vmem>>, vector<16xf32>,
    tpu.vector_store %arg18[%swap3A_1824, %swap3A_1825], %mul3A_1822 {strides = array<i32>} : memref<8x128xf32, #tpu.memory_space<vmem>>, vector<16xf32>,
    %swap3A_1827 = arith.constant 3 : i32
    %swap3A_1828 = arith.index_cast %swap3A_1827 : i32 to index
    %swap3A_1829 = arith.constant 96 : index
    %swap3A_1830 = tpu.vector_load %arg18[%swap3A_1828, %swap3A_1829] {strides = array<i32>} : memref<8x128xf32, #tpu.memory_space<vmem>>, vector<16xf32>,
    tpu.vector_store %arg18[%swap3A_1828, %swap3A_1829], %broadcast_in_dim3A_5 {strides = array<i32>} : memref<8x128xf32, #tpu.memory_space<vmem>>, vector<16xf32>,
    %swap3A_1831 = arith.constant 4 : i32
    %swap3A_1832 = arith.index_cast %swap3A_1831 : i32 to index
    %swap3A_1833 = arith.constant 96 : index
    %swap3A_1834 = tpu.vector_load %arg18[%swap3A_1832, %swap3A_1833] {strides = array<i32>} : memref<8x128xf32, #tpu.memory_space<vmem>>, vector<16xf32>,
    tpu.vector_store %arg18[%swap3A_1832, %swap3A_1833], %add3A_1706 {strides = array<i32>} : memref<8x128xf32, #tpu.memory_space<vmem>>, vector<16xf32>,
    %swap3A_1835 = arith.constant 5 : i32
    %swap3A_1836 = arith.index_cast %swap3A_1835 : i32 to index
    %swap3A_1837 = arith.constant 96 : index
    %swap3A_1838 = tpu.vector_load %arg16[%swap3A_1836, %swap3A_1837] {strides = array<i32>} : memref<8x128xf32, #tpu.memory_space<vmem>>, vector<16xf32>,
    tpu.vector_store %arg16[%swap3A_1836, %swap3A_1837], %broadcast_in_dim3A_3 {strides = array<i32>} : memref<8x128xf32, #tpu.memory_space<vmem>>, vector<16xf32>,
    %swap3A_1839 = arith.constant 6 : i32
    %swap3A_1840 = arith.index_cast %swap3A_1839 : i32 to index
    %swap3A_1841 = arith.constant 96 : index
    %swap3A_1842 = tpu.vector_load %arg16[%swap3A_1840, %swap3A_1841] {strides = array<i32>} : memref<8x128xf32, #tpu.memory_space<vmem>>, vector<16xf32>,
    tpu.vector_store %arg16[%swap3A_1840, %swap3A_1841], %broadcast_in_dim3A_3 {strides = array<i32>} : memref<8x128xf32, #tpu.memory_space<vmem>>, vector<16xf32>,
    %swap3A_1843 = arith.constant 7 : i32
    %swap3A_1844 = arith.index_cast %swap3A_1843 : i32 to index
    %swap3A_1845 = arith.constant 96 : index
    %swap3A_1846 = tpu.vector_load %arg16[%swap3A_1844, %swap3A_1845] {strides = array<i32>} : memref<8x128xf32, #tpu.memory_space<vmem>>, vector<16xf32>,
    tpu.vector_store %arg16[%swap3A_1844, %swap3A_1845], %broadcast_in_dim3A_3 {strides = array<i32>} : memref<8x128xf32, #tpu.memory_space<vmem>>, vector<16xf32>,
    %swap3A_1847 = arith.constant 5 : i32
    %swap3A_1848 = arith.index_cast %swap3A_1847 : i32 to index
    %swap3A_1849 = arith.constant 96 : index
    %swap3A_1850 = tpu.vector_load %arg17[%swap3A_1848, %swap3A_1849] {strides = array<i32>} : memref<8x128xf32, #tpu.memory_space<vmem>>, vector<16xf32>,
    tpu.vector_store %arg17[%swap3A_1848, %swap3A_1849], %broadcast_in_dim3A_3 {strides = array<i32>} : memref<8x128xf32, #tpu.memory_space<vmem>>, vector<16xf32>,
    %swap3A_1851 = arith.constant 6 : i32
    %swap3A_1852 = arith.index_cast %swap3A_1851 : i32 to index
    %swap3A_1853 = arith.constant 96 : index
    %swap3A_1854 = tpu.vector_load %arg17[%swap3A_1852, %swap3A_1853] {strides = array<i32>} : memref<8x128xf32, #tpu.memory_space<vmem>>, vector<16xf32>,
    tpu.vector_store %arg17[%swap3A_1852, %swap3A_1853], %broadcast_in_dim3A_3 {strides = array<i32>} : memref<8x128xf32, #tpu.memory_space<vmem>>, vector<16xf32>,
    %swap3A_1855 = arith.constant 7 : i32
    %swap3A_1856 = arith.index_cast %swap3A_1855 : i32 to index
    %swap3A_1857 = arith.constant 96 : index
    %swap3A_1858 = tpu.vector_load %arg17[%swap3A_1856, %swap3A_1857] {strides = array<i32>} : memref<8x128xf32, #tpu.memory_space<vmem>>, vector<16xf32>,
    tpu.vector_store %arg17[%swap3A_1856, %swap3A_1857], %broadcast_in_dim3A_3 {strides = array<i32>} : memref<8x128xf32, #tpu.memory_space<vmem>>, vector<16xf32>,
    %swap3A_1859 = arith.constant 5 : i32
    %swap3A_1860 = arith.index_cast %swap3A_1859 : i32 to index
    %swap3A_1861 = arith.constant 96 : index
    %swap3A_1862 = tpu.vector_load %arg18[%swap3A_1860, %swap3A_1861] {strides = array<i32>} : memref<8x128xf32, #tpu.memory_space<vmem>>, vector<16xf32>,
    tpu.vector_store %arg18[%swap3A_1860, %swap3A_1861], %broadcast_in_dim3A_3 {strides = array<i32>} : memref<8x128xf32, #tpu.memory_space<vmem>>, vector<16xf32>,
    %swap3A_1863 = arith.constant 6 : i32
    %swap3A_1864 = arith.index_cast %swap3A_1863 : i32 to index
    %swap3A_1865 = arith.constant 96 : index
    %swap3A_1866 = tpu.vector_load %arg18[%swap3A_1864, %swap3A_1865] {strides = array<i32>} : memref<8x128xf32, #tpu.memory_space<vmem>>, vector<16xf32>,
    tpu.vector_store %arg18[%swap3A_1864, %swap3A_1865], %broadcast_in_dim3A_3 {strides = array<i32>} : memref<8x128xf32, #tpu.memory_space<vmem>>, vector<16xf32>,
    %swap3A_1867 = arith.constant 7 : i32
    %swap3A_1868 = arith.index_cast %swap3A_1867 : i32 to index
    %swap3A_1869 = arith.constant 96 : index
    %swap3A_1870 = tpu.vector_load %arg18[%swap3A_1868, %swap3A_1869] {strides = array<i32>} : memref<8x128xf32, #tpu.memory_space<vmem>>, vector<16xf32>,
    tpu.vector_store %arg18[%swap3A_1868, %swap3A_1869], %broadcast_in_dim3A_3 {strides = array<i32>} : memref<8x128xf32, #tpu.memory_space<vmem>>, vector<16xf32>,
    %swap3A_1871 = arith.constant 0 : i32
    %swap3A_1872 = arith.index_cast %swap3A_1871 : i32 to index
    %swap3A_1873 = arith.constant 96 : index
    %swap3A_1874 = tpu.vector_load %arg19[%swap3A_1872, %swap3A_1873] {strides = array<i32>} : memref<16x128xf32, #tpu.memory_space<vmem>>, vector<16xf32>,
    tpu.vector_store %arg19[%swap3A_1872, %swap3A_1873], %add3A_1711 {strides = array<i32>} : memref<16x128xf32, #tpu.memory_space<vmem>>, vector<16xf32>,
    %swap3A_1875 = arith.constant 1 : i32
    %swap3A_1876 = arith.index_cast %swap3A_1875 : i32 to index
    %swap3A_1877 = arith.constant 96 : index
    %swap3A_1878 = tpu.vector_load %arg19[%swap3A_1876, %swap3A_1877] {strides = array<i32>} : memref<16x128xf32, #tpu.memory_space<vmem>>, vector<16xf32>,
    tpu.vector_store %arg19[%swap3A_1876, %swap3A_1877], %add3A_1716 {strides = array<i32>} : memref<16x128xf32, #tpu.memory_space<vmem>>, vector<16xf32>,
    %swap3A_1879 = arith.constant 2 : i32
    %swap3A_1880 = arith.index_cast %swap3A_1879 : i32 to index
    %swap3A_1881 = arith.constant 96 : index
    %swap3A_1882 = tpu.vector_load %arg19[%swap3A_1880, %swap3A_1881] {strides = array<i32>} : memref<16x128xf32, #tpu.memory_space<vmem>>, vector<16xf32>,
    tpu.vector_store %arg19[%swap3A_1880, %swap3A_1881], %add3A_1721 {strides = array<i32>} : memref<16x128xf32, #tpu.memory_space<vmem>>, vector<16xf32>,
    %swap3A_1883 = arith.constant 3 : i32
    %swap3A_1884 = arith.index_cast %swap3A_1883 : i32 to index
    %swap3A_1885 = arith.constant 96 : index
    %swap3A_1886 = tpu.vector_load %arg19[%swap3A_1884, %swap3A_1885] {strides = array<i32>} : memref<16x128xf32, #tpu.memory_space<vmem>>, vector<16xf32>,
    tpu.vector_store %arg19[%swap3A_1884, %swap3A_1885], %div3A_1736 {strides = array<i32>} : memref<16x128xf32, #tpu.memory_space<vmem>>, vector<16xf32>,
    %swap3A_1887 = arith.constant 4 : i32
    %swap3A_1888 = arith.index_cast %swap3A_1887 : i32 to index
    %swap3A_1889 = arith.constant 96 : index
    %swap3A_1890 = tpu.vector_load %arg19[%swap3A_1888, %swap3A_1889] {strides = array<i32>} : memref<16x128xf32, #tpu.memory_space<vmem>>, vector<16xf32>,
    tpu.vector_store %arg19[%swap3A_1888, %swap3A_1889], %div3A_1741 {strides = array<i32>} : memref<16x128xf32, #tpu.memory_space<vmem>>, vector<16xf32>,
    %swap3A_1891 = arith.constant 5 : i32
    %swap3A_1892 = arith.index_cast %swap3A_1891 : i32 to index
    %swap3A_1893 = arith.constant 96 : index
    %swap3A_1894 = tpu.vector_load %arg19[%swap3A_1892, %swap3A_1893] {strides = array<i32>} : memref<16x128xf32, #tpu.memory_space<vmem>>, vector<16xf32>,
    tpu.vector_store %arg19[%swap3A_1892, %swap3A_1893], %div3A_1746 {strides = array<i32>} : memref<16x128xf32, #tpu.memory_space<vmem>>, vector<16xf32>,
    %swap3A_1895 = arith.constant 6 : i32
    %swap3A_1896 = arith.index_cast %swap3A_1895 : i32 to index
    %swap3A_1897 = arith.constant 96 : index
    %swap3A_1898 = tpu.vector_load %arg19[%swap3A_1896, %swap3A_1897] {strides = array<i32>} : memref<16x128xf32, #tpu.memory_space<vmem>>, vector<16xf32>,
    tpu.vector_store %arg19[%swap3A_1896, %swap3A_1897], %div3A_1751 {strides = array<i32>} : memref<16x128xf32, #tpu.memory_space<vmem>>, vector<16xf32>,
    %sub3A_1899 = arith.subf %add3A_1711, %add3A_1726 : vector<16xf32>
    %swap3A_1900 = arith.constant 7 : i32
    %swap3A_1901 = arith.index_cast %swap3A_1900 : i32 to index
    %swap3A_1902 = arith.constant 96 : index
    %swap3A_1903 = tpu.vector_load %arg19[%swap3A_1901, %swap3A_1902] {strides = array<i32>} : memref<16x128xf32, #tpu.memory_space<vmem>>, vector<16xf32>,
    tpu.vector_store %arg19[%swap3A_1901, %swap3A_1902], %sub3A_1899 {strides = array<i32>} : memref<16x128xf32, #tpu.memory_space<vmem>>, vector<16xf32>,
    %swap3A_1904 = arith.constant 8 : i32
    %swap3A_1905 = arith.index_cast %swap3A_1904 : i32 to index
    %swap3A_1906 = arith.constant 96 : index
    %swap3A_1907 = tpu.vector_load %arg19[%swap3A_1905, %swap3A_1906] {strides = array<i32>} : memref<16x128xf32, #tpu.memory_space<vmem>>, vector<16xf32>,
    tpu.vector_store %arg19[%swap3A_1905, %swap3A_1906], %select_n3A_1759 {strides = array<i32>} : memref<16x128xf32, #tpu.memory_space<vmem>>, vector<16xf32>,
    %swap3A_1908 = arith.constant 9 : i32
    %swap3A_1909 = arith.index_cast %swap3A_1908 : i32 to index
    %swap3A_1910 = arith.constant 96 : index
    %swap3A_1911 = tpu.vector_load %arg19[%swap3A_1909, %swap3A_1910] {strides = array<i32>} : memref<16x128xf32, #tpu.memory_space<vmem>>, vector<16xf32>,
    tpu.vector_store %arg19[%swap3A_1909, %swap3A_1910], %add3A_1731 {strides = array<i32>} : memref<16x128xf32, #tpu.memory_space<vmem>>, vector<16xf32>,
    %swap3A_1912 = arith.constant 10 : i32
    %swap3A_1913 = arith.index_cast %swap3A_1912 : i32 to index
    %swap3A_1914 = arith.constant 96 : index
    %swap3A_1915 = tpu.vector_load %arg19[%swap3A_1913, %swap3A_1914] {strides = array<i32>} : memref<16x128xf32, #tpu.memory_space<vmem>>, vector<16xf32>,
    tpu.vector_store %arg19[%swap3A_1913, %swap3A_1914], %add3A_1726 {strides = array<i32>} : memref<16x128xf32, #tpu.memory_space<vmem>>, vector<16xf32>,
    %swap3A_1916 = arith.constant 11 : i32
    %swap3A_1917 = arith.index_cast %swap3A_1916 : i32 to index
    %swap3A_1918 = arith.constant 96 : index
    %swap3A_1919 = tpu.vector_load %arg19[%swap3A_1917, %swap3A_1918] {strides = array<i32>} : memref<16x128xf32, #tpu.memory_space<vmem>>, vector<16xf32>,
    tpu.vector_store %arg19[%swap3A_1917, %swap3A_1918], %broadcast_in_dim3A_3 {strides = array<i32>} : memref<16x128xf32, #tpu.memory_space<vmem>>, vector<16xf32>,
    %swap3A_1920 = arith.constant 12 : i32
    %swap3A_1921 = arith.index_cast %swap3A_1920 : i32 to index
    %swap3A_1922 = arith.constant 96 : index
    %swap3A_1923 = tpu.vector_load %arg19[%swap3A_1921, %swap3A_1922] {strides = array<i32>} : memref<16x128xf32, #tpu.memory_space<vmem>>, vector<16xf32>,
    tpu.vector_store %arg19[%swap3A_1921, %swap3A_1922], %broadcast_in_dim3A_3 {strides = array<i32>} : memref<16x128xf32, #tpu.memory_space<vmem>>, vector<16xf32>,
    %swap3A_1924 = arith.constant 13 : i32
    %swap3A_1925 = arith.index_cast %swap3A_1924 : i32 to index
    %swap3A_1926 = arith.constant 96 : index
    %swap3A_1927 = tpu.vector_load %arg19[%swap3A_1925, %swap3A_1926] {strides = array<i32>} : memref<16x128xf32, #tpu.memory_space<vmem>>, vector<16xf32>,
    tpu.vector_store %arg19[%swap3A_1925, %swap3A_1926], %broadcast_in_dim3A_3 {strides = array<i32>} : memref<16x128xf32, #tpu.memory_space<vmem>>, vector<16xf32>,
    %swap3A_1928 = arith.constant 14 : i32
    %swap3A_1929 = arith.index_cast %swap3A_1928 : i32 to index
    %swap3A_1930 = arith.constant 96 : index
    %swap3A_1931 = tpu.vector_load %arg19[%swap3A_1929, %swap3A_1930] {strides = array<i32>} : memref<16x128xf32, #tpu.memory_space<vmem>>, vector<16xf32>,
    tpu.vector_store %arg19[%swap3A_1929, %swap3A_1930], %broadcast_in_dim3A_3 {strides = array<i32>} : memref<16x128xf32, #tpu.memory_space<vmem>>, vector<16xf32>,
    %swap3A_1932 = arith.constant 15 : i32
    %swap3A_1933 = arith.index_cast %swap3A_1932 : i32 to index
    %swap3A_1934 = arith.constant 96 : index
    %swap3A_1935 = tpu.vector_load %arg19[%swap3A_1933, %swap3A_1934] {strides = array<i32>} : memref<16x128xf32, #tpu.memory_space<vmem>>, vector<16xf32>,
    tpu.vector_store %arg19[%swap3A_1933, %swap3A_1934], %broadcast_in_dim3A_3 {strides = array<i32>} : memref<16x128xf32, #tpu.memory_space<vmem>>, vector<16xf32>,
    %get3A_1936 = arith.constant 112 : index
    %get3A_1937 = tpu.vector_load %arg13[%get3A_1936] {strides = array<i32>} : memref<128xi32, #tpu.memory_space<vmem>>, vector<16xi32>,
    %get3A_1938 = arith.constant 112 : index
    %get3A_1939 = tpu.vector_load %arg14[%get3A_1938] {strides = array<i32>} : memref<128xi32, #tpu.memory_space<vmem>>, vector<16xi32>,
    %get3A_1940 = arith.constant 112 : index
    %get3A_1941 = tpu.vector_load %arg15[%get3A_1940] {strides = array<i32>} : memref<128xi32, #tpu.memory_space<vmem>>, vector<16xi32>,
    %gather3A_1942 = tpu.vector_load_idx %arg10[%get3A_1937] : memref<8192xf32, #tpu.memory_space<vmem>>[vector<16xi32>], vector<16xf32>,
    %gather3A_1943 = tpu.vector_load_idx %arg11[%get3A_1937] : memref<8192xf32, #tpu.memory_space<vmem>>[vector<16xi32>], vector<16xf32>,
    %gather3A_1944 = tpu.vector_load_idx %arg12[%get3A_1937] : memref<8192xf32, #tpu.memory_space<vmem>>[vector<16xi32>], vector<16xf32>,
    %gather3A_1945 = tpu.vector_load_idx %arg10[%get3A_1939] : memref<8192xf32, #tpu.memory_space<vmem>>[vector<16xi32>], vector<16xf32>,
    %gather3A_1946 = tpu.vector_load_idx %arg11[%get3A_1939] : memref<8192xf32, #tpu.memory_space<vmem>>[vector<16xi32>], vector<16xf32>,
    %gather3A_1947 = tpu.vector_load_idx %arg12[%get3A_1939] : memref<8192xf32, #tpu.memory_space<vmem>>[vector<16xi32>], vector<16xf32>,
    %gather3A_1948 = tpu.vector_load_idx %arg10[%get3A_1941] : memref<8192xf32, #tpu.memory_space<vmem>>[vector<16xi32>], vector<16xf32>,
    %gather3A_1949 = tpu.vector_load_idx %arg11[%get3A_1941] : memref<8192xf32, #tpu.memory_space<vmem>>[vector<16xi32>], vector<16xf32>,
    %gather3A_1950 = tpu.vector_load_idx %arg12[%get3A_1941] : memref<8192xf32, #tpu.memory_space<vmem>>[vector<16xi32>], vector<16xf32>,
    %sub3A_1951 = arith.subf %gather3A_1945, %gather3A_1942 : vector<16xf32>
    %sub3A_1952 = arith.subf %gather3A_1946, %gather3A_1943 : vector<16xf32>
    %sub3A_1953 = arith.subf %gather3A_1947, %gather3A_1944 : vector<16xf32>
    %sub3A_1954 = arith.subf %gather3A_1948, %gather3A_1942 : vector<16xf32>
    %sub3A_1955 = arith.subf %gather3A_1949, %gather3A_1943 : vector<16xf32>
    %sub3A_1956 = arith.subf %gather3A_1950, %gather3A_1944 : vector<16xf32>
    %sub3A_1957 = arith.subf %gather3A_1948, %gather3A_1945 : vector<16xf32>
    %sub3A_1958 = arith.subf %gather3A_1949, %gather3A_1946 : vector<16xf32>
    %sub3A_1959 = arith.subf %gather3A_1950, %gather3A_1947 : vector<16xf32>
    %mul3A_1960 = arith.mulf %sub3A_1952, %sub3A_1956 : vector<16xf32>
    %mul3A_1961 = arith.mulf %sub3A_1953, %sub3A_1955 : vector<16xf32>
    %sub3A_1962 = arith.subf %mul3A_1960, %mul3A_1961 : vector<16xf32>
    %mul3A_1963 = arith.mulf %sub3A_1953, %sub3A_1954 : vector<16xf32>
    %mul3A_1964 = arith.mulf %sub3A_1951, %sub3A_1956 : vector<16xf32>
    %sub3A_1965 = arith.subf %mul3A_1963, %mul3A_1964 : vector<16xf32>
    %mul3A_1966 = arith.mulf %sub3A_1951, %sub3A_1955 : vector<16xf32>
    %mul3A_1967 = arith.mulf %sub3A_1952, %sub3A_1954 : vector<16xf32>
    %sub3A_1968 = arith.subf %mul3A_1966, %mul3A_1967 : vector<16xf32>
    %mul3A_1969 = arith.mulf %sub3A_1951, %gather3A_1942 : vector<16xf32>
    %mul3A_1970 = arith.mulf %sub3A_1952, %gather3A_1943 : vector<16xf32>
    %add3A_1971 = arith.addf %mul3A_1969, %mul3A_1970 : vector<16xf32>
    %mul3A_1972 = arith.mulf %sub3A_1953, %gather3A_1944 : vector<16xf32>
    %add3A_1973 = arith.addf %add3A_1971, %mul3A_1972 : vector<16xf32>
    %mul3A_1974 = arith.mulf %sub3A_1954, %gather3A_1942 : vector<16xf32>
    %mul3A_1975 = arith.mulf %sub3A_1955, %gather3A_1943 : vector<16xf32>
    %add3A_1976 = arith.addf %mul3A_1974, %mul3A_1975 : vector<16xf32>
    %mul3A_1977 = arith.mulf %sub3A_1956, %gather3A_1944 : vector<16xf32>
    %add3A_1978 = arith.addf %add3A_1976, %mul3A_1977 : vector<16xf32>
    %mul3A_1979 = arith.mulf %gather3A_1942, %gather3A_1942 : vector<16xf32>
    %mul3A_1980 = arith.mulf %gather3A_1943, %gather3A_1943 : vector<16xf32>
    %add3A_1981 = arith.addf %mul3A_1979, %mul3A_1980 : vector<16xf32>
    %mul3A_1982 = arith.mulf %gather3A_1944, %gather3A_1944 : vector<16xf32>
    %add3A_1983 = arith.addf %add3A_1981, %mul3A_1982 : vector<16xf32>
    %mul3A_1984 = arith.mulf %sub3A_1951, %sub3A_1951 : vector<16xf32>
    %mul3A_1985 = arith.mulf %sub3A_1952, %sub3A_1952 : vector<16xf32>
    %add3A_1986 = arith.addf %mul3A_1984, %mul3A_1985 : vector<16xf32>
    %mul3A_1987 = arith.mulf %sub3A_1953, %sub3A_1953 : vector<16xf32>
    %add3A_1988 = arith.addf %add3A_1986, %mul3A_1987 : vector<16xf32>
    %mul3A_1989 = arith.mulf %sub3A_1954, %sub3A_1954 : vector<16xf32>
    %mul3A_1990 = arith.mulf %sub3A_1955, %sub3A_1955 : vector<16xf32>
    %add3A_1991 = arith.addf %mul3A_1989, %mul3A_1990 : vector<16xf32>
    %mul3A_1992 = arith.mulf %sub3A_1956, %sub3A_1956 : vector<16xf32>
    %add3A_1993 = arith.addf %add3A_1991, %mul3A_1992 : vector<16xf32>
    %mul3A_1994 = arith.mulf %sub3A_1957, %sub3A_1957 : vector<16xf32>
    %mul3A_1995 = arith.mulf %sub3A_1958, %sub3A_1958 : vector<16xf32>
    %add3A_1996 = arith.addf %mul3A_1994, %mul3A_1995 : vector<16xf32>
    %mul3A_1997 = arith.mulf %sub3A_1959, %sub3A_1959 : vector<16xf32>
    %add3A_1998 = arith.addf %add3A_1996, %mul3A_1997 : vector<16xf32>
    %mul3A_1999 = arith.mulf %sub3A_1951, %sub3A_1954 : vector<16xf32>
    %mul3A_2000 = arith.mulf %sub3A_1952, %sub3A_1955 : vector<16xf32>
    %add3A_2001 = arith.addf %mul3A_1999, %mul3A_2000 : vector<16xf32>
    %mul3A_2002 = arith.mulf %sub3A_1953, %sub3A_1956 : vector<16xf32>
    %add3A_2003 = arith.addf %add3A_2001, %mul3A_2002 : vector<16xf32>
    %mul3A_2004 = arith.mulf %sub3A_1962, %sub3A_1962 : vector<16xf32>
    %mul3A_2005 = arith.mulf %sub3A_1965, %sub3A_1965 : vector<16xf32>
    %add3A_2006 = arith.addf %mul3A_2004, %mul3A_2005 : vector<16xf32>
    %mul3A_2007 = arith.mulf %sub3A_1968, %sub3A_1968 : vector<16xf32>
    %add3A_2008 = arith.addf %add3A_2006, %mul3A_2007 : vector<16xf32>
    %eq3A_2009 = arith.constant 0.000000e+00 : f32
    %eq3A_2010 = vector.broadcast %eq3A_2009 : f32 to vector<16xf32>
    %eq3A_2011 = arith.cmpf oeq, %add3A_1988, %eq3A_2010 : vector<16xf32>
    %select_n3A_2012 = arith.select %eq3A_2011, %broadcast_in_dim3A_5, %add3A_1988 : vector<16xi1>, vector<16xf32>
    %div3A_2013 = arith.divf %broadcast_in_dim3A_5, %select_n3A_2012 : vector<16xf32>
    %eq3A_2014 = arith.constant 0.000000e+00 : f32
    %eq3A_2015 = vector.broadcast %eq3A_2014 : f32 to vector<16xf32>
    %eq3A_2016 = arith.cmpf oeq, %add3A_1993, %eq3A_2015 : vector<16xf32>
    %select_n3A_2017 = arith.select %eq3A_2016, %broadcast_in_dim3A_5, %add3A_1993 : vector<16xi1>, vector<16xf32>
    %div3A_2018 = arith.divf %broadcast_in_dim3A_5, %select_n3A_2017 : vector<16xf32>
    %eq3A_2019 = arith.constant 0.000000e+00 : f32
    %eq3A_2020 = vector.broadcast %eq3A_2019 : f32 to vector<16xf32>
    %eq3A_2021 = arith.cmpf oeq, %add3A_1998, %eq3A_2020 : vector<16xf32>
    %select_n3A_2022 = arith.select %eq3A_2021, %broadcast_in_dim3A_5, %add3A_1998 : vector<16xi1>, vector<16xf32>
    %div3A_2023 = arith.divf %broadcast_in_dim3A_5, %select_n3A_2022 : vector<16xf32>
    %eq3A_2024 = arith.constant 0.000000e+00 : f32
    %eq3A_2025 = vector.broadcast %eq3A_2024 : f32 to vector<16xf32>
    %eq3A_2026 = arith.cmpf oeq, %add3A_2008, %eq3A_2025 : vector<16xf32>
    %select_n3A_2027 = arith.select %eq3A_2026, %broadcast_in_dim3A_5, %add3A_2008 : vector<16xi1>, vector<16xf32>
    %div3A_2028 = arith.divf %broadcast_in_dim3A_5, %select_n3A_2027 : vector<16xf32>
    %mul3A_2029 = arith.mulf %add3A_1988, %add3A_1993 : vector<16xf32>
    %mul3A_2030 = arith.constant 9.99999997E-7 : f32
    %mul3A_2031 = vector.broadcast %mul3A_2030 : f32 to vector<16xf32>
    %mul3A_2032 = arith.mulf %mul3A_2031, %mul3A_2029 : vector<16xf32>
    %gt3A_2033 = arith.cmpf ogt, %add3A_2008, %mul3A_2032 : vector<16xf32>
    %broadcast_in_dim3A_2034 = arith.constant 1.000000e+30 : f32
    %broadcast_in_dim3A_2035 = vector.broadcast %broadcast_in_dim3A_2034 : f32 to vector<16xf32>
    %select_n3A_2036 = arith.select %gt3A_2033, %broadcast_in_dim3A_3, %broadcast_in_dim3A_2035 : vector<16xi1>, vector<16xf32>
    %swap3A_2037 = arith.constant 0 : i32
    %swap3A_2038 = arith.index_cast %swap3A_2037 : i32 to index
    %swap3A_2039 = arith.constant 112 : index
    %swap3A_2040 = tpu.vector_load %arg16[%swap3A_2038, %swap3A_2039] {strides = array<i32>} : memref<8x128xf32, #tpu.memory_space<vmem>>, vector<16xf32>,
    tpu.vector_store %arg16[%swap3A_2038, %swap3A_2039], %sub3A_1951 {strides = array<i32>} : memref<8x128xf32, #tpu.memory_space<vmem>>, vector<16xf32>,
    %swap3A_2041 = arith.constant 1 : i32
    %swap3A_2042 = arith.index_cast %swap3A_2041 : i32 to index
    %swap3A_2043 = arith.constant 112 : index
    %swap3A_2044 = tpu.vector_load %arg16[%swap3A_2042, %swap3A_2043] {strides = array<i32>} : memref<8x128xf32, #tpu.memory_space<vmem>>, vector<16xf32>,
    tpu.vector_store %arg16[%swap3A_2042, %swap3A_2043], %sub3A_1952 {strides = array<i32>} : memref<8x128xf32, #tpu.memory_space<vmem>>, vector<16xf32>,
    %swap3A_2045 = arith.constant 2 : i32
    %swap3A_2046 = arith.index_cast %swap3A_2045 : i32 to index
    %swap3A_2047 = arith.constant 112 : index
    %swap3A_2048 = tpu.vector_load %arg16[%swap3A_2046, %swap3A_2047] {strides = array<i32>} : memref<8x128xf32, #tpu.memory_space<vmem>>, vector<16xf32>,
    tpu.vector_store %arg16[%swap3A_2046, %swap3A_2047], %sub3A_1953 {strides = array<i32>} : memref<8x128xf32, #tpu.memory_space<vmem>>, vector<16xf32>,
    %swap3A_2049 = arith.constant 3 : i32
    %swap3A_2050 = arith.index_cast %swap3A_2049 : i32 to index
    %swap3A_2051 = arith.constant 112 : index
    %swap3A_2052 = tpu.vector_load %arg16[%swap3A_2050, %swap3A_2051] {strides = array<i32>} : memref<8x128xf32, #tpu.memory_space<vmem>>, vector<16xf32>,
    tpu.vector_store %arg16[%swap3A_2050, %swap3A_2051], %broadcast_in_dim3A_3 {strides = array<i32>} : memref<8x128xf32, #tpu.memory_space<vmem>>, vector<16xf32>,
    %neg3A_2053 = arith.constant 0.000000e+00 : f32
    %neg3A_2054 = vector.broadcast %neg3A_2053 : f32 to vector<16xf32>
    %neg3A_2055 = arith.subf %neg3A_2054, %add3A_1973 : vector<16xf32>
    %swap3A_2056 = arith.constant 4 : i32
    %swap3A_2057 = arith.index_cast %swap3A_2056 : i32 to index
    %swap3A_2058 = arith.constant 112 : index
    %swap3A_2059 = tpu.vector_load %arg16[%swap3A_2057, %swap3A_2058] {strides = array<i32>} : memref<8x128xf32, #tpu.memory_space<vmem>>, vector<16xf32>,
    tpu.vector_store %arg16[%swap3A_2057, %swap3A_2058], %neg3A_2055 {strides = array<i32>} : memref<8x128xf32, #tpu.memory_space<vmem>>, vector<16xf32>,
    %swap3A_2060 = arith.constant 0 : i32
    %swap3A_2061 = arith.index_cast %swap3A_2060 : i32 to index
    %swap3A_2062 = arith.constant 112 : index
    %swap3A_2063 = tpu.vector_load %arg17[%swap3A_2061, %swap3A_2062] {strides = array<i32>} : memref<8x128xf32, #tpu.memory_space<vmem>>, vector<16xf32>,
    tpu.vector_store %arg17[%swap3A_2061, %swap3A_2062], %sub3A_1954 {strides = array<i32>} : memref<8x128xf32, #tpu.memory_space<vmem>>, vector<16xf32>,
    %swap3A_2064 = arith.constant 1 : i32
    %swap3A_2065 = arith.index_cast %swap3A_2064 : i32 to index
    %swap3A_2066 = arith.constant 112 : index
    %swap3A_2067 = tpu.vector_load %arg17[%swap3A_2065, %swap3A_2066] {strides = array<i32>} : memref<8x128xf32, #tpu.memory_space<vmem>>, vector<16xf32>,
    tpu.vector_store %arg17[%swap3A_2065, %swap3A_2066], %sub3A_1955 {strides = array<i32>} : memref<8x128xf32, #tpu.memory_space<vmem>>, vector<16xf32>,
    %swap3A_2068 = arith.constant 2 : i32
    %swap3A_2069 = arith.index_cast %swap3A_2068 : i32 to index
    %swap3A_2070 = arith.constant 112 : index
    %swap3A_2071 = tpu.vector_load %arg17[%swap3A_2069, %swap3A_2070] {strides = array<i32>} : memref<8x128xf32, #tpu.memory_space<vmem>>, vector<16xf32>,
    tpu.vector_store %arg17[%swap3A_2069, %swap3A_2070], %sub3A_1956 {strides = array<i32>} : memref<8x128xf32, #tpu.memory_space<vmem>>, vector<16xf32>,
    %swap3A_2072 = arith.constant 3 : i32
    %swap3A_2073 = arith.index_cast %swap3A_2072 : i32 to index
    %swap3A_2074 = arith.constant 112 : index
    %swap3A_2075 = tpu.vector_load %arg17[%swap3A_2073, %swap3A_2074] {strides = array<i32>} : memref<8x128xf32, #tpu.memory_space<vmem>>, vector<16xf32>,
    tpu.vector_store %arg17[%swap3A_2073, %swap3A_2074], %broadcast_in_dim3A_3 {strides = array<i32>} : memref<8x128xf32, #tpu.memory_space<vmem>>, vector<16xf32>,
    %neg3A_2076 = arith.constant 0.000000e+00 : f32
    %neg3A_2077 = vector.broadcast %neg3A_2076 : f32 to vector<16xf32>
    %neg3A_2078 = arith.subf %neg3A_2077, %add3A_1978 : vector<16xf32>
    %swap3A_2079 = arith.constant 4 : i32
    %swap3A_2080 = arith.index_cast %swap3A_2079 : i32 to index
    %swap3A_2081 = arith.constant 112 : index
    %swap3A_2082 = tpu.vector_load %arg17[%swap3A_2080, %swap3A_2081] {strides = array<i32>} : memref<8x128xf32, #tpu.memory_space<vmem>>, vector<16xf32>,
    tpu.vector_store %arg17[%swap3A_2080, %swap3A_2081], %neg3A_2078 {strides = array<i32>} : memref<8x128xf32, #tpu.memory_space<vmem>>, vector<16xf32>,
    %mul3A_2083 = arith.constant -2.000000e+00 : f32
    %mul3A_2084 = vector.broadcast %mul3A_2083 : f32 to vector<16xf32>
    %mul3A_2085 = arith.mulf %mul3A_2084, %gather3A_1942 : vector<16xf32>
    %swap3A_2086 = arith.constant 0 : i32
    %swap3A_2087 = arith.index_cast %swap3A_2086 : i32 to index
    %swap3A_2088 = arith.constant 112 : index
    %swap3A_2089 = tpu.vector_load %arg18[%swap3A_2087, %swap3A_2088] {strides = array<i32>} : memref<8x128xf32, #tpu.memory_space<vmem>>, vector<16xf32>,
    tpu.vector_store %arg18[%swap3A_2087, %swap3A_2088], %mul3A_2085 {strides = array<i32>} : memref<8x128xf32, #tpu.memory_space<vmem>>, vector<16xf32>,
    %mul3A_2090 = arith.constant -2.000000e+00 : f32
    %mul3A_2091 = vector.broadcast %mul3A_2090 : f32 to vector<16xf32>
    %mul3A_2092 = arith.mulf %mul3A_2091, %gather3A_1943 : vector<16xf32>
    %swap3A_2093 = arith.constant 1 : i32
    %swap3A_2094 = arith.index_cast %swap3A_2093 : i32 to index
    %swap3A_2095 = arith.constant 112 : index
    %swap3A_2096 = tpu.vector_load %arg18[%swap3A_2094, %swap3A_2095] {strides = array<i32>} : memref<8x128xf32, #tpu.memory_space<vmem>>, vector<16xf32>,
    tpu.vector_store %arg18[%swap3A_2094, %swap3A_2095], %mul3A_2092 {strides = array<i32>} : memref<8x128xf32, #tpu.memory_space<vmem>>, vector<16xf32>,
    %mul3A_2097 = arith.constant -2.000000e+00 : f32
    %mul3A_2098 = vector.broadcast %mul3A_2097 : f32 to vector<16xf32>
    %mul3A_2099 = arith.mulf %mul3A_2098, %gather3A_1944 : vector<16xf32>
    %swap3A_2100 = arith.constant 2 : i32
    %swap3A_2101 = arith.index_cast %swap3A_2100 : i32 to index
    %swap3A_2102 = arith.constant 112 : index
    %swap3A_2103 = tpu.vector_load %arg18[%swap3A_2101, %swap3A_2102] {strides = array<i32>} : memref<8x128xf32, #tpu.memory_space<vmem>>, vector<16xf32>,
    tpu.vector_store %arg18[%swap3A_2101, %swap3A_2102], %mul3A_2099 {strides = array<i32>} : memref<8x128xf32, #tpu.memory_space<vmem>>, vector<16xf32>,
    %swap3A_2104 = arith.constant 3 : i32
    %swap3A_2105 = arith.index_cast %swap3A_2104 : i32 to index
    %swap3A_2106 = arith.constant 112 : index
    %swap3A_2107 = tpu.vector_load %arg18[%swap3A_2105, %swap3A_2106] {strides = array<i32>} : memref<8x128xf32, #tpu.memory_space<vmem>>, vector<16xf32>,
    tpu.vector_store %arg18[%swap3A_2105, %swap3A_2106], %broadcast_in_dim3A_5 {strides = array<i32>} : memref<8x128xf32, #tpu.memory_space<vmem>>, vector<16xf32>,
    %swap3A_2108 = arith.constant 4 : i32
    %swap3A_2109 = arith.index_cast %swap3A_2108 : i32 to index
    %swap3A_2110 = arith.constant 112 : index
    %swap3A_2111 = tpu.vector_load %arg18[%swap3A_2109, %swap3A_2110] {strides = array<i32>} : memref<8x128xf32, #tpu.memory_space<vmem>>, vector<16xf32>,
    tpu.vector_store %arg18[%swap3A_2109, %swap3A_2110], %add3A_1983 {strides = array<i32>} : memref<8x128xf32, #tpu.memory_space<vmem>>, vector<16xf32>,
    %swap3A_2112 = arith.constant 5 : i32
    %swap3A_2113 = arith.index_cast %swap3A_2112 : i32 to index
    %swap3A_2114 = arith.constant 112 : index
    %swap3A_2115 = tpu.vector_load %arg16[%swap3A_2113, %swap3A_2114] {strides = array<i32>} : memref<8x128xf32, #tpu.memory_space<vmem>>, vector<16xf32>,
    tpu.vector_store %arg16[%swap3A_2113, %swap3A_2114], %broadcast_in_dim3A_3 {strides = array<i32>} : memref<8x128xf32, #tpu.memory_space<vmem>>, vector<16xf32>,
    %swap3A_2116 = arith.constant 6 : i32
    %swap3A_2117 = arith.index_cast %swap3A_2116 : i32 to index
    %swap3A_2118 = arith.constant 112 : index
    %swap3A_2119 = tpu.vector_load %arg16[%swap3A_2117, %swap3A_2118] {strides = array<i32>} : memref<8x128xf32, #tpu.memory_space<vmem>>, vector<16xf32>,
    tpu.vector_store %arg16[%swap3A_2117, %swap3A_2118], %broadcast_in_dim3A_3 {strides = array<i32>} : memref<8x128xf32, #tpu.memory_space<vmem>>, vector<16xf32>,
    %swap3A_2120 = arith.constant 7 : i32
    %swap3A_2121 = arith.index_cast %swap3A_2120 : i32 to index
    %swap3A_2122 = arith.constant 112 : index
    %swap3A_2123 = tpu.vector_load %arg16[%swap3A_2121, %swap3A_2122] {strides = array<i32>} : memref<8x128xf32, #tpu.memory_space<vmem>>, vector<16xf32>,
    tpu.vector_store %arg16[%swap3A_2121, %swap3A_2122], %broadcast_in_dim3A_3 {strides = array<i32>} : memref<8x128xf32, #tpu.memory_space<vmem>>, vector<16xf32>,
    %swap3A_2124 = arith.constant 5 : i32
    %swap3A_2125 = arith.index_cast %swap3A_2124 : i32 to index
    %swap3A_2126 = arith.constant 112 : index
    %swap3A_2127 = tpu.vector_load %arg17[%swap3A_2125, %swap3A_2126] {strides = array<i32>} : memref<8x128xf32, #tpu.memory_space<vmem>>, vector<16xf32>,
    tpu.vector_store %arg17[%swap3A_2125, %swap3A_2126], %broadcast_in_dim3A_3 {strides = array<i32>} : memref<8x128xf32, #tpu.memory_space<vmem>>, vector<16xf32>,
    %swap3A_2128 = arith.constant 6 : i32
    %swap3A_2129 = arith.index_cast %swap3A_2128 : i32 to index
    %swap3A_2130 = arith.constant 112 : index
    %swap3A_2131 = tpu.vector_load %arg17[%swap3A_2129, %swap3A_2130] {strides = array<i32>} : memref<8x128xf32, #tpu.memory_space<vmem>>, vector<16xf32>,
    tpu.vector_store %arg17[%swap3A_2129, %swap3A_2130], %broadcast_in_dim3A_3 {strides = array<i32>} : memref<8x128xf32, #tpu.memory_space<vmem>>, vector<16xf32>,
    %swap3A_2132 = arith.constant 7 : i32
    %swap3A_2133 = arith.index_cast %swap3A_2132 : i32 to index
    %swap3A_2134 = arith.constant 112 : index
    %swap3A_2135 = tpu.vector_load %arg17[%swap3A_2133, %swap3A_2134] {strides = array<i32>} : memref<8x128xf32, #tpu.memory_space<vmem>>, vector<16xf32>,
    tpu.vector_store %arg17[%swap3A_2133, %swap3A_2134], %broadcast_in_dim3A_3 {strides = array<i32>} : memref<8x128xf32, #tpu.memory_space<vmem>>, vector<16xf32>,
    %swap3A_2136 = arith.constant 5 : i32
    %swap3A_2137 = arith.index_cast %swap3A_2136 : i32 to index
    %swap3A_2138 = arith.constant 112 : index
    %swap3A_2139 = tpu.vector_load %arg18[%swap3A_2137, %swap3A_2138] {strides = array<i32>} : memref<8x128xf32, #tpu.memory_space<vmem>>, vector<16xf32>,
    tpu.vector_store %arg18[%swap3A_2137, %swap3A_2138], %broadcast_in_dim3A_3 {strides = array<i32>} : memref<8x128xf32, #tpu.memory_space<vmem>>, vector<16xf32>,
    %swap3A_2140 = arith.constant 6 : i32
    %swap3A_2141 = arith.index_cast %swap3A_2140 : i32 to index
    %swap3A_2142 = arith.constant 112 : index
    %swap3A_2143 = tpu.vector_load %arg18[%swap3A_2141, %swap3A_2142] {strides = array<i32>} : memref<8x128xf32, #tpu.memory_space<vmem>>, vector<16xf32>,
    tpu.vector_store %arg18[%swap3A_2141, %swap3A_2142], %broadcast_in_dim3A_3 {strides = array<i32>} : memref<8x128xf32, #tpu.memory_space<vmem>>, vector<16xf32>,
    %swap3A_2144 = arith.constant 7 : i32
    %swap3A_2145 = arith.index_cast %swap3A_2144 : i32 to index
    %swap3A_2146 = arith.constant 112 : index
    %swap3A_2147 = tpu.vector_load %arg18[%swap3A_2145, %swap3A_2146] {strides = array<i32>} : memref<8x128xf32, #tpu.memory_space<vmem>>, vector<16xf32>,
    tpu.vector_store %arg18[%swap3A_2145, %swap3A_2146], %broadcast_in_dim3A_3 {strides = array<i32>} : memref<8x128xf32, #tpu.memory_space<vmem>>, vector<16xf32>,
    %swap3A_2148 = arith.constant 0 : i32
    %swap3A_2149 = arith.index_cast %swap3A_2148 : i32 to index
    %swap3A_2150 = arith.constant 112 : index
    %swap3A_2151 = tpu.vector_load %arg19[%swap3A_2149, %swap3A_2150] {strides = array<i32>} : memref<16x128xf32, #tpu.memory_space<vmem>>, vector<16xf32>,
    tpu.vector_store %arg19[%swap3A_2149, %swap3A_2150], %add3A_1988 {strides = array<i32>} : memref<16x128xf32, #tpu.memory_space<vmem>>, vector<16xf32>,
    %swap3A_2152 = arith.constant 1 : i32
    %swap3A_2153 = arith.index_cast %swap3A_2152 : i32 to index
    %swap3A_2154 = arith.constant 112 : index
    %swap3A_2155 = tpu.vector_load %arg19[%swap3A_2153, %swap3A_2154] {strides = array<i32>} : memref<16x128xf32, #tpu.memory_space<vmem>>, vector<16xf32>,
    tpu.vector_store %arg19[%swap3A_2153, %swap3A_2154], %add3A_1993 {strides = array<i32>} : memref<16x128xf32, #tpu.memory_space<vmem>>, vector<16xf32>,
    %swap3A_2156 = arith.constant 2 : i32
    %swap3A_2157 = arith.index_cast %swap3A_2156 : i32 to index
    %swap3A_2158 = arith.constant 112 : index
    %swap3A_2159 = tpu.vector_load %arg19[%swap3A_2157, %swap3A_2158] {strides = array<i32>} : memref<16x128xf32, #tpu.memory_space<vmem>>, vector<16xf32>,
    tpu.vector_store %arg19[%swap3A_2157, %swap3A_2158], %add3A_1998 {strides = array<i32>} : memref<16x128xf32, #tpu.memory_space<vmem>>, vector<16xf32>,
    %swap3A_2160 = arith.constant 3 : i32
    %swap3A_2161 = arith.index_cast %swap3A_2160 : i32 to index
    %swap3A_2162 = arith.constant 112 : index
    %swap3A_2163 = tpu.vector_load %arg19[%swap3A_2161, %swap3A_2162] {strides = array<i32>} : memref<16x128xf32, #tpu.memory_space<vmem>>, vector<16xf32>,
    tpu.vector_store %arg19[%swap3A_2161, %swap3A_2162], %div3A_2013 {strides = array<i32>} : memref<16x128xf32, #tpu.memory_space<vmem>>, vector<16xf32>,
    %swap3A_2164 = arith.constant 4 : i32
    %swap3A_2165 = arith.index_cast %swap3A_2164 : i32 to index
    %swap3A_2166 = arith.constant 112 : index
    %swap3A_2167 = tpu.vector_load %arg19[%swap3A_2165, %swap3A_2166] {strides = array<i32>} : memref<16x128xf32, #tpu.memory_space<vmem>>, vector<16xf32>,
    tpu.vector_store %arg19[%swap3A_2165, %swap3A_2166], %div3A_2018 {strides = array<i32>} : memref<16x128xf32, #tpu.memory_space<vmem>>, vector<16xf32>,
    %swap3A_2168 = arith.constant 5 : i32
    %swap3A_2169 = arith.index_cast %swap3A_2168 : i32 to index
    %swap3A_2170 = arith.constant 112 : index
    %swap3A_2171 = tpu.vector_load %arg19[%swap3A_2169, %swap3A_2170] {strides = array<i32>} : memref<16x128xf32, #tpu.memory_space<vmem>>, vector<16xf32>,
    tpu.vector_store %arg19[%swap3A_2169, %swap3A_2170], %div3A_2023 {strides = array<i32>} : memref<16x128xf32, #tpu.memory_space<vmem>>, vector<16xf32>,
    %swap3A_2172 = arith.constant 6 : i32
    %swap3A_2173 = arith.index_cast %swap3A_2172 : i32 to index
    %swap3A_2174 = arith.constant 112 : index
    %swap3A_2175 = tpu.vector_load %arg19[%swap3A_2173, %swap3A_2174] {strides = array<i32>} : memref<16x128xf32, #tpu.memory_space<vmem>>, vector<16xf32>,
    tpu.vector_store %arg19[%swap3A_2173, %swap3A_2174], %div3A_2028 {strides = array<i32>} : memref<16x128xf32, #tpu.memory_space<vmem>>, vector<16xf32>,
    %sub3A_2176 = arith.subf %add3A_1988, %add3A_2003 : vector<16xf32>
    %swap3A_2177 = arith.constant 7 : i32
    %swap3A_2178 = arith.index_cast %swap3A_2177 : i32 to index
    %swap3A_2179 = arith.constant 112 : index
    %swap3A_2180 = tpu.vector_load %arg19[%swap3A_2178, %swap3A_2179] {strides = array<i32>} : memref<16x128xf32, #tpu.memory_space<vmem>>, vector<16xf32>,
    tpu.vector_store %arg19[%swap3A_2178, %swap3A_2179], %sub3A_2176 {strides = array<i32>} : memref<16x128xf32, #tpu.memory_space<vmem>>, vector<16xf32>,
    %swap3A_2181 = arith.constant 8 : i32
    %swap3A_2182 = arith.index_cast %swap3A_2181 : i32 to index
    %swap3A_2183 = arith.constant 112 : index
    %swap3A_2184 = tpu.vector_load %arg19[%swap3A_2182, %swap3A_2183] {strides = array<i32>} : memref<16x128xf32, #tpu.memory_space<vmem>>, vector<16xf32>,
    tpu.vector_store %arg19[%swap3A_2182, %swap3A_2183], %select_n3A_2036 {strides = array<i32>} : memref<16x128xf32, #tpu.memory_space<vmem>>, vector<16xf32>,
    %swap3A_2185 = arith.constant 9 : i32
    %swap3A_2186 = arith.index_cast %swap3A_2185 : i32 to index
    %swap3A_2187 = arith.constant 112 : index
    %swap3A_2188 = tpu.vector_load %arg19[%swap3A_2186, %swap3A_2187] {strides = array<i32>} : memref<16x128xf32, #tpu.memory_space<vmem>>, vector<16xf32>,
    tpu.vector_store %arg19[%swap3A_2186, %swap3A_2187], %add3A_2008 {strides = array<i32>} : memref<16x128xf32, #tpu.memory_space<vmem>>, vector<16xf32>,
    %swap3A_2189 = arith.constant 10 : i32
    %swap3A_2190 = arith.index_cast %swap3A_2189 : i32 to index
    %swap3A_2191 = arith.constant 112 : index
    %swap3A_2192 = tpu.vector_load %arg19[%swap3A_2190, %swap3A_2191] {strides = array<i32>} : memref<16x128xf32, #tpu.memory_space<vmem>>, vector<16xf32>,
    tpu.vector_store %arg19[%swap3A_2190, %swap3A_2191], %add3A_2003 {strides = array<i32>} : memref<16x128xf32, #tpu.memory_space<vmem>>, vector<16xf32>,
    %swap3A_2193 = arith.constant 11 : i32
    %swap3A_2194 = arith.index_cast %swap3A_2193 : i32 to index
    %swap3A_2195 = arith.constant 112 : index
    %swap3A_2196 = tpu.vector_load %arg19[%swap3A_2194, %swap3A_2195] {strides = array<i32>} : memref<16x128xf32, #tpu.memory_space<vmem>>, vector<16xf32>,
    tpu.vector_store %arg19[%swap3A_2194, %swap3A_2195], %broadcast_in_dim3A_3 {strides = array<i32>} : memref<16x128xf32, #tpu.memory_space<vmem>>, vector<16xf32>,
    %swap3A_2197 = arith.constant 12 : i32
    %swap3A_2198 = arith.index_cast %swap3A_2197 : i32 to index
    %swap3A_2199 = arith.constant 112 : index
    %swap3A_2200 = tpu.vector_load %arg19[%swap3A_2198, %swap3A_2199] {strides = array<i32>} : memref<16x128xf32, #tpu.memory_space<vmem>>, vector<16xf32>,
    tpu.vector_store %arg19[%swap3A_2198, %swap3A_2199], %broadcast_in_dim3A_3 {strides = array<i32>} : memref<16x128xf32, #tpu.memory_space<vmem>>, vector<16xf32>,
    %swap3A_2201 = arith.constant 13 : i32
    %swap3A_2202 = arith.index_cast %swap3A_2201 : i32 to index
    %swap3A_2203 = arith.constant 112 : index
    %swap3A_2204 = tpu.vector_load %arg19[%swap3A_2202, %swap3A_2203] {strides = array<i32>} : memref<16x128xf32, #tpu.memory_space<vmem>>, vector<16xf32>,
    tpu.vector_store %arg19[%swap3A_2202, %swap3A_2203], %broadcast_in_dim3A_3 {strides = array<i32>} : memref<16x128xf32, #tpu.memory_space<vmem>>, vector<16xf32>,
    %swap3A_2205 = arith.constant 14 : i32
    %swap3A_2206 = arith.index_cast %swap3A_2205 : i32 to index
    %swap3A_2207 = arith.constant 112 : index
    %swap3A_2208 = tpu.vector_load %arg19[%swap3A_2206, %swap3A_2207] {strides = array<i32>} : memref<16x128xf32, #tpu.memory_space<vmem>>, vector<16xf32>,
    tpu.vector_store %arg19[%swap3A_2206, %swap3A_2207], %broadcast_in_dim3A_3 {strides = array<i32>} : memref<16x128xf32, #tpu.memory_space<vmem>>, vector<16xf32>,
    %swap3A_2209 = arith.constant 15 : i32
    %swap3A_2210 = arith.index_cast %swap3A_2209 : i32 to index
    %swap3A_2211 = arith.constant 112 : index
    %swap3A_2212 = tpu.vector_load %arg19[%swap3A_2210, %swap3A_2211] {strides = array<i32>} : memref<16x128xf32, #tpu.memory_space<vmem>>, vector<16xf32>,
    tpu.vector_store %arg19[%swap3A_2210, %swap3A_2211], %broadcast_in_dim3A_3 {strides = array<i32>} : memref<16x128xf32, #tpu.memory_space<vmem>>, vector<16xf32>,
    %jit3A = arith.constant 2048 : i32
    %div3A_2213 = arith.divsi %mul3A_2, %jit3A : i32
    %sign3A = arith.constant 0 : i32
    %sign3A_2214 = arith.cmpi sgt, %mul3A_2, %sign3A : i32
    %sign3A_2215 = arith.extui %sign3A_2214 : i1 to i32
    %sign3A_2216 = arith.constant 0 : i32
    %sign3A_2217 = arith.cmpi slt, %mul3A_2, %sign3A_2216 : i32
    %sign3A_2218 = arith.extui %sign3A_2217 : i1 to i32
    %sign3A_2219 = arith.subi %sign3A_2215, %sign3A_2218 : i32
    %sign3A_2220 = arith.constant 0 : i32
    %sign3A_2221 = arith.cmpi sgt, %jit3A, %sign3A_2220 : i32
    %sign3A_2222 = arith.extui %sign3A_2221 : i1 to i32
    %sign3A_2223 = arith.constant 0 : i32
    %sign3A_2224 = arith.cmpi slt, %jit3A, %sign3A_2223 : i32
    %sign3A_2225 = arith.extui %sign3A_2224 : i1 to i32
    %sign3A_2226 = arith.subi %sign3A_2222, %sign3A_2225 : i32
    %ne3A = arith.cmpi ne, %sign3A_2219, %sign3A_2226 : i32
    %rem3A = arith.remsi %mul3A_2, %jit3A : i32
    %ne3A_2227 = arith.constant 0 : i32
    %ne3A_2228 = arith.cmpi ne, %rem3A, %ne3A_2227 : i32
    %and3A = arith.andi %ne3A, %ne3A_2228 : i1
    %sub3A_2229 = arith.constant 1 : i32
    %sub3A_2230 = arith.subi %div3A_2213, %sub3A_2229 : i32
    %select_n3A_2231 = arith.select %and3A, %sub3A_2230, %div3A_2213 : i32
    %jit3A_2232 = arith.constant 2048 : i32
    %eq3A_2233 = arith.constant 0 : i32
    %eq3A_2234 = arith.cmpi eq, %jit3A_2232, %eq3A_2233 : i32
    %jit3A_2235 = arith.constant 1 : i32
    %select_n3A_2236 = arith.select %eq3A_2234, %jit3A_2235, %jit3A_2232 : i32
    %rem3A_2237 = arith.remsi %mul3A_2, %select_n3A_2236 : i32
    %ne3A_2238 = arith.constant 0 : i32
    %ne3A_2239 = arith.cmpi ne, %rem3A_2237, %ne3A_2238 : i32
    %lt3A = arith.constant 0 : i32
    %lt3A_2240 = arith.cmpi slt, %rem3A_2237, %lt3A : i32
    %lt3A_2241 = arith.constant 0 : i32
    %lt3A_2242 = arith.cmpi slt, %select_n3A_2236, %lt3A_2241 : i32
    %ne3A_2243 = arith.xori %lt3A_2240, %lt3A_2242 : i1
    %and3A_2244 = arith.andi %ne3A_2243, %ne3A_2239 : i1
    %add3A_2245 = arith.addi %rem3A_2237, %select_n3A_2236 : i32
    %select_n3A_2246 = arith.select %and3A_2244, %add3A_2245, %rem3A_2237 : i32
    %mul3A_2247 = arith.constant 6144 : i32
    %mul3A_2248 = arith.muli %select_n3A_2231, %mul3A_2247 : i32
    %add3A_2249 = arith.addi %mul3A_2248, %select_n3A_2246 : i32
    "tpu.region"() ({
      %run_scoped3A = tpu.sem_alloc : memref<!tpu.dma_semaphore, #tpu.memory_space<semaphore_mem>>
      %dma_start3A = arith.constant 0 : i32
      %dma_start3A_2254 = tpu.memref_slice %arg8[%dma_start3A, %add3A_2249] : memref<8x12288xf32, #tpu.memory_space<hbm>> -> memref<8x128xf32, #tpu.memory_space<hbm>>
      %dma_start3A_2255 = arith.constant 0 : i32
      %dma_start3A_2256 = tpu.memref_slice %arg8[%dma_start3A_2255, %add3A_2249] : memref<8x12288xf32, #tpu.memory_space<hbm>> -> memref<8x128xf32, #tpu.memory_space<hbm>>
      tpu.enqueue_dma source(%arg16 : memref<8x128xf32, #tpu.memory_space<vmem>>) target(%dma_start3A_2256 : memref<8x128xf32, #tpu.memory_space<hbm>>) target_semaphore(%run_scoped3A : memref<!tpu.dma_semaphore, #tpu.memory_space<semaphore_mem>>)
      %dma_wait3A = arith.constant 0 : i32
      %dma_wait3A_2257 = tpu.memref_slice %arg8[%dma_wait3A, %add3A_2249] : memref<8x12288xf32, #tpu.memory_space<hbm>> -> memref<8x128xf32, #tpu.memory_space<hbm>>
      %dma_wait3A_2258 = arith.constant 0 : i32
      %dma_wait3A_2259 = tpu.memref_slice %arg8[%dma_wait3A_2258, %add3A_2249] : memref<8x12288xf32, #tpu.memory_space<hbm>> -> memref<8x128xf32, #tpu.memory_space<hbm>>
      tpu.wait_dma2 semaphore(%run_scoped3A : memref<!tpu.dma_semaphore, #tpu.memory_space<semaphore_mem>>) src(%arg16 : memref<8x128xf32, #tpu.memory_space<vmem>>) dst(%dma_wait3A_2259 : memref<8x128xf32, #tpu.memory_space<hbm>>)
      tpu.yield
    }) : () -> ()
    %add3A_2250 = arith.constant 2048 : i32
    %add3A_2251 = arith.addi %add3A_2249, %add3A_2250 : i32
    "tpu.region"() ({
      %run_scoped3A = tpu.sem_alloc : memref<!tpu.dma_semaphore, #tpu.memory_space<semaphore_mem>>
      %dma_start3A = arith.constant 0 : i32
      %dma_start3A_2254 = tpu.memref_slice %arg8[%dma_start3A, %add3A_2251] : memref<8x12288xf32, #tpu.memory_space<hbm>> -> memref<8x128xf32, #tpu.memory_space<hbm>>
      %dma_start3A_2255 = arith.constant 0 : i32
      %dma_start3A_2256 = tpu.memref_slice %arg8[%dma_start3A_2255, %add3A_2251] : memref<8x12288xf32, #tpu.memory_space<hbm>> -> memref<8x128xf32, #tpu.memory_space<hbm>>
      tpu.enqueue_dma source(%arg17 : memref<8x128xf32, #tpu.memory_space<vmem>>) target(%dma_start3A_2256 : memref<8x128xf32, #tpu.memory_space<hbm>>) target_semaphore(%run_scoped3A : memref<!tpu.dma_semaphore, #tpu.memory_space<semaphore_mem>>)
      %dma_wait3A = arith.constant 0 : i32
      %dma_wait3A_2257 = tpu.memref_slice %arg8[%dma_wait3A, %add3A_2251] : memref<8x12288xf32, #tpu.memory_space<hbm>> -> memref<8x128xf32, #tpu.memory_space<hbm>>
      %dma_wait3A_2258 = arith.constant 0 : i32
      %dma_wait3A_2259 = tpu.memref_slice %arg8[%dma_wait3A_2258, %add3A_2251] : memref<8x12288xf32, #tpu.memory_space<hbm>> -> memref<8x128xf32, #tpu.memory_space<hbm>>
      tpu.wait_dma2 semaphore(%run_scoped3A : memref<!tpu.dma_semaphore, #tpu.memory_space<semaphore_mem>>) src(%arg17 : memref<8x128xf32, #tpu.memory_space<vmem>>) dst(%dma_wait3A_2259 : memref<8x128xf32, #tpu.memory_space<hbm>>)
      tpu.yield
    }) : () -> ()
    %add3A_2252 = arith.constant 4096 : i32
    %add3A_2253 = arith.addi %add3A_2249, %add3A_2252 : i32
    "tpu.region"() ({
      %run_scoped3A = tpu.sem_alloc : memref<!tpu.dma_semaphore, #tpu.memory_space<semaphore_mem>>
      %dma_start3A = arith.constant 0 : i32
      %dma_start3A_2254 = tpu.memref_slice %arg8[%dma_start3A, %add3A_2253] : memref<8x12288xf32, #tpu.memory_space<hbm>> -> memref<8x128xf32, #tpu.memory_space<hbm>>
      %dma_start3A_2255 = arith.constant 0 : i32
      %dma_start3A_2256 = tpu.memref_slice %arg8[%dma_start3A_2255, %add3A_2253] : memref<8x12288xf32, #tpu.memory_space<hbm>> -> memref<8x128xf32, #tpu.memory_space<hbm>>
      tpu.enqueue_dma source(%arg18 : memref<8x128xf32, #tpu.memory_space<vmem>>) target(%dma_start3A_2256 : memref<8x128xf32, #tpu.memory_space<hbm>>) target_semaphore(%run_scoped3A : memref<!tpu.dma_semaphore, #tpu.memory_space<semaphore_mem>>)
      %dma_wait3A = arith.constant 0 : i32
      %dma_wait3A_2257 = tpu.memref_slice %arg8[%dma_wait3A, %add3A_2253] : memref<8x12288xf32, #tpu.memory_space<hbm>> -> memref<8x128xf32, #tpu.memory_space<hbm>>
      %dma_wait3A_2258 = arith.constant 0 : i32
      %dma_wait3A_2259 = tpu.memref_slice %arg8[%dma_wait3A_2258, %add3A_2253] : memref<8x12288xf32, #tpu.memory_space<hbm>> -> memref<8x128xf32, #tpu.memory_space<hbm>>
      tpu.wait_dma2 semaphore(%run_scoped3A : memref<!tpu.dma_semaphore, #tpu.memory_space<semaphore_mem>>) src(%arg18 : memref<8x128xf32, #tpu.memory_space<vmem>>) dst(%dma_wait3A_2259 : memref<8x128xf32, #tpu.memory_space<hbm>>)
      tpu.yield
    }) : () -> ()
    "tpu.region"() ({
      %run_scoped3A = tpu.sem_alloc : memref<!tpu.dma_semaphore, #tpu.memory_space<semaphore_mem>>
      %dma_start3A = arith.constant 0 : i32
      %dma_start3A_2254 = tpu.memref_slice %arg9[%dma_start3A, %mul3A_2] : memref<16x4096xf32, #tpu.memory_space<hbm>> -> memref<16x128xf32, #tpu.memory_space<hbm>>
      %dma_start3A_2255 = arith.constant 0 : i32
      %dma_start3A_2256 = tpu.memref_slice %arg9[%dma_start3A_2255, %mul3A_2] : memref<16x4096xf32, #tpu.memory_space<hbm>> -> memref<16x128xf32, #tpu.memory_space<hbm>>
      tpu.enqueue_dma source(%arg19 : memref<16x128xf32, #tpu.memory_space<vmem>>) target(%dma_start3A_2256 : memref<16x128xf32, #tpu.memory_space<hbm>>) target_semaphore(%run_scoped3A : memref<!tpu.dma_semaphore, #tpu.memory_space<semaphore_mem>>)
      %dma_wait3A = arith.constant 0 : i32
      %dma_wait3A_2257 = tpu.memref_slice %arg9[%dma_wait3A, %mul3A_2] : memref<16x4096xf32, #tpu.memory_space<hbm>> -> memref<16x128xf32, #tpu.memory_space<hbm>>
      %dma_wait3A_2258 = arith.constant 0 : i32
      %dma_wait3A_2259 = tpu.memref_slice %arg9[%dma_wait3A_2258, %mul3A_2] : memref<16x4096xf32, #tpu.memory_space<hbm>> -> memref<16x128xf32, #tpu.memory_space<hbm>>
      tpu.wait_dma2 semaphore(%run_scoped3A : memref<!tpu.dma_semaphore, #tpu.memory_space<semaphore_mem>>) src(%arg19 : memref<16x128xf32, #tpu.memory_space<vmem>>) dst(%dma_wait3A_2259 : memref<16x128xf32, #tpu.memory_space<hbm>>)
      tpu.yield
    }) : () -> ()
    return
  }
}

</mosaic_0001>

<sc_bundles>
// kernel: _face_setup.3.cloned.1.call-start
scs
__scs_entry_jumppad:
0x0: {  	(pc) =	sbr.rel $0x88, $3  }
0x1: {  	(tag) =	ssettag $0x0;
	lr =	simm.s32 $0x1  }
0x2: {  	[smem:$0x3F9B] =	sst lr;
	_ =	strace $0xD0000000  }
0x3: {  	_ = 	snop  }
0x4: {  	_ = 	snop  }
0x5: {  	_ = 	snop  }
0x6: {  	_ = 	snop  }
0x7: {  	_ = 	snop  }
__scs_overlays_trampoline_lowered:
0x8: {  	[smem:$0x3FAA] =	sst s0  }
0x9: {  	[smem:$0x3FAB] =	sst s1  }
0xa: {  	[smem:$0x3FAC] =	sst s2  }
0xb: {  	[smem:$0x3FAD] =	sst s3  }
0xc: {  	[smem:$0x3FAE] =	sst s4  }
0xd: {  	[smem:$0x3FAF] =	sst s5  }
0xe: {  	[smem:$0x3FB0] =	sst s6  }
0xf: {  	[smem:$0x3FB1] =	sst s7  }
0x10: {  	[smem:$0x3FB2] =	sst s8  }
0x11: {  	[smem:$0x3FB3] =	sst s9;
	s0 =	simm.s32 @!p0 $0x0  }
0x12: {  	s1 =	sld [smem:$0x3F99];
	s0 =	simm.s32 @p0 $0x1  }
0x13: {  	[smem:$0x3FB4] =	sst s0;
	s0 =	simm.s32 @!p1 $0x0  }
0x14: {  	s2 =	sld [smem:$0x3F98];
	s0 =	simm.s32 @p1 $0x1  }
0x15: {  	[smem:$0x3FB5] =	sst s0;
	s0 =	simm.s32 @!p2 $0x0  }
0x16: {  	s3 =	sld [smem:$0x3FDB];
	s0 =	simm.s32 @p2 $0x1  }
0x17: {  	s4 =	simm.s32 $0x1BF5;
	[smem:$0x3FB7] =	sst s0  }
0x18: {  	s0 =	sld [smem:$0x3F9A];
	_ =	swait.ge [sflag:s4], $0x0  }
0x19: {  	s7 =	sld [smem:$0x3F9B]  }
0x1a: {  	s8 =	sadd.s32 $0xFFFFE003, lr  }
0x1b: {  	s9 =	sadd.s32 $0xFFFFFEF7, lr;
	s5 =	simm.s32 $0xFFFFFFFF;
	p2 =	slt.u32 s8, $0xFFFFF086  }
0x1c: {  	p1 =	slt.u32 s9, $0xF7A;
	s5 =	simm.s32 @!p2 $0x0  }
0x1d: {  	s5 =	simm.s32 @p1 $0x1;
	p0 =	seq.s32 s7, s2  }
0x1e: {  	s7 =	smul.u32 @!p0 $0xF7A, s2;
	p2 =	seq.s32 @!p0 s5, $0x0  }
0x1f: {  	s9 =	smul.u32 $0xF7A, s1;
	s8 =	simm.s32 @!p0 $0x1BF5;
	p2 =	por !p2, p0  }
0x20: {  	[sflag:s8] =	ssyncset.s32 @!p0 $0xFFFFF086;
	s6 =	sadd.s32 @!p0 s3, s7;
	s7 =	simm.s32 @!p0 $0x108  }
0x21: {  	s3 =	sadd.s32 s3, s9;
	s6 =	sadd.s32 @!p0 $0x88, s6;
	s7 =	simm.s32 @p2 $0x1082  }
0x22: {  	[simem:s7], [sflag:s8] =	dma.local @!p0 [hbm:s6], $0xF7A  }
0x23: {  	s9 =	sor.u32 $0xD0000000, s2;
	s6 =	simm.s32 $0x108;
	_ =	swait.ge @!p0 [sflag:s8], $0x0  }
0x24: {  	s3 =	sadd.s32 $0x88, s3;
	s6 =	simm.s32 @!p1 $0x1082;
	[sflag:s4] =	ssyncset.s32 $0xFFFFF086  }
0x25: {  	[simem:s6], [sflag:s4] =	dma.local [hbm:s3], $0xF7A  }
0x26: {  	[smem:$0x3F9B] =	sst s1;
	(tag) =	ssettag s2;
	_ =	strace s9  }
0x27: {  	s1 =	sld [smem:$0x3FAB]  }
0x28: {  	s2 =	sld [smem:$0x3FAC]  }
0x29: {  	s4 =	sld [smem:$0x3FAE]  }
0x2a: {  	p0 =	seq.s32 s5, $0x0;
	s5 =	sld [smem:$0x3FAF]  }
0x2b: {  	s6 =	sld [smem:$0x3FB0]  }
0x2c: {  	s7 =	sld [smem:$0x3FB1]  }
0x2d: {  	s3 =	simm.s32 $0x108;
	s8 =	sld [smem:$0x3FB2]  }
0x2e: {  	s3 =	simm.s32 @!p0 $0x1082;
	s9 =	sld [smem:$0x3FB3]  }
0x2f: {  	lr =	sadd.s32 s0, s3;
	s0 =	sld [smem:$0x3FAA]  }
0x30: {  	s3 =	sld [smem:$0x3FAD]  }
0x31: {  	[smem:$0x3FB6] =	sst s10  }
0x32: {  	s10 =	sld [smem:$0x3FB4];
	_ =	sdelay $0x3  }
0x33: {  	p0 =	seq.s32 s10, $0x1;
	s10 =	sld [smem:$0x3FB6];
	_ =	sdelay $0x3  }
0x34: {  	[smem:$0x3FB6] =	sst s10  }
0x35: {  	s10 =	sld [smem:$0x3FB5];
	_ =	sdelay $0x3  }
0x36: {  	p1 =	seq.s32 s10, $0x1;
	s10 =	sld [smem:$0x3FB6];
	_ =	sdelay $0x3  }
0x37: {  	[smem:$0x3FB6] =	sst s10  }
0x38: {  	s10 =	sld [smem:$0x3FB7]  }
0x39: {  	_ = 	snop;
	(pc) =	sbr.ind lr, $3  }
0x3a: {  	_ = 	snop  }
0x3b: {  	_ = 	snop  }
0x3c: {  	p2 =	seq.s32 s10, $0x1;
	s10 =	sld [smem:$0x3FB6]  }
0x3d: {  	_ =	shalt  }
0x3e: {  	_ =	shalt  }
0x3f: {  	_ =	shalt  }
0x40: {  	_ =	shalt  }
0x41: {  	_ =	shalt  }
0x42: {  	_ =	shalt  }
0x43: {  	_ =	shalt  }
0x44: {  	_ =	shalt  }
0x45: {  	_ =	shalt  }
0x46: {  	_ =	shalt  }
0x47: {  	_ =	shalt  }
0x48: {  	_ =	shalt  }
0x49: {  	_ =	shalt  }
0x4a: {  	_ =	shalt  }
0x4b: {  	_ =	shalt  }
0x4c: {  	_ =	shalt  }
0x4d: {  	_ =	shalt  }
0x4e: {  	_ =	shalt  }
0x4f: {  	_ =	shalt  }
0x50: {  	_ =	shalt  }
0x51: {  	_ =	shalt  }
0x52: {  	_ =	shalt  }
0x53: {  	_ =	shalt  }
0x54: {  	_ =	shalt  }
0x55: {  	_ =	shalt  }
0x56: {  	_ =	shalt  }
0x57: {  	_ =	shalt  }
0x58: {  	_ =	shalt  }
0x59: {  	_ =	shalt  }
0x5a: {  	_ =	shalt  }
0x5b: {  	_ =	shalt  }
0x5c: {  	_ =	shalt  }
0x5d: {  	_ =	shalt  }
0x5e: {  	_ =	shalt  }
0x5f: {  	_ =	shalt  }
0x60: {  	_ =	shalt  }
0x61: {  	_ =	shalt  }
0x62: {  	_ =	shalt  }
0x63: {  	_ =	shalt  }
0x64: {  	_ =	shalt  }
0x65: {  	_ =	shalt  }
0x66: {  	_ =	shalt  }
0x67: {  	_ =	shalt  }
0x68: {  	_ =	shalt  }
0x69: {  	_ =	shalt  }
0x6a: {  	_ =	shalt  }
0x6b: {  	_ =	shalt  }
0x6c: {  	_ =	shalt  }
0x6d: {  	_ =	shalt  }
0x6e: {  	_ =	shalt  }
0x6f: {  	_ =	shalt  }
0x70: {  	_ =	shalt  }
0x71: {  	_ =	shalt  }
0x72: {  	_ =	shalt  }
0x73: {  	_ =	shalt  }
0x74: {  	_ =	shalt  }
0x75: {  	_ =	shalt  }
0x76: {  	_ =	shalt  }
0x77: {  	_ =	shalt  }
0x78: {  	_ =	shalt  }
0x79: {  	_ =	shalt  }
0x7a: {  	_ =	shalt  }
0x7b: {  	_ =	shalt  }
0x7c: {  	_ =	shalt  }
0x7d: {  	_ =	shalt  }
0x7e: {  	_ =	shalt  }
0x7f: {  	_ =	shalt  }
0x80: {  	_ =	shalt  }
0x81: {  	_ =	shalt  }
0x82: {  	_ =	shalt  }
0x83: {  	_ =	shalt  }
0x84: {  	_ =	shalt  }
0x85: {  	_ =	shalt  }
0x86: {  	_ =	shalt  }
0x87: {  	_ =	shalt  }
.Lfunc_end0:
.L_simem_size_0:
called_computation_lowered:
.L_overlay_start_0:
0x88: {  	s2 =	sld [smem:$0x3FD9]  }
0x89: {  	s3 =	sld [smem:$0x3FFE];
	_ =	sdelay $0x1  }
0x8a: {  	s1 =	srdreg.scid  }
0x8b: {  	s0 =	sand.u32 $0x1, s1  }
0x8c: {  	s15 =	sshll.u32 s0, $0xA;
	s2 =	sadd.s32 s3, s2  }
0x8d: {  	s2 =	sadd.s32 s2, s15  }
0x8e: {  	[smem:$0x3FC2] =	sst s2  }
0x8f: {  	_ = 	snop  }
0x90: {  	s2 =	sld [smem:$0x3FC9]  }
0x91: {  	s16 =	sld [smem:$0x3FC8]  }
0x92: {  	s4 =	sld [smem:$0x3FC7]  }
0x93: {  	s5 =	sld [smem:$0x3FD0]  }
0x94: {  	s6 =	sld [smem:$0x3FC6]  }
0x95: {  	s7 =	sld [smem:$0x3FC5]  }
0x96: {  	s9 =	simm.s32 $0xA;
	s10 =	simm.s32 $0x10;
	s8 =	sld [smem:$0x3FC4]  }
0x97: {  	[smem:s10], [sflag:s9] =	dma.local [hbm:s5], $0x1  }
0x98: {  	_ =	swait.eq [sflag:s9], $0x1  }
0x99: {  	[sflag:s9] =	ssyncset.done $0x0  }
0x9a: {  	s17 =	sld [smem:$0x10];
	[sflag:s9] =	ssyncadd.s32 $0xFFFFFFFF  }
0x9b: {  	s18 =	sld [smem:$0x11];
	(tm) =	ssettm $0x1  }
0x9c: {  	s19 =	sld [smem:$0x3FFB];
	_ =	sdelay $0x3  }
0x9d: {  	_ =	strace s19  }
0x9e: {  	s10 =	sld [smem:$0x3FFC];
	_ =	sdelay $0x3  }
0x9f: {  	_ =	strace s10  }
0xa0: {  	s10 =	sld [smem:$0x3FFD];
	_ =	sdelay $0x3  }
0xa1: {  	_ =	strace s10  }
0xa2: {  	_ =	strace $0x8FFFFFFF  }
0xa3: {  	s20 =	sld [smem:$0x3FDB];
	_ =	sdelay $0x1  }
0xa4: {  	s11 =	simm.s32 $_scs_section_size  }
0xa5: {  	s12 =	simm.s32 $_size__tile_overlayer_lowered;
	s13 =	simm.s32 $_tile_overlayer_lowered  }
0xa6: {  	s23 =	simm.s32 $0x1BFF;
	s22 =	sshll.u32 s13, $0x1;
	s10 =	sadd.s32 s11, s20  }
0xa7: {  	s14 =	simm.s32 $0x0;
	s21 =	sshll.u32 s12, $0x1;
	s12 =	sadd.s32 s22, s10  }
0xa8: {  	[timem:s14], [sflag:s23] =	dma.local [hbm:s12], s21  }
0xa9: {  	_ =	swait.ge [sflag:s23], s21  }
0xaa: {  	s11 =	ssub.s32 $0x0, s21;
	[sflag:s23] =	ssyncset.done $0x0  }
0xab: {  	[sflag:s23] =	ssyncadd.s32 s11;
	_ =	sdelay $0x1  }
0xac: {  	s24 =	simm.s32 $0x1B8B  }
0xad: {  	_ =	swait.ge [sflag:s24], $0x1  }
0xae: {  	[sflag:s24] =	ssyncset.done $0x0  }
0xaf: {  	s25 =	simm.s32 $0x1B8E;
	[sflag:s24] =	ssyncadd.s32 $0xFFFFFFFF  }
0xb0: {  	s26 =	simm.s32 $execute0_lowered;
	[smem:$0x3FD2] =	sst s25  }
0xb1: {  	s11 =	sshll.u32 s26, $0x1;
	_ =	strace $0x80000046;
	[dreg:$0x1] =	wrdreg $0xFFFFFFFF  }
0xb2: {  	s28 =	simm.s32 $_size_execute0_lowered;
	s10 =	sadd.s32 s10, s11;
	[dreg:$0x0] =	wrdreg $0x0  }
0xb3: {  	s11 =	sshll.u32 s28, $0x1;
	[dreg:$0x2] =	wrdreg s10  }
0xb4: {  	[dreg:$0x3] =	wrdreg s11  }
0xb5: {  	[dreg:$0x4] =	wrdreg $0xC0  }
0xb6: {  	_ =	task [dreg:s14], $0x5FFFF  }
0xb7: {  	[dreg:$0x1] =	wrdreg $0xFFFFFFFF  }
0xb8: {  	[dreg:$0x0] =	wrdreg $0x60  }
0xb9: {  	[dreg:$0x2] =	wrdreg s2  }
0xba: {  	[dreg:$0x3] =	wrdreg s16  }
0xbb: {  	[dreg:$0x4] =	wrdreg s4  }
0xbc: {  	[dreg:$0x5] =	wrdreg s6  }
0xbd: {  	[dreg:$0x6] =	wrdreg s7  }
0xbe: {  	[dreg:$0x7] =	wrdreg s8  }
0xbf: {  	[dreg:$0x8] =	wrdreg s17  }
0xc0: {  	[dreg:$0x9] =	wrdreg s18  }
0xc1: {  	[dreg:$0xa] =	wrdreg $0x9  }
0xc2: {  	_ =	task.clear_ibuf [dreg:s14], $0xBFFFF;
	_ =	strace $0x90000046  }
0xc3: {  	s29 =	simm.s32 $0x9;
	_ =	strace $0x80000048  }
0xc4: {  	_ =	swait.ge [sflag:s29], $0x1  }
0xc5: {  	[sflag:s29] =	ssyncadd.s32 $0xFFFFFFFF  }
0xc6: {  	_ =	strace $0x90000048  }
0xc7: {  	_ =	sfence  }
0xc8: {  	s30 =	sld [smem:$0x0];
	_ =	sdelay $0x2  }
0xc9: {  	s31 =	sshll.u32 s1, $0xD;
	s1 =	sshrl.u32 s1, $0x2  }
0xca: {  	s3 =	sand.u32 $0x4000, s31;
	s1 =	sadd.s32 s1, s30  }
0xcb: {  	s0 =	sor.u32 s3, s0;
	s1 =	sshll.u32 s1, $0x11  }
0xcc: {  	s0 =	sor.u32 s1, s0  }
0xcd: {  	s0 =	sadd.s32 $0x8F2B, s0  }
0xce: {  	[sflag:s0] =	ssyncadd.remote.s32 $0x1  }
0xcf: {  	_ =	sfence.sel $0xFFFF  }
0xd0: {  	[dreg:$0x0] =	wrdreg $0xFFFFFFFF;
	(pc) =	sbr.abs _section_cstart, $3  }
0xd1: {  	[dreg:$0x1] =	wrdreg $0xFFFFFFFF  }
0xd2: {  	_ =	task.clear_ibuf [dreg:s14], $0x2FFFF;
	_ =	strace $0x9FFFFFFF  }
0xd3: {  	(tm) =	ssettm $0x7FFFFFFF  }
tec
execute0_lowered:
.L_overlay_start_1:
0x0: {  	(tag) =	ssettag $0x1  }
0x1: {  	s0 =	rddreg [dreg:$0x0]  }
0x2: {  	s1 =	rddreg [dreg:$0x1]  }
0x3: {  	s3 =	rddreg [dreg:$0x2]  }
0x4: {  	s6 =	rddreg [dreg:$0x3]  }
0x5: {  	s8 =	rddreg [dreg:$0x4]  }
0x6: {  	s9 =	rddreg [dreg:$0x5]  }
0x7: {  	s7 =	rddreg [dreg:$0x6]  }
0x8: {  	s12 =	rddreg [dreg:$0x7]  }
0x9: {  	s2 =	rddreg [dreg:$0x8];
	s10 =	srdreg.scid  }
0xa: {  	s5 =	simm.s32 $0x0;
	s4 =	stileid.u32;
	s17 =	simm.s32 $0x6000  }
0xb: {  	s18 =	simm.s32 $0x6080;
	s19 =	simm.s32 $0x6100;
	s20 =	simm.s32 $0x6180  }
0xc: {  	s21 =	simm.s32 $0x6580;
	s22 =	simm.s32 $0x6980;
	s23 =	simm.s32 $0x400  }
0xd: {  	s24 =	simm.s32 $0x8000;
	s25 =	simm.s32 $0x6D80;
	s10 =	sand.u32 $0x1, s10  }
0xe: {  	s11 =	sshll.u32 s4, $0x8;
	s14 =	sshrl.u32 s4, $0x3;
	[smem:$0x7FF] =	sst s5  }
0xf: {  	s13 =	sshll.u32 s10, $0x7;
	s29 =	smul.u32 $0x1800, s14;
	_ =	strace $0x80000047  }
0x10: {  	s10 =	ssub.s32 $0x2, s10;
	s14 =	simm.s32 $0x1;
	s13 =	sor.u32 s13, s11  }
0x11: {  	s15 =	sshrl.u32 s10, $0x1;
	s30 =	sand.u32 $0x780, s13;
	s16 =	sshrl.u32 s13, $0x3  }
0x12: {  	s31 =	ssub.s32 s10, s15;
	s12 =	sadd.s32 s12, s13;
	s15 =	simm.s32 $0x2000  }
0x13: {  	s11 =	sor.u32 s29, s30;
	s6 =	sadd.s32 s6, s16;
	s8 =	sadd.s32 s8, s16  }
0x14: {  	s9 =	sadd.s32 s9, s16;
	s13 =	smax.u32 s31, $0x1;
	s7 =	sadd.s32 s7, s11  }
0x15: {  	v0 =	vimm.f32 $0.0e+00;
	v1 =	vimm.f32 $1.000000000e+00;
	v2 =	vimm.f32 $1.000000020e+30;
	s16 =	simm.s32 $0x4000;
	s10 =	sadd.s32 $0x800, s7;
	s11 =	sadd.s32 $0x1000, s7  }
.LBB2_1:
0x16: {  	[tilespmem:s5], [sflag:$0x1] =	stream.linear.gather [hbm4b:s0+s5], $0x2000, $0x38;
	[tilespmem:$0x7580] =	vst v63  }
0x17: {  	_ =	swait.ge [sflag:s14], $0x2000  }
0x18: {  	[sflag:s14] =	ssyncset.done $0x0  }
0x19: {  	[sflag:s14] =	ssyncadd.s32 $0xFFFFE000  }
0x1a: {  	[tilespmem:s15], [sflag:$0x1] =	stream.linear.gather [hbm4b:s1+s5], $0x2000, $0x38;
	[tilespmem:$0x7580] =	vst v63  }
0x1b: {  	_ =	swait.ge [sflag:s14], $0x2000  }
0x1c: {  	[sflag:s14] =	ssyncset.done $0x0  }
0x1d: {  	[sflag:s14] =	ssyncadd.s32 $0xFFFFE000  }
0x1e: {  	[tilespmem:s16], [sflag:$0x1] =	stream.linear.gather [hbm4b:s3+s5], $0x2000, $0x38;
	[tilespmem:$0x7580] =	vst v63  }
0x1f: {  	_ =	swait.ge [sflag:s14], $0x2000  }
0x20: {  	[sflag:s14] =	ssyncset.done $0x0  }
0x21: {  	[sflag:s14] =	ssyncadd.s32 $0xFFFFE000  }
0x22: {  	[tilespmem:s17], [sflag:$0x1] =	stream.linear.gather [hbm4b:s6+s5], $0x80, $0x38;
	[tilespmem:$0x7580] =	vst v63  }
0x23: {  	_ =	swait.ge [sflag:s14], $0x80  }
0x24: {  	[sflag:s14] =	ssyncset.done $0x0  }
0x25: {  	[sflag:s14] =	ssyncadd.s32 $0xFFFFFF80  }
0x26: {  	[tilespmem:s18], [sflag:$0x1] =	stream.linear.gather [hbm4b:s8+s5], $0x80, $0x38;
	[tilespmem:$0x7580] =	vst v63  }
0x27: {  	_ =	swait.ge [sflag:s14], $0x80  }
0x28: {  	[sflag:s14] =	ssyncset.done $0x0  }
0x29: {  	[sflag:s14] =	ssyncadd.s32 $0xFFFFFF80  }
0x2a: {  	[tilespmem:s19], [sflag:$0x1] =	stream.linear.gather [hbm4b:s9+s5], $0x80, $0x38;
	[tilespmem:$0x7580] =	vst v63  }
0x2b: {  	_ =	swait.ge [sflag:s14], $0x80  }
0x2c: {  	[sflag:s14] =	ssyncset.done $0x0  }
0x2d: {  	[sflag:s14] =	ssyncadd.s32 $0xFFFFFF80  }
0x2e: {  	v3 =	vld [tilespmem:$0x6000];
	_ =	sdelay $0x2  }
0x2f: {  	v4 =	vld [tilespmem:$0x6080];
	_ =	sdelay $0x2  }
0x30: {  	v5 =	vld [tilespmem:$0x6100];
	_ =	sdelay $0x1  }
0x31: {  	v6 =	vld.idx.msk [tilespmem:v3+s5+$0x0], $0xffff  }
0x32: {  	v7 =	vld.idx.msk [tilespmem:v3+s15+$0x0], $0xffff  }
0x33: {  	v3 =	vld.idx.msk [tilespmem:v3+s16+$0x0], $0xffff  }
0x34: {  	v8 =	vld.idx.msk [tilespmem:v4+s5+$0x0], $0xffff  }
0x35: {  	v9 =	vld.idx.msk [tilespmem:v4+s15+$0x0], $0xffff  }
0x36: {  	v4 =	vld.idx.msk [tilespmem:v4+s16+$0x0], $0xffff  }
0x37: {  	v10 =	vld.idx.msk [tilespmem:v5+s5+$0x0], $0xffff  }
0x38: {  	v11 =	vld.idx.msk [tilespmem:v5+s15+$0x0], $0xffff  }
0x39: {  	v5 =	vld.idx.msk [tilespmem:v5+s16+$0x0], $0xffff;
	[tilespmem:$0x6300] =	vst v0  }
0x3a: {  	[tilespmem:$0x6700] =	vst v0  }
0x3b: {  	[tilespmem:$0x6B00] =	vst v1;
	v12 =	vsub.f32 v8, v6  }
0x3c: {  	[tilespmem:$0x6400] =	vst v0;
	v13 =	vsub.f32 v9, v7;
	v14 =	vsub.f32 v4, v3  }
0x3d: {  	[tilespmem:$0x6480] =	vst v0;
	v15 =	vsub.f32 v10, v6;
	v50 =	vmul.f32 v6, v6;
	v51 =	vmul.f32 v7, v7  }
0x3e: {  	[tilespmem:$0x6500] =	vst v0;
	v16 =	vsub.f32 v11, v7;
	v52 =	vmul.f32 v3, v3;
	v17 =	vmul.f32 v12, v6  }
0x3f: {  	[tilespmem:$0x6800] =	vst v0;
	v19 =	vsub.f32 v5, v3;
	v18 =	vmul.f32 v13, v7;
	v20 =	vmul.f32 v14, v3  }
0x40: {  	[tilespmem:$0x6880] =	vst v0;
	v43 =	vmul.f32 v15, v6;
	v21 =	vmul.f32 v16, v7  }
0x41: {  	[tilespmem:$0x6900] =	vst v0;
	v44 =	vmul.f32 v19, v3;
	v45 =	vmul.f32 v19, v13  }
0x42: {  	[tilespmem:$0x6C00] =	vst v0;
	v46 =	vmul.f32 v16, v14;
	v47 =	vmul.f32 v15, v14  }
0x43: {  	[tilespmem:$0x6C80] =	vst v0;
	v48 =	vmul.f32 v19, v12;
	v22 =	vmul.f32 v16, v12  }
0x44: {  	[tilespmem:$0x6D00] =	vst v0;
	v8 =	vsub.f32 v10, v8;
	v23 =	vmul.f32 v15, v13;
	v24 =	vmul.f32 v12, v12  }
0x45: {  	[tilespmem:$0x7300] =	vst v0;
	v9 =	vsub.f32 v11, v9;
	v53 =	vmul.f32 v13, v13;
	v54 =	vmul.f32 v14, v14  }
0x46: {  	[tilespmem:$0x7380] =	vst v0;
	v4 =	vsub.f32 v5, v4;
	v55 =	vmul.f32 v15, v15;
	v6 =	vmul.f32 $-2.000000000e+00, v6  }
0x47: {  	[tilespmem:$0x7400] =	vst v0;
	v5 =	vadd.f32 v51, v50;
	v56 =	vmul.f32 v16, v16;
	v7 =	vmul.f32 $-2.000000000e+00, v7  }
0x48: {  	[tilespmem:$0x7480] =	vst v0;
	v57 =	vmul.f32 v19, v19;
	v3 =	vmul.f32 $-2.000000000e+00, v3;
	v17 =	vadd.f32 v18, v17  }
0x49: {  	[tilespmem:$0x7500] =	vst v0;
	v8 =	vmul.f32 v8, v8;
	v18 =	vadd.f32 v21, v43;
	v10 =	vsub.f32 v45, v46  }
0x4a: {  	[tilespmem:$0x6180] =	vst v12;
	v9 =	vmul.f32 v9, v9;
	v11 =	vsub.f32 v47, v48;
	v22 =	vsub.f32 v22, v23  }
0x4b: {  	[tilespmem:$0x6200] =	vst v13;
	v4 =	vmul.f32 v4, v4;
	v5 =	vadd.f32 v52, v5;
	v58 =	vadd.f32 v53, v24  }
0x4c: {  	[tilespmem:$0x6280] =	vst v14;
	v59 =	vadd.f32 v56, v55;
	v60 =	vadd.f32 v9, v8;
	v21 =	vmul.f32 v15, v12  }
0x4d: {  	[tilespmem:$0x6580] =	vst v15;
	v23 =	vmul.f32 v19, v14;
	v17 =	vadd.f32 v20, v17;
	v18 =	vadd.f32 v44, v18  }
0x4e: {  	[tilespmem:$0x6A80] =	vst v3;
	v10 =	vmul.f32 v10, v10;
	v11 =	vmul.f32 v11, v11;
	v3 =	vadd.f32 v54, v58  }
0x4f: {  	[tilespmem:$0x6A00] =	vst v7;
	v7 =	vadd.f32 v57, v59;
	v62 =	vmul.f32 v22, v22;
	v4 =	vadd.f32 v4, v60  }
0x50: {  	[tilespmem:$0x6600] =	vst v16;
	v22 =	vmul.f32 v16, v13;
	v17 =	vsub.f32 $0.0e+00, v17;
	v61 =	vadd.f32 v11, v10  }
0x51: {  	[tilespmem:$0x6680] =	vst v19;
	v49 =	vsub.f32 $0.0e+00, v18;
	vm0 =	veq.f32 v3, $0.0e+00;
	vm13 =	veq.f32 v7, $0.0e+00  }
0x52: {  	[tilespmem:$0x6980] =	vst v6;
	vm14 =	veq.f32 v4, $0.0e+00;
	v11 =	vsel vm0, $0x3F800000, v3;
	v63 =	vadd.f32 v61, v62  }
0x53: {  	v6 =	vadd.f32 v22, v21;
	[tilespmem:$0x6380] =	vst v17;
	(erf) = vrcp.f32 v11;
	v17 =	vsel vm13, $0x3F800000, v7  }
0x54: {  	[tilespmem:$0x6B80] =	vst v5;
	v18 =	vsel vm14, $0x3F800000, v4;
	(erf) = vrcp.f32 v17;
	vm15 =	veq.f32 v63, $0.0e+00  }
0x55: {  	[tilespmem:$0x6D80] =	vst v3;
	v25 =	vadd.f32 v23, v6;
	(erf) = vrcp.f32 v18;
	v20 =	vsel vm15, $0x3F800000, v63  }
0x56: {  	[tilespmem:$0x6E00] =	vst v7;
	v7 =	vmul.f32 v7, v3;
	(erf) = vrcp.f32 v20  }
0x57: {  	[tilespmem:$0x6E80] =	vst v4;
	v3 =	vsub.f32 v3, v25  }
0x58: {  	[tilespmem:$0x6780] =	vst v49;
	v7 =	vmul.f32 $9.999999970e-07, v7  }
0x59: {  	[tilespmem:$0x7100] =	vst v3;
	v3 =	vld [tilespmem:$0x6010]  }
0x5a: {  	[tilespmem:$0x7200] =	vst v63;
	vm4 =	vgt.f32 v63, v7  }
0x5b: {  	[tilespmem:$0x7280] =	vst v25;
	v29 =	vsel vm4, $0x0, v2  }
0x5c: {  	v30 =	vld [tilespmem:$0x6090];
	[tilespmem:$0x7180] =	vst v29;
	v24 =	vpop (erf)  }
0x5d: {  	v26 =	vpop (erf);
	[tilespmem:$0x6F00] =	vst v24  }
0x5e: {  	v27 =	vpop (erf);
	[tilespmem:$0x6F80] =	vst v26  }
0x5f: {  	v31 =	vld [tilespmem:$0x6110];
	[tilespmem:$0x7000] =	vst v27;
	v28 =	vpop (erf)  }
0x60: {  	[tilespmem:$0x7080] =	vst v28  }
0x61: {  	v6 =	vld.idx.msk [tilespmem:v3+s5+$0x0], $0xffff  }
0x62: {  	v32 =	vld.idx.msk [tilespmem:v3+s15+$0x0], $0xffff  }
0x63: {  	v3 =	vld.idx.msk [tilespmem:v3+s16+$0x0], $0xffff  }
0x64: {  	v8 =	vld.idx.msk [tilespmem:v30+s5+$0x0], $0xffff  }
0x65: {  	v9 =	vld.idx.msk [tilespmem:v30+s15+$0x0], $0xffff  }
0x66: {  	v4 =	vld.idx.msk [tilespmem:v30+s16+$0x0], $0xffff  }
0x67: {  	v33 =	vld.idx.msk [tilespmem:v31+s5+$0x0], $0xffff  }
0x68: {  	v34 =	vld.idx.msk [tilespmem:v31+s15+$0x0], $0xffff  }
0x69: {  	v5 =	vld.idx.msk [tilespmem:v31+s16+$0x0], $0xffff;
	[tilespmem:$0x6310] =	vst v0  }
0x6a: {  	[tilespmem:$0x6710] =	vst v0  }
0x6b: {  	[tilespmem:$0x6B10] =	vst v1;
	v35 =	vsub.f32 v8, v6  }
0x6c: {  	[tilespmem:$0x6410] =	vst v0;
	v36 =	vsub.f32 v9, v32;
	v37 =	vsub.f32 v4, v3;
	v54 =	vmul.f32 v6, v6  }
0x6d: {  	[tilespmem:$0x6490] =	vst v0;
	v38 =	vsub.f32 v33, v6;
	v55 =	vmul.f32 v32, v32;
	v56 =	vmul.f32 v3, v3  }
0x6e: {  	[tilespmem:$0x6510] =	vst v0;
	v39 =	vsub.f32 v34, v32;
	v7 =	vmul.f32 $-2.000000000e+00, v32;
	v40 =	vmul.f32 v35, v6  }
0x6f: {  	[tilespmem:$0x6810] =	vst v0;
	v42 =	vsub.f32 v5, v3;
	v41 =	vmul.f32 v36, v32;
	v43 =	vmul.f32 v37, v3  }
0x70: {  	[tilespmem:$0x6890] =	vst v0;
	v44 =	vmul.f32 v38, v6;
	v45 =	vmul.f32 v39, v32  }
0x71: {  	[tilespmem:$0x6910] =	vst v0;
	v46 =	vmul.f32 v42, v3;
	v47 =	vmul.f32 v42, v36  }
0x72: {  	[tilespmem:$0x6C10] =	vst v0;
	v48 =	vmul.f32 v39, v37;
	v49 =	vmul.f32 v38, v37  }
0x73: {  	[tilespmem:$0x6C90] =	vst v0;
	v50 =	vmul.f32 v42, v35;
	v51 =	vmul.f32 v39, v35  }
0x74: {  	[tilespmem:$0x6D10] =	vst v0;
	v8 =	vsub.f32 v33, v8;
	v52 =	vmul.f32 v38, v36;
	v57 =	vmul.f32 v35, v35  }
0x75: {  	[tilespmem:$0x7310] =	vst v0;
	v9 =	vsub.f32 v34, v9;
	v58 =	vmul.f32 v36, v36;
	v59 =	vmul.f32 v37, v37  }
0x76: {  	[tilespmem:$0x7390] =	vst v0;
	v4 =	vsub.f32 v5, v4;
	v60 =	vmul.f32 v38, v38;
	v6 =	vmul.f32 $-2.000000000e+00, v6  }
0x77: {  	[tilespmem:$0x7410] =	vst v0;
	v5 =	vadd.f32 v55, v54;
	v61 =	vmul.f32 v39, v39;
	v62 =	vmul.f32 v42, v42  }
0x78: {  	[tilespmem:$0x7490] =	vst v0;
	v3 =	vmul.f32 $-2.000000000e+00, v3;
	v8 =	vmul.f32 v8, v8;
	v17 =	vadd.f32 v41, v40  }
0x79: {  	[tilespmem:$0x7510] =	vst v0;
	v9 =	vmul.f32 v9, v9;
	v4 =	vmul.f32 v4, v4;
	v18 =	vadd.f32 v45, v44  }
0x7a: {  	[tilespmem:$0x6190] =	vst v35;
	v27 =	vmul.f32 v38, v35;
	v10 =	vsub.f32 v47, v48;
	v17 =	vadd.f32 v43, v17  }
0x7b: {  	[tilespmem:$0x6210] =	vst v36;
	v28 =	vmul.f32 v39, v36;
	v11 =	vsub.f32 v49, v50;
	v22 =	vsub.f32 v51, v52  }
0x7c: {  	[tilespmem:$0x6290] =	vst v37;
	v29 =	vmul.f32 v42, v37;
	v63 =	vadd.f32 v58, v57;
	v17 =	vsub.f32 $0.0e+00, v17  }
0x7d: {  	v5 =	vadd.f32 v56, v5;
	[tilespmem:$0x6A90] =	vst v3;
	v18 =	vadd.f32 v46, v18;
	v10 =	vmul.f32 v10, v10  }
0x7e: {  	v11 =	vmul.f32 v11, v11;
	v3 =	vadd.f32 v59, v63;
	[tilespmem:$0x6390] =	vst v17;
	v17 =	vadd.f32 v61, v60  }
0x7f: {  	[tilespmem:$0x6590] =	vst v38;
	v21 =	vmul.f32 v22, v22;
	v53 =	vsub.f32 $0.0e+00, v18;
	v18 =	vadd.f32 v9, v8  }
0x80: {  	[tilespmem:$0x6A10] =	vst v7;
	v20 =	vadd.f32 v11, v10;
	vm5 =	veq.f32 v3, $0.0e+00;
	v7 =	vadd.f32 v62, v17  }
0x81: {  	[tilespmem:$0x6990] =	vst v6;
	v6 =	vadd.f32 v28, v27;
	v23 =	vsel vm5, $0x3F800000, v3;
	v4 =	vadd.f32 v4, v18  }
0x82: {  	[tilespmem:$0x6610] =	vst v39;
	v22 =	vadd.f32 v20, v21;
	(erf) = vrcp.f32 v23;
	vm6 =	veq.f32 v7, $0.0e+00  }
0x83: {  	[tilespmem:$0x6690] =	vst v42;
	v31 =	vadd.f32 v29, v6;
	vm7 =	veq.f32 v4, $0.0e+00;
	v24 =	vsel vm6, $0x3F800000, v7  }
0x84: {  	[tilespmem:$0x6B90] =	vst v5;
	vm8 =	veq.f32 v22, $0.0e+00;
	v25 =	vsel vm7, $0x3F800000, v4;
	(erf) = vrcp.f32 v24  }
0x85: {  	[tilespmem:$0x6D90] =	vst v3;
	v26 =	vsel vm8, $0x3F800000, v22;
	(erf) = vrcp.f32 v25  }
0x86: {  	[tilespmem:$0x7290] =	vst v31;
	(erf) = vrcp.f32 v26  }
0x87: {  	[tilespmem:$0x6E10] =	vst v7;
	v7 =	vmul.f32 v7, v3;
	v3 =	vsub.f32 v3, v31  }
0x88: {  	[tilespmem:$0x6790] =	vst v53  }
0x89: {  	v7 =	vmul.f32 $9.999999970e-07, v7;
	[tilespmem:$0x7110] =	vst v3;
	v3 =	vld [tilespmem:$0x6020]  }
0x8a: {  	[tilespmem:$0x6E90] =	vst v4  }
0x8b: {  	[tilespmem:$0x7210] =	vst v22;
	v30 =	vpop (erf);
	vm9 =	vgt.f32 v22, v7  }
0x8c: {  	v36 =	vld [tilespmem:$0x60A0];
	[tilespmem:$0x6F10] =	vst v30;
	v35 =	vsel vm9, $0x0, v2  }
0x8d: {  	[tilespmem:$0x7190] =	vst v35;
	v32 =	vpop (erf)  }
0x8e: {  	v33 =	vpop (erf);
	[tilespmem:$0x6F90] =	vst v32  }
0x8f: {  	v37 =	vld [tilespmem:$0x6120];
	v34 =	vpop (erf);
	[tilespmem:$0x7010] =	vst v33  }
0x90: {  	[tilespmem:$0x7090] =	vst v34  }
0x91: {  	v6 =	vld.idx.msk [tilespmem:v3+s5+$0x0], $0xffff  }
0x92: {  	v38 =	vld.idx.msk [tilespmem:v3+s15+$0x0], $0xffff  }
0x93: {  	v3 =	vld.idx.msk [tilespmem:v3+s16+$0x0], $0xffff  }
0x94: {  	v8 =	vld.idx.msk [tilespmem:v36+s5+$0x0], $0xffff  }
0x95: {  	v9 =	vld.idx.msk [tilespmem:v36+s15+$0x0], $0xffff  }
0x96: {  	v4 =	vld.idx.msk [tilespmem:v36+s16+$0x0], $0xffff  }
0x97: {  	v39 =	vld.idx.msk [tilespmem:v37+s5+$0x0], $0xffff  }
0x98: {  	v40 =	vld.idx.msk [tilespmem:v37+s15+$0x0], $0xffff  }
0x99: {  	v5 =	vld.idx.msk [tilespmem:v37+s16+$0x0], $0xffff;
	[tilespmem:$0x6320] =	vst v0  }
0x9a: {  	[tilespmem:$0x6720] =	vst v0  }
0x9b: {  	[tilespmem:$0x6B20] =	vst v1  }
0x9c: {  	[tilespmem:$0x6420] =	vst v0;
	v41 =	vsub.f32 v8, v6  }
0x9d: {  	[tilespmem:$0x64A0] =	vst v0;
	v42 =	vsub.f32 v9, v38;
	v43 =	vsub.f32 v4, v3;
	v60 =	vmul.f32 v6, v6  }
0x9e: {  	[tilespmem:$0x6520] =	vst v0;
	v44 =	vsub.f32 v39, v6;
	v61 =	vmul.f32 v38, v38;
	v62 =	vmul.f32 v3, v3  }
0x9f: {  	[tilespmem:$0x6820] =	vst v0;
	v45 =	vsub.f32 v40, v38;
	v7 =	vmul.f32 $-2.000000000e+00, v38;
	v46 =	vmul.f32 v41, v6  }
0xa0: {  	[tilespmem:$0x68A0] =	vst v0;
	v48 =	vsub.f32 v5, v3;
	v47 =	vmul.f32 v42, v38;
	v49 =	vmul.f32 v43, v3  }
0xa1: {  	[tilespmem:$0x6920] =	vst v0;
	v50 =	vmul.f32 v44, v6;
	v51 =	vmul.f32 v45, v38  }
0xa2: {  	[tilespmem:$0x6C20] =	vst v0;
	v52 =	vmul.f32 v48, v3;
	v53 =	vmul.f32 v48, v42  }
0xa3: {  	[tilespmem:$0x6CA0] =	vst v0;
	v54 =	vmul.f32 v45, v43;
	v55 =	vmul.f32 v44, v43  }
0xa4: {  	[tilespmem:$0x6D20] =	vst v0;
	v56 =	vmul.f32 v48, v41;
	v57 =	vmul.f32 v45, v41  }
0xa5: {  	[tilespmem:$0x7320] =	vst v0;
	v8 =	vsub.f32 v39, v8;
	v58 =	vmul.f32 v44, v42;
	v63 =	vmul.f32 v41, v41  }
0xa6: {  	[tilespmem:$0x73A0] =	vst v0;
	v9 =	vsub.f32 v40, v9;
	v25 =	vmul.f32 v42, v42;
	v26 =	vmul.f32 v43, v43  }
0xa7: {  	[tilespmem:$0x7420] =	vst v0;
	v4 =	vsub.f32 v5, v4;
	v27 =	vmul.f32 v44, v44;
	v6 =	vmul.f32 $-2.000000000e+00, v6  }
0xa8: {  	[tilespmem:$0x74A0] =	vst v0;
	v5 =	vadd.f32 v61, v60;
	v28 =	vmul.f32 v45, v45;
	v29 =	vmul.f32 v48, v48  }
0xa9: {  	[tilespmem:$0x7520] =	vst v0;
	v3 =	vmul.f32 $-2.000000000e+00, v3;
	v8 =	vmul.f32 v8, v8;
	v17 =	vadd.f32 v47, v46  }
0xaa: {  	[tilespmem:$0x61A0] =	vst v41;
	v9 =	vmul.f32 v9, v9;
	v18 =	vadd.f32 v51, v50;
	v10 =	vsub.f32 v53, v54  }
0xab: {  	[tilespmem:$0x6220] =	vst v42;
	v40 =	vmul.f32 v44, v41;
	v11 =	vsub.f32 v55, v56;
	v22 =	vsub.f32 v57, v58  }
0xac: {  	[tilespmem:$0x62A0] =	vst v43;
	v41 =	vmul.f32 v45, v42;
	v5 =	vadd.f32 v62, v5;
	v30 =	vadd.f32 v25, v63  }
0xad: {  	[tilespmem:$0x65A0] =	vst v44;
	v4 =	vmul.f32 v4, v4;
	v31 =	vadd.f32 v28, v27;
	v32 =	vadd.f32 v9, v8  }
0xae: {  	[tilespmem:$0x69A0] =	vst v6;
	v6 =	vadd.f32 v41, v40;
	v10 =	vmul.f32 v10, v10;
	v11 =	vmul.f32 v11, v11  }
0xaf: {  	v42 =	vmul.f32 v48, v43;
	[tilespmem:$0x6AA0] =	vst v3;
	v17 =	vadd.f32 v49, v17;
	v3 =	vadd.f32 v26, v30  }
0xb0: {  	[tilespmem:$0x6A20] =	vst v7;
	v7 =	vadd.f32 v29, v31;
	v34 =	vmul.f32 v22, v22;
	v33 =	vadd.f32 v11, v10  }
0xb1: {  	[tilespmem:$0x6620] =	vst v45;
	v18 =	vadd.f32 v52, v18;
	v4 =	vadd.f32 v4, v32;
	vm10 =	veq.f32 v3, $0.0e+00  }
0xb2: {  	[tilespmem:$0x66A0] =	vst v48;
	vm11 =	veq.f32 v7, $0.0e+00;
	v36 =	vsel vm10, $0x3F800000, v3;
	v35 =	vadd.f32 v33, v34  }
0xb3: {  	[tilespmem:$0x6BA0] =	vst v5;
	vm12 =	veq.f32 v4, $0.0e+00;
	v37 =	vsel vm11, $0x3F800000, v7;
	(erf) = vrcp.f32 v36  }
0xb4: {  	[tilespmem:$0x6DA0] =	vst v3;
	v38 =	vsel vm12, $0x3F800000, v4;
	(erf) = vrcp.f32 v37;
	vm13 =	veq.f32 v35, $0.0e+00  }
0xb5: {  	v44 =	vadd.f32 v42, v6;
	[tilespmem:$0x6E20] =	vst v7;
	(erf) = vrcp.f32 v38;
	v39 =	vsel vm13, $0x3F800000, v35  }
0xb6: {  	v17 =	vsub.f32 $0.0e+00, v17;
	[tilespmem:$0x6EA0] =	vst v4;
	v7 =	vmul.f32 v7, v3;
	(erf) = vrcp.f32 v39  }
0xb7: {  	[tilespmem:$0x72A0] =	vst v44;
	v3 =	vsub.f32 v3, v44  }
0xb8: {  	v59 =	vsub.f32 $0.0e+00, v18;
	[tilespmem:$0x63A0] =	vst v17;
	v7 =	vmul.f32 $9.999999970e-07, v7  }
0xb9: {  	[tilespmem:$0x7120] =	vst v3;
	v3 =	vld [tilespmem:$0x6030]  }
0xba: {  	[tilespmem:$0x67A0] =	vst v59;
	vm14 =	vgt.f32 v35, v7  }
0xbb: {  	[tilespmem:$0x7220] =	vst v35;
	v48 =	vsel vm14, $0x0, v2  }
0xbc: {  	v49 =	vld [tilespmem:$0x60B0];
	[tilespmem:$0x71A0] =	vst v48;
	v43 =	vpop (erf)  }
0xbd: {  	v45 =	vpop (erf);
	[tilespmem:$0x6F20] =	vst v43  }
0xbe: {  	v46 =	vpop (erf);
	[tilespmem:$0x6FA0] =	vst v45  }
0xbf: {  	v50 =	vld [tilespmem:$0x6130];
	[tilespmem:$0x7020] =	vst v46;
	v47 =	vpop (erf)  }
0xc0: {  	[tilespmem:$0x70A0] =	vst v47  }
0xc1: {  	v6 =	vld.idx.msk [tilespmem:v3+s5+$0x0], $0xffff  }
0xc2: {  	v51 =	vld.idx.msk [tilespmem:v3+s15+$0x0], $0xffff  }
0xc3: {  	v3 =	vld.idx.msk [tilespmem:v3+s16+$0x0], $0xffff  }
0xc4: {  	v8 =	vld.idx.msk [tilespmem:v49+s5+$0x0], $0xffff  }
0xc5: {  	v9 =	vld.idx.msk [tilespmem:v49+s15+$0x0], $0xffff  }
0xc6: {  	v4 =	vld.idx.msk [tilespmem:v49+s16+$0x0], $0xffff  }
0xc7: {  	v52 =	vld.idx.msk [tilespmem:v50+s5+$0x0], $0xffff  }
0xc8: {  	v53 =	vld.idx.msk [tilespmem:v50+s15+$0x0], $0xffff  }
0xc9: {  	v5 =	vld.idx.msk [tilespmem:v50+s16+$0x0], $0xffff;
	[tilespmem:$0x6330] =	vst v0  }
0xca: {  	[tilespmem:$0x6730] =	vst v0  }
0xcb: {  	[tilespmem:$0x6B30] =	vst v1  }
0xcc: {  	[tilespmem:$0x6430] =	vst v0;
	v54 =	vsub.f32 v8, v6  }
0xcd: {  	[tilespmem:$0x64B0] =	vst v0;
	v55 =	vsub.f32 v9, v51;
	v56 =	vsub.f32 v4, v3;
	v33 =	vmul.f32 v6, v6  }
0xce: {  	[tilespmem:$0x6530] =	vst v0;
	v57 =	vsub.f32 v52, v6;
	v34 =	vmul.f32 v51, v51;
	v35 =	vmul.f32 v3, v3  }
0xcf: {  	[tilespmem:$0x6830] =	vst v0;
	v58 =	vsub.f32 v53, v51;
	v7 =	vmul.f32 $-2.000000000e+00, v51;
	v59 =	vmul.f32 v54, v6  }
0xd0: {  	[tilespmem:$0x68B0] =	vst v0;
	v61 =	vsub.f32 v5, v3;
	v60 =	vmul.f32 v55, v51;
	v62 =	vmul.f32 v56, v3  }
0xd1: {  	[tilespmem:$0x6930] =	vst v0;
	v63 =	vmul.f32 v57, v6;
	v24 =	vmul.f32 v58, v51  }
0xd2: {  	[tilespmem:$0x6C30] =	vst v0;
	v25 =	vmul.f32 v61, v3;
	v26 =	vmul.f32 v61, v55  }
0xd3: {  	[tilespmem:$0x6CB0] =	vst v0;
	v27 =	vmul.f32 v58, v56;
	v28 =	vmul.f32 v57, v56  }
0xd4: {  	[tilespmem:$0x6D30] =	vst v0;
	v29 =	vmul.f32 v61, v54;
	v30 =	vmul.f32 v58, v54  }
0xd5: {  	[tilespmem:$0x7330] =	vst v0;
	v8 =	vsub.f32 v52, v8;
	v31 =	vmul.f32 v57, v55;
	v36 =	vmul.f32 v54, v54  }
0xd6: {  	[tilespmem:$0x73B0] =	vst v0;
	v9 =	vsub.f32 v53, v9;
	v37 =	vmul.f32 v55, v55;
	v38 =	vmul.f32 v56, v56  }
0xd7: {  	[tilespmem:$0x7430] =	vst v0;
	v4 =	vsub.f32 v5, v4;
	v39 =	vmul.f32 v57, v57;
	v6 =	vmul.f32 $-2.000000000e+00, v6  }
0xd8: {  	[tilespmem:$0x74B0] =	vst v0;
	v5 =	vadd.f32 v34, v33;
	v40 =	vmul.f32 v58, v58;
	v41 =	vmul.f32 v61, v61  }
0xd9: {  	[tilespmem:$0x7530] =	vst v0;
	v3 =	vmul.f32 $-2.000000000e+00, v3;
	v8 =	vmul.f32 v8, v8;
	v17 =	vadd.f32 v60, v59  }
0xda: {  	[tilespmem:$0x61B0] =	vst v54;
	v9 =	vmul.f32 v9, v9;
	v18 =	vadd.f32 v24, v63;
	v10 =	vsub.f32 v26, v27  }
0xdb: {  	[tilespmem:$0x6230] =	vst v55;
	v52 =	vmul.f32 v57, v54;
	v11 =	vsub.f32 v28, v29;
	v22 =	vsub.f32 v30, v31  }
0xdc: {  	[tilespmem:$0x62B0] =	vst v56;
	v53 =	vmul.f32 v58, v55;
	v5 =	vadd.f32 v35, v5;
	v42 =	vadd.f32 v37, v36  }
0xdd: {  	[tilespmem:$0x65B0] =	vst v57;
	v4 =	vmul.f32 v4, v4;
	v43 =	vadd.f32 v40, v39;
	v44 =	vadd.f32 v9, v8  }
0xde: {  	[tilespmem:$0x69B0] =	vst v6;
	v6 =	vadd.f32 v53, v52;
	v10 =	vmul.f32 v10, v10;
	v11 =	vmul.f32 v11, v11  }
0xdf: {  	v54 =	vmul.f32 v61, v56;
	[tilespmem:$0x6AB0] =	vst v3;
	v17 =	vadd.f32 v62, v17;
	v3 =	vadd.f32 v38, v42  }
0xe0: {  	[tilespmem:$0x6A30] =	vst v7;
	v7 =	vadd.f32 v41, v43;
	v46 =	vmul.f32 v22, v22;
	v45 =	vadd.f32 v11, v10  }
0xe1: {  	[tilespmem:$0x6630] =	vst v58;
	v18 =	vadd.f32 v25, v18;
	v4 =	vadd.f32 v4, v44;
	vm15 =	veq.f32 v3, $0.0e+00  }
0xe2: {  	[tilespmem:$0x66B0] =	vst v61;
	vm4 =	veq.f32 v7, $0.0e+00;
	v48 =	vsel vm15, $0x3F800000, v3;
	v47 =	vadd.f32 v45, v46  }
0xe3: {  	[tilespmem:$0x6BB0] =	vst v5;
	vm5 =	veq.f32 v4, $0.0e+00;
	v49 =	vsel vm4, $0x3F800000, v7;
	(erf) = vrcp.f32 v48  }
0xe4: {  	[tilespmem:$0x6DB0] =	vst v3;
	v50 =	vsel vm5, $0x3F800000, v4;
	(erf) = vrcp.f32 v49;
	vm6 =	veq.f32 v47, $0.0e+00  }
0xe5: {  	v56 =	vadd.f32 v54, v6;
	[tilespmem:$0x6E30] =	vst v7;
	(erf) = vrcp.f32 v50;
	v51 =	vsel vm6, $0x3F800000, v47  }
0xe6: {  	v17 =	vsub.f32 $0.0e+00, v17;
	[tilespmem:$0x6EB0] =	vst v4;
	v7 =	vmul.f32 v7, v3;
	(erf) = vrcp.f32 v51  }
0xe7: {  	[tilespmem:$0x72B0] =	vst v56;
	v3 =	vsub.f32 v3, v56  }
0xe8: {  	v32 =	vsub.f32 $0.0e+00, v18;
	[tilespmem:$0x63B0] =	vst v17;
	v7 =	vmul.f32 $9.999999970e-07, v7  }
0xe9: {  	[tilespmem:$0x7130] =	vst v3;
	v3 =	vld [tilespmem:$0x6040]  }
0xea: {  	[tilespmem:$0x67B0] =	vst v32;
	vm7 =	vgt.f32 v47, v7  }
0xeb: {  	[tilespmem:$0x7230] =	vst v47;
	v60 =	vsel vm7, $0x0, v2  }
0xec: {  	v61 =	vld [tilespmem:$0x60C0];
	[tilespmem:$0x71B0] =	vst v60;
	v55 =	vpop (erf)  }
0xed: {  	v57 =	vpop (erf);
	[tilespmem:$0x6F30] =	vst v55  }
0xee: {  	v58 =	vpop (erf);
	[tilespmem:$0x6FB0] =	vst v57  }
0xef: {  	v62 =	vld [tilespmem:$0x6140];
	[tilespmem:$0x7030] =	vst v58;
	v59 =	vpop (erf)  }
0xf0: {  	[tilespmem:$0x70B0] =	vst v59  }
0xf1: {  	v6 =	vld.idx.msk [tilespmem:v3+s5+$0x0], $0xffff  }
0xf2: {  	v63 =	vld.idx.msk [tilespmem:v3+s15+$0x0], $0xffff  }
0xf3: {  	v3 =	vld.idx.msk [tilespmem:v3+s16+$0x0], $0xffff  }
0xf4: {  	v8 =	vld.idx.msk [tilespmem:v61+s5+$0x0], $0xffff  }
0xf5: {  	v9 =	vld.idx.msk [tilespmem:v61+s15+$0x0], $0xffff  }
0xf6: {  	v4 =	vld.idx.msk [tilespmem:v61+s16+$0x0], $0xffff  }
0xf7: {  	v28 =	vld.idx.msk [tilespmem:v62+s5+$0x0], $0xffff  }
0xf8: {  	v29 =	vld.idx.msk [tilespmem:v62+s15+$0x0], $0xffff  }
0xf9: {  	v5 =	vld.idx.msk [tilespmem:v62+s16+$0x0], $0xffff;
	[tilespmem:$0x6340] =	vst v0  }
0xfa: {  	[tilespmem:$0x6740] =	vst v0  }
0xfb: {  	[tilespmem:$0x6B40] =	vst v1;
	v30 =	vsub.f32 v8, v6  }
0xfc: {  	[tilespmem:$0x6440] =	vst v0;
	v31 =	vsub.f32 v9, v63;
	v32 =	vsub.f32 v4, v3  }
0xfd: {  	[tilespmem:$0x64C0] =	vst v0;
	v33 =	vsub.f32 v28, v6;
	v49 =	vmul.f32 v6, v6;
	v50 =	vmul.f32 v63, v63  }
0xfe: {  	[tilespmem:$0x6540] =	vst v0;
	v34 =	vsub.f32 v29, v63;
	v51 =	vmul.f32 v3, v3;
	v7 =	vmul.f32 $-2.000000000e+00, v63  }
0xff: {  	[tilespmem:$0x6840] =	vst v0;
	v37 =	vsub.f32 v5, v3;
	v35 =	vmul.f32 v30, v6;
	v36 =	vmul.f32 v31, v63  }
0x100: {  	[tilespmem:$0x68C0] =	vst v0;
	v38 =	vmul.f32 v32, v3;
	v39 =	vmul.f32 v33, v6  }
0x101: {  	[tilespmem:$0x6940] =	vst v0;
	v40 =	vmul.f32 v34, v63;
	v41 =	vmul.f32 v37, v3  }
0x102: {  	[tilespmem:$0x6C40] =	vst v0;
	v42 =	vmul.f32 v37, v31;
	v43 =	vmul.f32 v34, v32  }
0x103: {  	[tilespmem:$0x6CC0] =	vst v0;
	v44 =	vmul.f32 v33, v32;
	v45 =	vmul.f32 v37, v30  }
0x104: {  	[tilespmem:$0x6D40] =	vst v0;
	v8 =	vsub.f32 v28, v8;
	v46 =	vmul.f32 v34, v30;
	v47 =	vmul.f32 v33, v31  }
0x105: {  	[tilespmem:$0x7340] =	vst v0;
	v9 =	vsub.f32 v29, v9;
	v52 =	vmul.f32 v30, v30;
	v53 =	vmul.f32 v31, v31  }
0x106: {  	[tilespmem:$0x73C0] =	vst v0;
	v4 =	vsub.f32 v5, v4;
	v54 =	vmul.f32 v32, v32;
	v55 =	vmul.f32 v33, v33  }
0x107: {  	[tilespmem:$0x7440] =	vst v0;
	v5 =	vadd.f32 v50, v49;
	v6 =	vmul.f32 $-2.000000000e+00, v6;
	v56 =	vmul.f32 v34, v34  }
0x108: {  	[tilespmem:$0x74C0] =	vst v0;
	v57 =	vmul.f32 v37, v37;
	v3 =	vmul.f32 $-2.000000000e+00, v3;
	v17 =	vadd.f32 v36, v35  }
0x109: {  	[tilespmem:$0x7540] =	vst v0;
	v8 =	vmul.f32 v8, v8;
	v18 =	vadd.f32 v40, v39;
	v10 =	vsub.f32 v42, v43  }
0x10a: {  	[tilespmem:$0x61C0] =	vst v30;
	v9 =	vmul.f32 v9, v9;
	v11 =	vsub.f32 v44, v45;
	v22 =	vsub.f32 v46, v47  }
0x10b: {  	[tilespmem:$0x6240] =	vst v31;
	v4 =	vmul.f32 v4, v4;
	v5 =	vadd.f32 v51, v5;
	v58 =	vadd.f32 v53, v52  }
0x10c: {  	[tilespmem:$0x62C0] =	vst v32;
	v23 =	vmul.f32 v34, v31;
	v59 =	vadd.f32 v56, v55;
	v60 =	vadd.f32 v9, v8  }
0x10d: {  	[tilespmem:$0x65C0] =	vst v33;
	v24 =	vmul.f32 v37, v32;
	v17 =	vadd.f32 v38, v17;
	v18 =	vadd.f32 v41, v18  }
0x10e: {  	[tilespmem:$0x6AC0] =	vst v3;
	v10 =	vmul.f32 v10, v10;
	v11 =	vmul.f32 v11, v11;
	v3 =	vadd.f32 v54, v58  }
0x10f: {  	[tilespmem:$0x6A40] =	vst v7;
	v7 =	vadd.f32 v57, v59;
	v62 =	vmul.f32 v22, v22;
	v4 =	vadd.f32 v4, v60  }
0x110: {  	[tilespmem:$0x6640] =	vst v34;
	v22 =	vmul.f32 v33, v30;
	v17 =	vsub.f32 $0.0e+00, v17;
	v61 =	vadd.f32 v11, v10  }
0x111: {  	[tilespmem:$0x66C0] =	vst v37;
	v48 =	vsub.f32 $0.0e+00, v18;
	vm8 =	veq.f32 v3, $0.0e+00;
	vm9 =	veq.f32 v7, $0.0e+00  }
0x112: {  	vm10 =	veq.f32 v4, $0.0e+00;
	[tilespmem:$0x63C0] =	vst v17;
	v63 =	vadd.f32 v61, v62;
	v17 =	vsel vm8, $0x3F800000, v3  }
0x113: {  	[tilespmem:$0x69C0] =	vst v6;
	v6 =	vadd.f32 v23, v22;
	v18 =	vsel vm9, $0x3F800000, v7;
	(erf) = vrcp.f32 v17  }
0x114: {  	[tilespmem:$0x6BC0] =	vst v5;
	v20 =	vsel vm10, $0x3F800000, v4;
	(erf) = vrcp.f32 v18;
	vm11 =	veq.f32 v63, $0.0e+00  }
0x115: {  	[tilespmem:$0x6DC0] =	vst v3;
	v26 =	vadd.f32 v24, v6;
	(erf) = vrcp.f32 v20;
	v21 =	vsel vm11, $0x3F800000, v63  }
0x116: {  	[tilespmem:$0x6E40] =	vst v7;
	v7 =	vmul.f32 v7, v3;
	(erf) = vrcp.f32 v21  }
0x117: {  	[tilespmem:$0x6EC0] =	vst v4;
	v3 =	vsub.f32 v3, v26  }
0x118: {  	[tilespmem:$0x67C0] =	vst v48;
	v7 =	vmul.f32 $9.999999970e-07, v7  }
0x119: {  	[tilespmem:$0x7140] =	vst v3;
	v3 =	vld [tilespmem:$0x6050]  }
0x11a: {  	[tilespmem:$0x7240] =	vst v63;
	vm12 =	vgt.f32 v63, v7  }
0x11b: {  	[tilespmem:$0x72C0] =	vst v26;
	v30 =	vsel vm12, $0x0, v2  }
0x11c: {  	v31 =	vld [tilespmem:$0x60D0];
	[tilespmem:$0x71C0] =	vst v30;
	v25 =	vpop (erf)  }
0x11d: {  	v27 =	vpop (erf);
	[tilespmem:$0x6F40] =	vst v25  }
0x11e: {  	v28 =	vpop (erf);
	[tilespmem:$0x6FC0] =	vst v27  }
0x11f: {  	v32 =	vld [tilespmem:$0x6150];
	v29 =	vpop (erf);
	[tilespmem:$0x7040] =	vst v28  }
0x120: {  	[tilespmem:$0x70C0] =	vst v29  }
0x121: {  	v6 =	vld.idx.msk [tilespmem:v3+s5+$0x0], $0xffff  }
0x122: {  	v33 =	vld.idx.msk [tilespmem:v3+s15+$0x0], $0xffff  }
0x123: {  	v3 =	vld.idx.msk [tilespmem:v3+s16+$0x0], $0xffff  }
0x124: {  	v8 =	vld.idx.msk [tilespmem:v31+s5+$0x0], $0xffff  }
0x125: {  	v9 =	vld.idx.msk [tilespmem:v31+s15+$0x0], $0xffff  }
0x126: {  	v4 =	vld.idx.msk [tilespmem:v31+s16+$0x0], $0xffff  }
0x127: {  	v34 =	vld.idx.msk [tilespmem:v32+s5+$0x0], $0xffff  }
0x128: {  	v35 =	vld.idx.msk [tilespmem:v32+s15+$0x0], $0xffff  }
0x129: {  	v5 =	vld.idx.msk [tilespmem:v32+s16+$0x0], $0xffff;
	[tilespmem:$0x6350] =	vst v0  }
0x12a: {  	[tilespmem:$0x6750] =	vst v0  }
0x12b: {  	[tilespmem:$0x6B50] =	vst v1;
	v36 =	vsub.f32 v8, v6  }
0x12c: {  	[tilespmem:$0x6450] =	vst v0;
	v37 =	vsub.f32 v9, v33;
	v38 =	vsub.f32 v4, v3  }
0x12d: {  	[tilespmem:$0x64D0] =	vst v0;
	v39 =	vsub.f32 v34, v6;
	v55 =	vmul.f32 v6, v6;
	v56 =	vmul.f32 v33, v33  }
0x12e: {  	[tilespmem:$0x6550] =	vst v0;
	v40 =	vsub.f32 v35, v33;
	v57 =	vmul.f32 v3, v3;
	v7 =	vmul.f32 $-2.000000000e+00, v33  }
0x12f: {  	[tilespmem:$0x6850] =	vst v0;
	v43 =	vsub.f32 v5, v3;
	v41 =	vmul.f32 v36, v6;
	v42 =	vmul.f32 v37, v33  }
0x130: {  	[tilespmem:$0x68D0] =	vst v0;
	v44 =	vmul.f32 v38, v3;
	v45 =	vmul.f32 v39, v6  }
0x131: {  	[tilespmem:$0x6950] =	vst v0;
	v46 =	vmul.f32 v40, v33;
	v47 =	vmul.f32 v43, v3  }
0x132: {  	[tilespmem:$0x6C50] =	vst v0;
	v48 =	vmul.f32 v43, v37;
	v49 =	vmul.f32 v40, v38  }
0x133: {  	[tilespmem:$0x6CD0] =	vst v0;
	v50 =	vmul.f32 v39, v38;
	v51 =	vmul.f32 v43, v36  }
0x134: {  	[tilespmem:$0x6D50] =	vst v0;
	v8 =	vsub.f32 v34, v8;
	v52 =	vmul.f32 v40, v36;
	v53 =	vmul.f32 v39, v37  }
0x135: {  	[tilespmem:$0x7350] =	vst v0;
	v9 =	vsub.f32 v35, v9;
	v58 =	vmul.f32 v36, v36;
	v59 =	vmul.f32 v37, v37  }
0x136: {  	[tilespmem:$0x73D0] =	vst v0;
	v4 =	vsub.f32 v5, v4;
	v60 =	vmul.f32 v38, v38;
	v61 =	vmul.f32 v39, v39  }
0x137: {  	[tilespmem:$0x7450] =	vst v0;
	v6 =	vmul.f32 $-2.000000000e+00, v6;
	v62 =	vmul.f32 v40, v40;
	v17 =	vadd.f32 v42, v41  }
0x138: {  	[tilespmem:$0x74D0] =	vst v0;
	v5 =	vadd.f32 v56, v55;
	v63 =	vmul.f32 v43, v43;
	v3 =	vmul.f32 $-2.000000000e+00, v3  }
0x139: {  	[tilespmem:$0x7550] =	vst v0;
	v8 =	vmul.f32 v8, v8;
	v9 =	vmul.f32 v9, v9;
	v17 =	vadd.f32 v44, v17  }
0x13a: {  	[tilespmem:$0x61D0] =	vst v36;
	v4 =	vmul.f32 v4, v4;
	v18 =	vadd.f32 v46, v45;
	v10 =	vsub.f32 v48, v49  }
0x13b: {  	[tilespmem:$0x6250] =	vst v37;
	v28 =	vmul.f32 v39, v36;
	v11 =	vsub.f32 v50, v51;
	v17 =	vsub.f32 $0.0e+00, v17  }
0x13c: {  	[tilespmem:$0x62D0] =	vst v38;
	v29 =	vmul.f32 v40, v37;
	v22 =	vsub.f32 v52, v53;
	v18 =	vadd.f32 v47, v18  }
0x13d: {  	v5 =	vadd.f32 v57, v5;
	v10 =	vmul.f32 v10, v10;
	[tilespmem:$0x63D0] =	vst v17;
	v17 =	vadd.f32 v59, v58  }
0x13e: {  	[tilespmem:$0x65D0] =	vst v39;
	v11 =	vmul.f32 v11, v11;
	v54 =	vsub.f32 $0.0e+00, v18;
	v18 =	vadd.f32 v62, v61  }
0x13f: {  	v30 =	vmul.f32 v43, v38;
	[tilespmem:$0x6AD0] =	vst v3;
	v20 =	vadd.f32 v9, v8;
	v3 =	vadd.f32 v60, v17  }
0x140: {  	[tilespmem:$0x6A50] =	vst v7;
	v22 =	vmul.f32 v22, v22;
	v21 =	vadd.f32 v11, v10;
	v7 =	vadd.f32 v63, v18  }
0x141: {  	[tilespmem:$0x69D0] =	vst v6;
	v6 =	vadd.f32 v29, v28;
	v4 =	vadd.f32 v4, v20;
	vm13 =	veq.f32 v3, $0.0e+00  }
0x142: {  	[tilespmem:$0x6650] =	vst v40;
	v23 =	vadd.f32 v21, v22;
	vm14 =	veq.f32 v7, $0.0e+00;
	v24 =	vsel vm13, $0x3F800000, v3  }
0x143: {  	[tilespmem:$0x66D0] =	vst v43;
	vm15 =	veq.f32 v4, $0.0e+00;
	v25 =	vsel vm14, $0x3F800000, v7;
	(erf) = vrcp.f32 v24  }
0x144: {  	[tilespmem:$0x6BD0] =	vst v5;
	v26 =	vsel vm15, $0x3F800000, v4;
	vm4 =	veq.f32 v23, $0.0e+00;
	(erf) = vrcp.f32 v25  }
0x145: {  	v32 =	vadd.f32 v30, v6;
	[tilespmem:$0x6ED0] =	vst v4;
	v27 =	vsel vm4, $0x3F800000, v23;
	(erf) = vrcp.f32 v26  }
0x146: {  	[tilespmem:$0x6E50] =	vst v7;
	v7 =	vmul.f32 v7, v3;
	(erf) = vrcp.f32 v27  }
0x147: {  	[tilespmem:$0x6DD0] =	vst v3;
	v3 =	vsub.f32 v3, v32  }
0x148: {  	[tilespmem:$0x72D0] =	vst v32;
	v7 =	vmul.f32 $9.999999970e-07, v7  }
0x149: {  	[tilespmem:$0x7150] =	vst v3;
	v3 =	vld [tilespmem:$0x6060]  }
0x14a: {  	[tilespmem:$0x67D0] =	vst v54;
	vm5 =	vgt.f32 v23, v7  }
0x14b: {  	[tilespmem:$0x7250] =	vst v23;
	v36 =	vsel vm5, $0x0, v2  }
0x14c: {  	v37 =	vld [tilespmem:$0x60E0];
	[tilespmem:$0x71D0] =	vst v36;
	v31 =	vpop (erf)  }
0x14d: {  	v33 =	vpop (erf);
	[tilespmem:$0x6F50] =	vst v31  }
0x14e: {  	v34 =	vpop (erf);
	[tilespmem:$0x6FD0] =	vst v33  }
0x14f: {  	v38 =	vld [tilespmem:$0x6160];
	v35 =	vpop (erf);
	[tilespmem:$0x7050] =	vst v34  }
0x150: {  	[tilespmem:$0x70D0] =	vst v35  }
0x151: {  	v6 =	vld.idx.msk [tilespmem:v3+s5+$0x0], $0xffff  }
0x152: {  	v39 =	vld.idx.msk [tilespmem:v3+s15+$0x0], $0xffff  }
0x153: {  	v3 =	vld.idx.msk [tilespmem:v3+s16+$0x0], $0xffff  }
0x154: {  	v8 =	vld.idx.msk [tilespmem:v37+s5+$0x0], $0xffff  }
0x155: {  	v9 =	vld.idx.msk [tilespmem:v37+s15+$0x0], $0xffff  }
0x156: {  	v4 =	vld.idx.msk [tilespmem:v37+s16+$0x0], $0xffff  }
0x157: {  	v40 =	vld.idx.msk [tilespmem:v38+s5+$0x0], $0xffff  }
0x158: {  	v41 =	vld.idx.msk [tilespmem:v38+s15+$0x0], $0xffff  }
0x159: {  	v5 =	vld.idx.msk [tilespmem:v38+s16+$0x0], $0xffff;
	[tilespmem:$0x6360] =	vst v0  }
0x15a: {  	[tilespmem:$0x6760] =	vst v0  }
0x15b: {  	[tilespmem:$0x6B60] =	vst v1  }
0x15c: {  	[tilespmem:$0x6460] =	vst v0;
	v42 =	vsub.f32 v8, v6  }
0x15d: {  	[tilespmem:$0x64E0] =	vst v0;
	v43 =	vsub.f32 v9, v39;
	v14 =	vsub.f32 v4, v3;
	v60 =	vmul.f32 v6, v6  }
0x15e: {  	[tilespmem:$0x6560] =	vst v0;
	v44 =	vsub.f32 v40, v6;
	v61 =	vmul.f32 v39, v39;
	v62 =	vmul.f32 v3, v3  }
0x15f: {  	[tilespmem:$0x6860] =	vst v0;
	v45 =	vsub.f32 v41, v39;
	v7 =	vmul.f32 $-2.000000000e+00, v39;
	v46 =	vmul.f32 v42, v6  }
0x160: {  	[tilespmem:$0x68E0] =	vst v0;
	v48 =	vsub.f32 v5, v3;
	v47 =	vmul.f32 v43, v39;
	v49 =	vmul.f32 v14, v3  }
0x161: {  	[tilespmem:$0x6960] =	vst v0;
	v50 =	vmul.f32 v44, v6;
	v51 =	vmul.f32 v45, v39  }
0x162: {  	[tilespmem:$0x6C60] =	vst v0;
	v52 =	vmul.f32 v48, v3;
	v53 =	vmul.f32 v48, v43  }
0x163: {  	[tilespmem:$0x6CE0] =	vst v0;
	v54 =	vmul.f32 v45, v14;
	v55 =	vmul.f32 v44, v14  }
0x164: {  	[tilespmem:$0x6D60] =	vst v0;
	v56 =	vmul.f32 v48, v42;
	v57 =	vmul.f32 v45, v42  }
0x165: {  	[tilespmem:$0x7360] =	vst v0;
	v8 =	vsub.f32 v40, v8;
	v58 =	vmul.f32 v44, v43;
	v63 =	vmul.f32 v42, v42  }
0x166: {  	[tilespmem:$0x73E0] =	vst v0;
	v9 =	vsub.f32 v41, v9;
	v27 =	vmul.f32 v43, v43;
	v28 =	vmul.f32 v14, v14  }
0x167: {  	[tilespmem:$0x7460] =	vst v0;
	v4 =	vsub.f32 v5, v4;
	v29 =	vmul.f32 v44, v44;
	v6 =	vmul.f32 $-2.000000000e+00, v6  }
0x168: {  	[tilespmem:$0x74E0] =	vst v0;
	v5 =	vadd.f32 v61, v60;
	v30 =	vmul.f32 v45, v45;
	v31 =	vmul.f32 v48, v48  }
0x169: {  	[tilespmem:$0x7560] =	vst v0;
	v3 =	vmul.f32 $-2.000000000e+00, v3;
	v8 =	vmul.f32 v8, v8;
	v17 =	vadd.f32 v47, v46  }
0x16a: {  	[tilespmem:$0x61E0] =	vst v42;
	v9 =	vmul.f32 v9, v9;
	v18 =	vadd.f32 v51, v50;
	v10 =	vsub.f32 v53, v54  }
0x16b: {  	[tilespmem:$0x6260] =	vst v43;
	v42 =	vmul.f32 v44, v42;
	v11 =	vsub.f32 v55, v56;
	v22 =	vsub.f32 v57, v58  }
0x16c: {  	[tilespmem:$0x62E0] =	vst v14;
	v43 =	vmul.f32 v45, v43;
	v5 =	vadd.f32 v62, v5;
	v32 =	vadd.f32 v27, v63  }
0x16d: {  	[tilespmem:$0x65E0] =	vst v44;
	v4 =	vmul.f32 v4, v4;
	v33 =	vadd.f32 v30, v29;
	v34 =	vadd.f32 v9, v8  }
0x16e: {  	[tilespmem:$0x69E0] =	vst v6;
	v6 =	vadd.f32 v43, v42;
	v10 =	vmul.f32 v10, v10;
	v11 =	vmul.f32 v11, v11  }
0x16f: {  	v44 =	vmul.f32 v48, v14;
	[tilespmem:$0x6AE0] =	vst v3;
	v17 =	vadd.f32 v49, v17;
	v3 =	vadd.f32 v28, v32  }
0x170: {  	[tilespmem:$0x6A60] =	vst v7;
	v7 =	vadd.f32 v31, v33;
	v36 =	vmul.f32 v22, v22;
	v35 =	vadd.f32 v11, v10  }
0x171: {  	[tilespmem:$0x6660] =	vst v45;
	v18 =	vadd.f32 v52, v18;
	v4 =	vadd.f32 v4, v34;
	vm6 =	veq.f32 v3, $0.0e+00  }
0x172: {  	[tilespmem:$0x66E0] =	vst v48;
	vm7 =	veq.f32 v7, $0.0e+00;
	v38 =	vsel vm6, $0x3F800000, v3;
	v37 =	vadd.f32 v35, v36  }
0x173: {  	[tilespmem:$0x6BE0] =	vst v5;
	vm8 =	veq.f32 v4, $0.0e+00;
	v39 =	vsel vm7, $0x3F800000, v7;
	(erf) = vrcp.f32 v38  }
0x174: {  	[tilespmem:$0x6DE0] =	vst v3;
	v40 =	vsel vm8, $0x3F800000, v4;
	(erf) = vrcp.f32 v39;
	vm9 =	veq.f32 v37, $0.0e+00  }
0x175: {  	v46 =	vadd.f32 v44, v6;
	[tilespmem:$0x6E60] =	vst v7;
	(erf) = vrcp.f32 v40;
	v41 =	vsel vm9, $0x3F800000, v37  }
0x176: {  	v17 =	vsub.f32 $0.0e+00, v17;
	[tilespmem:$0x6EE0] =	vst v4;
	v7 =	vmul.f32 v7, v3;
	(erf) = vrcp.f32 v41  }
0x177: {  	[tilespmem:$0x72E0] =	vst v46;
	v3 =	vsub.f32 v3, v46  }
0x178: {  	v59 =	vsub.f32 $0.0e+00, v18;
	[tilespmem:$0x63E0] =	vst v17;
	v7 =	vmul.f32 $9.999999970e-07, v7  }
0x179: {  	[tilespmem:$0x7160] =	vst v3;
	v3 =	vld [tilespmem:$0x6070]  }
0x17a: {  	[tilespmem:$0x67E0] =	vst v59;
	vm10 =	vgt.f32 v37, v7  }
0x17b: {  	[tilespmem:$0x7260] =	vst v37;
	v50 =	vsel vm10, $0x0, v2  }
0x17c: {  	v51 =	vld [tilespmem:$0x60F0];
	[tilespmem:$0x71E0] =	vst v50;
	v45 =	vpop (erf)  }
0x17d: {  	v47 =	vpop (erf);
	[tilespmem:$0x6F60] =	vst v45  }
0x17e: {  	v48 =	vpop (erf);
	[tilespmem:$0x6FE0] =	vst v47  }
0x17f: {  	v52 =	vld [tilespmem:$0x6170];
	[tilespmem:$0x7060] =	vst v48;
	v49 =	vpop (erf)  }
0x180: {  	[tilespmem:$0x70E0] =	vst v49  }
0x181: {  	v6 =	vld.idx.msk [tilespmem:v3+s5+$0x0], $0xffff  }
0x182: {  	v53 =	vld.idx.msk [tilespmem:v3+s15+$0x0], $0xffff  }
0x183: {  	v3 =	vld.idx.msk [tilespmem:v3+s16+$0x0], $0xffff  }
0x184: {  	v8 =	vld.idx.msk [tilespmem:v51+s5+$0x0], $0xffff  }
0x185: {  	v9 =	vld.idx.msk [tilespmem:v51+s15+$0x0], $0xffff  }
0x186: {  	v4 =	vld.idx.msk [tilespmem:v51+s16+$0x0], $0xffff  }
0x187: {  	v54 =	vld.idx.msk [tilespmem:v52+s5+$0x0], $0xffff  }
0x188: {  	v55 =	vld.idx.msk [tilespmem:v52+s15+$0x0], $0xffff  }
0x189: {  	v5 =	vld.idx.msk [tilespmem:v52+s16+$0x0], $0xffff;
	[tilespmem:$0x6370] =	vst v0  }
0x18a: {  	[tilespmem:$0x6770] =	vst v0  }
0x18b: {  	[tilespmem:$0x6B70] =	vst v1  }
0x18c: {  	[tilespmem:$0x6470] =	vst v0;
	v56 =	vsub.f32 v8, v6  }
0x18d: {  	[tilespmem:$0x64F0] =	vst v0;
	v57 =	vsub.f32 v9, v53;
	v58 =	vsub.f32 v4, v3;
	v37 =	vmul.f32 v6, v6  }
0x18e: {  	[tilespmem:$0x6570] =	vst v0;
	v59 =	vsub.f32 v54, v6;
	v38 =	vmul.f32 v53, v53;
	v39 =	vmul.f32 v3, v3  }
0x18f: {  	[tilespmem:$0x6870] =	vst v0;
	v60 =	vsub.f32 v55, v53;
	v7 =	vmul.f32 $-2.000000000e+00, v53;
	v61 =	vmul.f32 v56, v6  }
0x190: {  	[tilespmem:$0x68F0] =	vst v0;
	v63 =	vsub.f32 v5, v3;
	v62 =	vmul.f32 v57, v53;
	v26 =	vmul.f32 v58, v3  }
0x191: {  	[tilespmem:$0x6970] =	vst v0;
	v27 =	vmul.f32 v59, v6;
	v28 =	vmul.f32 v60, v53  }
0x192: {  	[tilespmem:$0x6C70] =	vst v0;
	v29 =	vmul.f32 v63, v3;
	v30 =	vmul.f32 v63, v57  }
0x193: {  	[tilespmem:$0x6CF0] =	vst v0;
	v31 =	vmul.f32 v60, v58;
	v32 =	vmul.f32 v59, v58  }
0x194: {  	[tilespmem:$0x6D70] =	vst v0;
	v33 =	vmul.f32 v63, v56;
	v34 =	vmul.f32 v60, v56  }
0x195: {  	[tilespmem:$0x7370] =	vst v0;
	v8 =	vsub.f32 v54, v8;
	v35 =	vmul.f32 v59, v57;
	v40 =	vmul.f32 v56, v56  }
0x196: {  	[tilespmem:$0x73F0] =	vst v0;
	v9 =	vsub.f32 v55, v9;
	v41 =	vmul.f32 v57, v57;
	v42 =	vmul.f32 v58, v58  }
0x197: {  	[tilespmem:$0x7470] =	vst v0;
	v4 =	vsub.f32 v5, v4;
	v43 =	vmul.f32 v59, v59;
	v6 =	vmul.f32 $-2.000000000e+00, v6  }
0x198: {  	[tilespmem:$0x74F0] =	vst v0;
	v5 =	vadd.f32 v38, v37;
	v44 =	vmul.f32 v60, v60;
	v45 =	vmul.f32 v63, v63  }
0x199: {  	[tilespmem:$0x7570] =	vst v0;
	v3 =	vmul.f32 $-2.000000000e+00, v3;
	v8 =	vmul.f32 v8, v8;
	v17 =	vadd.f32 v62, v61  }
0x19a: {  	[tilespmem:$0x61F0] =	vst v56;
	v9 =	vmul.f32 v9, v9;
	v18 =	vadd.f32 v28, v27;
	v10 =	vsub.f32 v30, v31  }
0x19b: {  	[tilespmem:$0x6270] =	vst v57;
	v56 =	vmul.f32 v59, v56;
	v11 =	vsub.f32 v32, v33;
	v22 =	vsub.f32 v34, v35  }
0x19c: {  	[tilespmem:$0x62F0] =	vst v58;
	v57 =	vmul.f32 v60, v57;
	v5 =	vadd.f32 v39, v5;
	v46 =	vadd.f32 v41, v40  }
0x19d: {  	[tilespmem:$0x65F0] =	vst v59;
	v4 =	vmul.f32 v4, v4;
	v47 =	vadd.f32 v44, v43;
	v48 =	vadd.f32 v9, v8  }
0x19e: {  	[tilespmem:$0x69F0] =	vst v6;
	v6 =	vadd.f32 v57, v56;
	v10 =	vmul.f32 v10, v10;
	v11 =	vmul.f32 v11, v11  }
0x19f: {  	v58 =	vmul.f32 v63, v58;
	[tilespmem:$0x6AF0] =	vst v3;
	v17 =	vadd.f32 v26, v17;
	v3 =	vadd.f32 v42, v46  }
0x1a0: {  	[tilespmem:$0x6A70] =	vst v7;
	v7 =	vadd.f32 v45, v47;
	v50 =	vmul.f32 v22, v22;
	v49 =	vadd.f32 v11, v10  }
0x1a1: {  	[tilespmem:$0x6670] =	vst v60;
	v18 =	vadd.f32 v29, v18;
	v4 =	vadd.f32 v4, v48;
	vm11 =	veq.f32 v3, $0.0e+00  }
0x1a2: {  	[tilespmem:$0x66F0] =	vst v63;
	vm12 =	veq.f32 v7, $0.0e+00;
	v52 =	vsel vm11, $0x3F800000, v3;
	v51 =	vadd.f32 v49, v50  }
0x1a3: {  	[tilespmem:$0x6BF0] =	vst v5;
	vm13 =	veq.f32 v4, $0.0e+00;
	v53 =	vsel vm12, $0x3F800000, v7;
	(erf) = vrcp.f32 v52  }
0x1a4: {  	[tilespmem:$0x6DF0] =	vst v3;
	v54 =	vsel vm13, $0x3F800000, v4;
	(erf) = vrcp.f32 v53;
	vm14 =	veq.f32 v51, $0.0e+00  }
0x1a5: {  	v6 =	vadd.f32 v58, v6;
	[tilespmem:$0x6E70] =	vst v7;
	(erf) = vrcp.f32 v54;
	v55 =	vsel vm14, $0x3F800000, v51  }
0x1a6: {  	v17 =	vsub.f32 $0.0e+00, v17;
	[tilespmem:$0x6EF0] =	vst v4;
	v7 =	vmul.f32 v7, v3;
	(erf) = vrcp.f32 v55  }
0x1a7: {  	v36 =	vsub.f32 $0.0e+00, v18;
	[tilespmem:$0x72F0] =	vst v6  }
0x1a8: {  	v3 =	vsub.f32 v3, v6;
	[tilespmem:$0x63F0] =	vst v17;
	v7 =	vmul.f32 $9.999999970e-07, v7  }
0x1a9: {  	[tilespmem:$0x67F0] =	vst v36  }
0x1aa: {  	[tilespmem:$0x7170] =	vst v3;
	vm15 =	vgt.f32 v51, v7  }
0x1ab: {  	[tilespmem:$0x7270] =	vst v51;
	v63 =	vsel vm15, $0x0, v2  }
0x1ac: {  	[tilespmem:$0x71F0] =	vst v63;
	v59 =	vpop (erf)  }
0x1ad: {  	v60 =	vpop (erf);
	[tilespmem:$0x6F70] =	vst v59  }
0x1ae: {  	v61 =	vpop (erf);
	[tilespmem:$0x6FF0] =	vst v60  }
0x1af: {  	[tilespmem:$0x7070] =	vst v61;
	v62 =	vpop (erf)  }
0x1b0: {  	[tilespmem:$0x70F0] =	vst v62  }
0x1b1: {  	[hbm4b:s7+s5] =	stream.linear.scatter [tilespmem:s20], [sflag:$0x1], $0x400, $0x38;
	[tilespmem:$0x7580] =	vst v63  }
0x1b2: {  	_ =	swait.ge [sflag:s14], $0x400  }
0x1b3: {  	[sflag:s14] =	ssyncset.done $0x0  }
0x1b4: {  	[sflag:s14] =	ssyncadd.s32 $0xFFFFFC00  }
0x1b5: {  	[hbm4b:s10+s5] =	stream.linear.scatter [tilespmem:s21], [sflag:$0x1], $0x400, $0x38;
	[tilespmem:$0x7580] =	vst v63  }
0x1b6: {  	_ =	swait.ge [sflag:s14], $0x400  }
0x1b7: {  	[sflag:s14] =	ssyncset.done $0x0  }
0x1b8: {  	[sflag:s14] =	ssyncadd.s32 $0xFFFFFC00  }
0x1b9: {  	[hbm4b:s11+s5] =	stream.linear.scatter [tilespmem:s22], [sflag:$0x1], $0x400, $0x38;
	[tilespmem:$0x7580] =	vst v63  }
0x1ba: {  	_ =	swait.ge [sflag:s14], $0x400  }
0x1bb: {  	p0 =	sne.s32 s13, $0x1;
	[sflag:s14] =	ssyncset.done $0x0  }
.Ltmp0:
0x1bc: {  	[sflag:s14] =	ssyncadd.s32 $0xFFFFFC00;
	(pc) =	sbr.rel @p0 .LBB2_1-.Ltmp0, $4  }
0x1bd: {  	[hbm4b:s12+s23] =	stream.strided.scatter [tilespmem:s25], [sflag:$0x1], $0x800, s24, s23, $0x38;
	[tilespmem:$0x7580] =	vst v63  }
0x1be: {  	_ =	swait.ge [sflag:s14], $0x800  }
0x1bf: {  	[sflag:s14] =	ssyncset.done $0x0  }
0x1c0: {  	s13 =	sadd.s32 $0xFFFFFFFF, s13;
	[sflag:s14] =	ssyncadd.s32 $0xFFFFF800  }
0x1c1: {  	_ =	sfence.sel $0x180000  }
0x1c2: {  	[bflag:$0x0] =	sbarrier.arrive $0xFFFF  }
0x1c3: {  	p0 =	sne.s32 s4, $0x0;
	_ =	strace $0x90000047  }
0x1c4: {  	s0 =	sadd.s32 @!p0 $0x100000, s2;
	[bflag:$0x2] =	sbarrier.arrive $0xFFFF  }
0x1c5: {  	[sflag:s0] =	ssyncadd.tile.s32 @!p0 $0x1;
	_ =	shalt  }
.Lfunc_end2:
_tile_overlayer_lowered:
.L_overlay_start_2:
0x1c6: {  	(tag) =	ssettag $0x2  }
0x1c7: {  	s0 =	rddreg [dreg:$0x0];
	s2 =	stileid.u32  }
0x1c8: {  	s1 =	rddreg [dreg:$0x1];
	p0 =	sne.s32 s2, $0x0  }
0x1c9: {  	s3 =	rddreg [dreg:$0x2];
	[bflag:$0x3] =	sbarrier.arrive $0xFFFF;
	s2 =	simm.s32 @!p0 $0x1C01  }
0x1ca: {  	[timem:s3], [sflag:s2] =	dma.local @!p0 [hbm:s0], s1  }
0x1cb: {  	s0 =	simm.s32 @!p0 $0x1  }
0x1cc: {  	_ =	swait.ge @!p0 [sflag:s0], s1  }
0x1cd: {  	s1 =	ssub.s32 @!p0 $0x0, s1;
	[sflag:s0] =	ssyncset.done @!p0 $0x0  }
0x1ce: {  	[sflag:s0] =	ssyncadd.s32 @!p0 s1  }
0x1cf: {  	[bflag:$0x3] =	sbarrier.arrive $0xFFFF  }
0x1d0: {  	_ =	shalt  }

</sc_bundles>
